<compile_context>
chip_gen: v7x
topology: tpu7x:2x2x1
jax: 0.10.2.dev20260603
libtpu: 0.0.44.dev20260713+nightly
codegen_flags: <defaults>
</compile_context>

<pallas_src>
import functools

import jax
import jax.numpy as jnp
from jax import lax
from jax.experimental import pallas as pl
from jax.experimental.pallas import tpu as pltpu
from jax.experimental.pallas import tpu_sc as plsc

N_NODES = 10000
N_EDGES = 320000
D = 128

NC = 2
NS = 16
NW = NC * NS
EPW = N_EDGES // NW
K = 80
G = 25
NG = EPW // (G * K)
NCH = NG * G
NP = 10240
RPS = NP // NS
ZR = 80

K3 = 80
G3 = 25
NG3 = EPW // (G3 * K3)

_mesh = plsc.VectorSubcoreMesh(
    core_axis_name="c", subcore_axis_name="s", num_cores=NC, num_subcores=NS
)


NBUF = 4


def _sc_aggregate_body(x_hbm, eidx_hbm, out_hbm,
                       sidx_v, didx_v, rows0, rows1, rows2, rows3,
                       acc, sem0, sem1, sem2, sem3):
    c = lax.axis_index("c")
    s = lax.axis_index("s")
    wid = s * NC + c
    rows = (rows0, rows1, rows2, rows3)
    sems = (sem0, sem1, sem2, sem3)

    z16 = jnp.zeros((16,), jnp.float32)

    @pl.loop(0, ZR)
    def _fill(i):
        for j in range(D // 16):
            rows0[i, pl.ds(j * 16, 16)] = z16

    for t in range(RPS // ZR):
        pltpu.sync_copy(rows0, acc.at[pl.ds(s * RPS + t * ZR, ZR)])
    plsc.subcore_barrier()

    @pl.loop(0, NG)
    def _group(g):
        pltpu.sync_copy(eidx_hbm.at[0, wid, g], sidx_v)
        pltpu.sync_copy(eidx_hbm.at[1, wid, g], didx_v)
        for b in range(NBUF):
            pltpu.async_copy(x_hbm.at[sidx_v.at[b]], rows[b], sems[b])

        @pl.loop(0, (G - NBUF - 1) // NBUF)
        def _quad(i):
            j0 = NBUF * i
            for b in range(NBUF):
                pltpu.make_async_copy(x_hbm.at[sidx_v.at[j0 + b]], rows[b],
                                      sems[b]).wait()
                pltpu.sync_copy(rows[b], acc.at[didx_v.at[j0 + b]], add=True)
                pltpu.async_copy(x_hbm.at[sidx_v.at[j0 + NBUF + b]], rows[b],
                                 sems[b])

        pltpu.make_async_copy(x_hbm.at[sidx_v.at[G - 5]], rows[0],
                              sems[0]).wait()
        pltpu.sync_copy(rows[0], acc.at[didx_v.at[G - 5]], add=True)
        pltpu.async_copy(x_hbm.at[sidx_v.at[G - 1]], rows[0], sems[0])
        for b in range(1, NBUF):
            pltpu.make_async_copy(x_hbm.at[sidx_v.at[G - 5 + b]], rows[b],
                                  sems[b]).wait()
            pltpu.sync_copy(rows[b], acc.at[didx_v.at[G - 5 + b]], add=True)
        pltpu.make_async_copy(x_hbm.at[sidx_v.at[G - 1]], rows[0],
                              sems[0]).wait()
        pltpu.sync_copy(rows[0], acc.at[didx_v.at[G - 1]], add=True)

    plsc.subcore_barrier()
    pltpu.sync_copy(acc.at[pl.ds(s * RPS, RPS)],
                    out_hbm.at[c, pl.ds(s * RPS, RPS)])


_sc_aggregate = pl.kernel(
    _sc_aggregate_body,
    out_type=jax.ShapeDtypeStruct((NC, NP, D), jnp.float32),
    mesh=_mesh,
    scratch_types=[
        pltpu.VMEM((G, K), jnp.int32),
        pltpu.VMEM((G, K), jnp.int32),
        pltpu.VMEM((K, D), jnp.float32),
        pltpu.VMEM((K, D), jnp.float32),
        pltpu.VMEM((K, D), jnp.float32),
        pltpu.VMEM((K, D), jnp.float32),
        pltpu.MemorySpace.VMEM_SHARED((NP, D), jnp.float32),
        pltpu.SemaphoreType.DMA,
        pltpu.SemaphoreType.DMA,
        pltpu.SemaphoreType.DMA,
        pltpu.SemaphoreType.DMA,
    ],
)


def _tc_mlp_body(scale_ref, x_ref, p0_ref, p1_ref, w1_ref, b1_ref,
                 w2_ref, b2_ref, wfcT_ref, bsT_ref, s_ref):
    h = x_ref[...] * scale_ref[0] + p0_ref[0] + p1_ref[0]
    h = jnp.maximum(
        jnp.dot(h, w1_ref[...], preferred_element_type=jnp.float32)
        + b1_ref[...], 0.0)
    h = jnp.maximum(
        jnp.dot(h, w2_ref[...], preferred_element_type=jnp.float32)
        + b2_ref[...], 0.0)
    s_ref[...] = (
        lax.dot_general(wfcT_ref[...], h, (((1,), (1,)), ((), ())),
                        preferred_element_type=jnp.float32)
        + bsT_ref[...])


_RB = 2048

_tc_mlp = pl.pallas_call(
    _tc_mlp_body,
    grid=(pl.cdiv(N_NODES, _RB),),
    in_specs=[
        pl.BlockSpec(memory_space=pltpu.MemorySpace.SMEM),
        pl.BlockSpec((_RB, D), lambda i: (i, 0)),
        pl.BlockSpec((1, _RB, D), lambda i: (0, i, 0)),
        pl.BlockSpec((1, _RB, D), lambda i: (1, i, 0)),
        pl.BlockSpec((D, D), lambda i: (0, 0)),
        pl.BlockSpec((1, D), lambda i: (0, 0)),
        pl.BlockSpec((D, D), lambda i: (0, 0)),
        pl.BlockSpec((1, D), lambda i: (0, 0)),
        pl.BlockSpec((8, D), lambda i: (0, 0)),
        pl.BlockSpec((8, 1), lambda i: (0, 0)),
    ],
    out_specs=pl.BlockSpec((8, _RB), lambda i: (0, i)),
    out_shape=jax.ShapeDtypeStruct((8, N_NODES), jnp.float32),
)


def _sc_scores_body(st_hbm, eidx_hbm, out_hbm,
                    sidx_v, didx_v, out_v, s1_sh, s2_sh,
                    sem0, sem1, sem2, sem3, sem4, sem5):
    c = lax.axis_index("c")
    s = lax.axis_index("s")
    wid = s * NC + c

    @pl.when(s == 0)
    def _stage():
        pltpu.sync_copy(st_hbm.at[0], s1_sh)
        pltpu.sync_copy(st_hbm.at[1], s2_sh)

    plsc.subcore_barrier()

    @pl.loop(0, NG3)
    def _group(g):
        pltpu.sync_copy(eidx_hbm.at[0, wid, g], sidx_v)
        pltpu.sync_copy(eidx_hbm.at[1, wid, g], didx_v)
        base = g * G3 * K3
        s1sems = (sem0, sem1, sem2)
        s2sems = (sem3, sem4, sem5)

        def _sl(j):
            return out_v.at[pl.ds(base + j * K3, K3)]

        for j in range(3):
            pltpu.async_copy(s1_sh.at[sidx_v.at[j]], _sl(j), s1sems[j])

        @pl.loop(0, (G3 - 4) // 3)
        def _trip(i):
            j0 = 3 * i
            for b in range(3):
                j = j0 + b
                pltpu.make_async_copy(s1_sh.at[sidx_v.at[j]], _sl(j),
                                      s1sems[b]).wait()
                @pl.when(i > 0)
                def _():
                    pltpu.make_async_copy(s2_sh.at[didx_v.at[j - 3]],
                                          _sl(j - 3), s2sems[b]).wait()
                pltpu.async_copy(s2_sh.at[didx_v.at[j]], _sl(j), s2sems[b],
                                 add=True)
                pltpu.async_copy(s1_sh.at[sidx_v.at[j + 3]], _sl(j + 3),
                                 s1sems[b])

        for j in range(G3 - 4, G3):
            b = j % 3
            if j == G3 - 1:
                pltpu.async_copy(s1_sh.at[sidx_v.at[j]], _sl(j), s1sems[b])
            pltpu.make_async_copy(s1_sh.at[sidx_v.at[j]], _sl(j),
                                  s1sems[b]).wait()
            pltpu.make_async_copy(s2_sh.at[didx_v.at[j - 3]], _sl(j - 3),
                                  s2sems[b]).wait()
            pltpu.async_copy(s2_sh.at[didx_v.at[j]], _sl(j), s2sems[b],
                             add=True)
        for j in range(G3 - 3, G3):
            b = j % 3
            pltpu.make_async_copy(s2_sh.at[didx_v.at[j]], _sl(j),
                                  s2sems[b]).wait()

    pltpu.sync_copy(out_v, out_hbm.at[pl.ds(wid * EPW, EPW)])


_sc_scores = pl.kernel(
    _sc_scores_body,
    out_type=jax.ShapeDtypeStruct((N_EDGES,), jnp.float32),
    mesh=_mesh,
    scratch_types=[
        pltpu.VMEM((G3, K3), jnp.int32),
        pltpu.VMEM((G3, K3), jnp.int32),
        pltpu.VMEM((EPW,), jnp.float32),
        pltpu.MemorySpace.VMEM_SHARED((N_NODES,), jnp.float32),
        pltpu.MemorySpace.VMEM_SHARED((N_NODES,), jnp.float32),
        pltpu.SemaphoreType.DMA,
        pltpu.SemaphoreType.DMA,
        pltpu.SemaphoreType.DMA,
        pltpu.SemaphoreType.DMA,
        pltpu.SemaphoreType.DMA,
        pltpu.SemaphoreType.DMA,
    ],
)


def kernel(x, edge_index, eps, W1, b1, W2, b2, Wfc, bfc):
    edge_r = edge_index.astype(jnp.int32).reshape(2, NW, NG, G, K)

    parts = _sc_aggregate(x, edge_r)

    scale = (1.0 + eps).reshape(1).astype(jnp.float32)
    wfcT = jnp.pad(Wfc.reshape(2, D), ((0, 6), (0, 0)))
    bsT = jnp.zeros((8, 1), jnp.float32).at[0, 0].set(bfc[0])
    S_T = _tc_mlp(scale, x, parts, parts, W1, b1.reshape(1, D),
                  W2, b2.reshape(1, D), wfcT, bsT)

    return _sc_scores(S_T, edge_r)

# --- scband reference (transcript-rebuilt; emitter-appended) ---
"""Pipeline reference for scband-ginmodel-24867860644187 (READ-ONLY COPY).

The authoritative reference and input builder live on the scoring server;
editing this copy changes nothing except your own understanding.
"""

import jax, jax.numpy as jnp
import numpy as np

N_NODES = 10000
N_EDGES = 320000
D_FEAT = 128
HIDDEN = 128


def setup_inputs(seed: int = 0) -> dict:
    key = jax.random.key(seed)
    ks = jax.random.split(key, 8)
    x = jax.random.normal(ks[0], (N_NODES, D_FEAT), dtype=jnp.float32)
    edge_index = jax.random.randint(ks[1], (2, N_EDGES), 0, N_NODES, dtype=jnp.int64 if jax.config.read('jax_enable_x64') else jnp.int32)
    # GINConv MLP params: Linear(num_features, hidden), ReLU, Linear(hidden, hidden)
    W1 = jax.random.normal(ks[2], (D_FEAT, HIDDEN), dtype=jnp.float32) * (1.0 / np.sqrt(D_FEAT))
    b1 = jnp.zeros((HIDDEN,), dtype=jnp.float32)
    W2 = jax.random.normal(ks[3], (HIDDEN, HIDDEN), dtype=jnp.float32) * (1.0 / np.sqrt(HIDDEN))
    b2 = jnp.zeros((HIDDEN,), dtype=jnp.float32)
    eps = jnp.zeros((), dtype=jnp.float32)  # train_eps=True, initialized to 0
    Wfc = jax.random.normal(ks[4], (2 * HIDDEN, 1), dtype=jnp.float32) * (1.0 / np.sqrt(2 * HIDDEN))
    bfc = jnp.zeros((1,), dtype=jnp.float32)
    return {"x": x, "edge_index": edge_index, "eps": eps, "W1": W1, "b1": b1, "W2": W2, "b2": b2, "Wfc": Wfc, "bfc": bfc}


def reference(x, edge_index, eps, W1, b1, W2, b2, Wfc, bfc):
    src = edge_index[0]
    dst = edge_index[1]
    # GINConv: aggregate (sum) messages x[src] into dst nodes
    aggr = jax.ops.segment_sum(jnp.take(x, src, axis=0), dst, num_segments=x.shape[0])
    h = (1.0 + eps) * x + aggr
    # MLP: Linear -> ReLU -> Linear
    h = jnp.maximum(h @ W1 + b1, 0.0)
    h = h @ W2 + b2
    # F.relu after conv
    h = jnp.maximum(h, 0.0)
    # F.dropout(training=False) -> identity in eval mode
    # edge representation: concat of endpoint features, gather on both ends
    edge_rep = jnp.concatenate([jnp.take(h, src, axis=0), jnp.take(h, dst, axis=0)], axis=1)
    edge_scores = (edge_rep @ Wfc + bfc).squeeze(-1)
    return edge_scores

if __name__ == "__main__":
    import jax
    _d = setup_inputs()
    print(jax.jit(kernel)(*tuple(_d.values())))

</pallas_src>

<mosaic_0001>
#map = affine_map<(d0, d1) -> (0, 0)>
#map1 = affine_map<(d0, d1) -> (0, 0, 0, 0, 0)>
#map2 = affine_map<(d0, d1) -> (0, 0, 0)>
module attributes {stable_mosaic.version = 14 : i64} {
  func.func @_sc_aggregate_body(%arg0: i32, %arg1: i32, %arg2: memref<10000x128xf32, #tpu.memory_space<hbm>>, %arg3: memref<2x32x5x25x80xi32, #tpu.memory_space<hbm>>, %arg4: memref<2x10240x128xf32, #tpu.memory_space<hbm>>, %arg5: memref<25x80xi32, #tpu.memory_space<vmem>>, %arg6: memref<25x80xi32, #tpu.memory_space<vmem>>, %arg7: memref<80x128xf32, #tpu.memory_space<vmem>>, %arg8: memref<80x128xf32, #tpu.memory_space<vmem>>, %arg9: memref<80x128xf32, #tpu.memory_space<vmem>>, %arg10: memref<80x128xf32, #tpu.memory_space<vmem>>, %arg11: memref<10240x128xf32, #tpu.memory_space<vmem_shared>>, %arg12: memref<!tpu.dma_semaphore, #tpu.memory_space<semaphore_mem>>, %arg13: memref<!tpu.dma_semaphore, #tpu.memory_space<semaphore_mem>>, %arg14: memref<!tpu.dma_semaphore, #tpu.memory_space<semaphore_mem>>, %arg15: memref<!tpu.dma_semaphore, #tpu.memory_space<semaphore_mem>>) attributes {dimension_semantics = [#tpu.dimension_semantics<core_parallel>, #tpu.dimension_semantics<subcore_parallel>], iteration_bounds = array<i64: 2, 16>, scalar_prefetch = 0 : i64, scratch_operands = 11 : i64, tpu.core_type = #tpu.core_type<sc_vector_subcore>, window_params = [{transform_indices = #map}, {transform_indices = #map1}, {transform_indices = #map2}]} {
    %mul3A = arith.constant 2 : i32
    %mul3A_0 = arith.muli %arg1, %mul3A : i32
    %add3A = arith.addi %mul3A_0, %arg0 : i32
    %broadcast_in_dim3A = arith.constant 0.000000e+00 : f32
    %broadcast_in_dim3A_1 = vector.broadcast %broadcast_in_dim3A : f32 to vector<16xf32>
    %scan3A = arith.constant 0 : i32
    %scan3A_2 = arith.constant 80 : i32
    %scan3A_3 = arith.addi %scan3A, %scan3A_2 : i32
    %scan3A_4 = arith.constant 1 : i32
    scf.for %scan3A_48 = %scan3A to %scan3A_3 step %scan3A_4  : i32 {
      %mul3A_49 = arith.constant 1 : i32
      %mul3A_50 = arith.muli %scan3A_48, %mul3A_49 : i32
      %add3A_51 = arith.constant 0 : i32
      %add3A_52 = arith.addi %add3A_51, %mul3A_50 : i32
      %swap3A = arith.index_cast %add3A_52 : i32 to index
      %swap3A_53 = arith.constant 0 : index
      %swap3A_54 = tpu.vector_load %arg7[%swap3A, %swap3A_53] {strides = array<i32>} : memref<80x128xf32, #tpu.memory_space<vmem>>, vector<1x16xf32>,
      %swap3A_55 = vector.shape_cast %swap3A_54 : vector<1x16xf32> to vector<16xf32>
      %swap3A_56 = vector.shape_cast %broadcast_in_dim3A_1 : vector<16xf32> to vector<1x16xf32>
      tpu.vector_store %arg7[%swap3A, %swap3A_53], %swap3A_56 {strides = array<i32>} : memref<80x128xf32, #tpu.memory_space<vmem>>, vector<1x16xf32>,
      %swap3A_57 = arith.index_cast %add3A_52 : i32 to index
      %swap3A_58 = arith.constant 16 : index
      %swap3A_59 = tpu.vector_load %arg7[%swap3A_57, %swap3A_58] {strides = array<i32>} : memref<80x128xf32, #tpu.memory_space<vmem>>, vector<1x16xf32>,
      %swap3A_60 = vector.shape_cast %swap3A_59 : vector<1x16xf32> to vector<16xf32>
      %swap3A_61 = vector.shape_cast %broadcast_in_dim3A_1 : vector<16xf32> to vector<1x16xf32>
      tpu.vector_store %arg7[%swap3A_57, %swap3A_58], %swap3A_61 {strides = array<i32>} : memref<80x128xf32, #tpu.memory_space<vmem>>, vector<1x16xf32>,
      %swap3A_62 = arith.index_cast %add3A_52 : i32 to index
      %swap3A_63 = arith.constant 32 : index
      %swap3A_64 = tpu.vector_load %arg7[%swap3A_62, %swap3A_63] {strides = array<i32>} : memref<80x128xf32, #tpu.memory_space<vmem>>, vector<1x16xf32>,
      %swap3A_65 = vector.shape_cast %swap3A_64 : vector<1x16xf32> to vector<16xf32>
      %swap3A_66 = vector.shape_cast %broadcast_in_dim3A_1 : vector<16xf32> to vector<1x16xf32>
      tpu.vector_store %arg7[%swap3A_62, %swap3A_63], %swap3A_66 {strides = array<i32>} : memref<80x128xf32, #tpu.memory_space<vmem>>, vector<1x16xf32>,
      %swap3A_67 = arith.index_cast %add3A_52 : i32 to index
      %swap3A_68 = arith.constant 48 : index
      %swap3A_69 = tpu.vector_load %arg7[%swap3A_67, %swap3A_68] {strides = array<i32>} : memref<80x128xf32, #tpu.memory_space<vmem>>, vector<1x16xf32>,
      %swap3A_70 = vector.shape_cast %swap3A_69 : vector<1x16xf32> to vector<16xf32>
      %swap3A_71 = vector.shape_cast %broadcast_in_dim3A_1 : vector<16xf32> to vector<1x16xf32>
      tpu.vector_store %arg7[%swap3A_67, %swap3A_68], %swap3A_71 {strides = array<i32>} : memref<80x128xf32, #tpu.memory_space<vmem>>, vector<1x16xf32>,
      %swap3A_72 = arith.index_cast %add3A_52 : i32 to index
      %swap3A_73 = arith.constant 64 : index
      %swap3A_74 = tpu.vector_load %arg7[%swap3A_72, %swap3A_73] {strides = array<i32>} : memref<80x128xf32, #tpu.memory_space<vmem>>, vector<1x16xf32>,
      %swap3A_75 = vector.shape_cast %swap3A_74 : vector<1x16xf32> to vector<16xf32>
      %swap3A_76 = vector.shape_cast %broadcast_in_dim3A_1 : vector<16xf32> to vector<1x16xf32>
      tpu.vector_store %arg7[%swap3A_72, %swap3A_73], %swap3A_76 {strides = array<i32>} : memref<80x128xf32, #tpu.memory_space<vmem>>, vector<1x16xf32>,
      %swap3A_77 = arith.index_cast %add3A_52 : i32 to index
      %swap3A_78 = arith.constant 80 : index
      %swap3A_79 = tpu.vector_load %arg7[%swap3A_77, %swap3A_78] {strides = array<i32>} : memref<80x128xf32, #tpu.memory_space<vmem>>, vector<1x16xf32>,
      %swap3A_80 = vector.shape_cast %swap3A_79 : vector<1x16xf32> to vector<16xf32>
      %swap3A_81 = vector.shape_cast %broadcast_in_dim3A_1 : vector<16xf32> to vector<1x16xf32>
      tpu.vector_store %arg7[%swap3A_77, %swap3A_78], %swap3A_81 {strides = array<i32>} : memref<80x128xf32, #tpu.memory_space<vmem>>, vector<1x16xf32>,
      %swap3A_82 = arith.index_cast %add3A_52 : i32 to index
      %swap3A_83 = arith.constant 96 : index
      %swap3A_84 = tpu.vector_load %arg7[%swap3A_82, %swap3A_83] {strides = array<i32>} : memref<80x128xf32, #tpu.memory_space<vmem>>, vector<1x16xf32>,
      %swap3A_85 = vector.shape_cast %swap3A_84 : vector<1x16xf32> to vector<16xf32>
      %swap3A_86 = vector.shape_cast %broadcast_in_dim3A_1 : vector<16xf32> to vector<1x16xf32>
      tpu.vector_store %arg7[%swap3A_82, %swap3A_83], %swap3A_86 {strides = array<i32>} : memref<80x128xf32, #tpu.memory_space<vmem>>, vector<1x16xf32>,
      %swap3A_87 = arith.index_cast %add3A_52 : i32 to index
      %swap3A_88 = arith.constant 112 : index
      %swap3A_89 = tpu.vector_load %arg7[%swap3A_87, %swap3A_88] {strides = array<i32>} : memref<80x128xf32, #tpu.memory_space<vmem>>, vector<1x16xf32>,
      %swap3A_90 = vector.shape_cast %swap3A_89 : vector<1x16xf32> to vector<16xf32>
      %swap3A_91 = vector.shape_cast %broadcast_in_dim3A_1 : vector<16xf32> to vector<1x16xf32>
      tpu.vector_store %arg7[%swap3A_87, %swap3A_88], %swap3A_91 {strides = array<i32>} : memref<80x128xf32, #tpu.memory_space<vmem>>, vector<1x16xf32>,
    }
    %scan3A_5 = arith.constant 80 : i32
    %mul3A_6 = arith.constant 640 : i32
    %mul3A_7 = arith.muli %arg1, %mul3A_6 : i32
    %add3A_8 = arith.constant 0 : i32
    %add3A_9 = arith.addi %mul3A_7, %add3A_8 : i32
    "tpu.region"() ({
      %run_scoped3A = tpu.sem_alloc : memref<!tpu.dma_semaphore, #tpu.memory_space<semaphore_mem>>
      %dma_start3A = arith.constant 0 : i32
      %dma_start3A_48 = tpu.memref_slice %arg11[%add3A_9, %dma_start3A] : memref<10240x128xf32, #tpu.memory_space<vmem_shared>> -> memref<80x128xf32, #tpu.memory_space<vmem_shared>>
      %dma_start3A_49 = arith.constant 0 : i32
      %dma_start3A_50 = tpu.memref_slice %arg11[%add3A_9, %dma_start3A_49] : memref<10240x128xf32, #tpu.memory_space<vmem_shared>> -> memref<80x128xf32, #tpu.memory_space<vmem_shared>>
      tpu.enqueue_dma source(%arg7 : memref<80x128xf32, #tpu.memory_space<vmem>>) target(%dma_start3A_50 : memref<80x128xf32, #tpu.memory_space<vmem_shared>>) target_semaphore(%run_scoped3A : memref<!tpu.dma_semaphore, #tpu.memory_space<semaphore_mem>>)
      %dma_wait3A = arith.constant 0 : i32
      %dma_wait3A_51 = tpu.memref_slice %arg11[%add3A_9, %dma_wait3A] : memref<10240x128xf32, #tpu.memory_space<vmem_shared>> -> memref<80x128xf32, #tpu.memory_space<vmem_shared>>
      %dma_wait3A_52 = arith.constant 0 : i32
      %dma_wait3A_53 = tpu.memref_slice %arg11[%add3A_9, %dma_wait3A_52] : memref<10240x128xf32, #tpu.memory_space<vmem_shared>> -> memref<80x128xf32, #tpu.memory_space<vmem_shared>>
      tpu.wait_dma2 semaphore(%run_scoped3A : memref<!tpu.dma_semaphore, #tpu.memory_space<semaphore_mem>>) src(%arg7 : memref<80x128xf32, #tpu.memory_space<vmem>>) dst(%dma_wait3A_53 : memref<80x128xf32, #tpu.memory_space<vmem_shared>>)
      tpu.yield
    }) : () -> ()
    %mul3A_10 = arith.constant 640 : i32
    %mul3A_11 = arith.muli %arg1, %mul3A_10 : i32
    %add3A_12 = arith.constant 80 : i32
    %add3A_13 = arith.addi %mul3A_11, %add3A_12 : i32
    "tpu.region"() ({
      %run_scoped3A = tpu.sem_alloc : memref<!tpu.dma_semaphore, #tpu.memory_space<semaphore_mem>>
      %dma_start3A = arith.constant 0 : i32
      %dma_start3A_48 = tpu.memref_slice %arg11[%add3A_13, %dma_start3A] : memref<10240x128xf32, #tpu.memory_space<vmem_shared>> -> memref<80x128xf32, #tpu.memory_space<vmem_shared>>
      %dma_start3A_49 = arith.constant 0 : i32
      %dma_start3A_50 = tpu.memref_slice %arg11[%add3A_13, %dma_start3A_49] : memref<10240x128xf32, #tpu.memory_space<vmem_shared>> -> memref<80x128xf32, #tpu.memory_space<vmem_shared>>
      tpu.enqueue_dma source(%arg7 : memref<80x128xf32, #tpu.memory_space<vmem>>) target(%dma_start3A_50 : memref<80x128xf32, #tpu.memory_space<vmem_shared>>) target_semaphore(%run_scoped3A : memref<!tpu.dma_semaphore, #tpu.memory_space<semaphore_mem>>)
      %dma_wait3A = arith.constant 0 : i32
      %dma_wait3A_51 = tpu.memref_slice %arg11[%add3A_13, %dma_wait3A] : memref<10240x128xf32, #tpu.memory_space<vmem_shared>> -> memref<80x128xf32, #tpu.memory_space<vmem_shared>>
      %dma_wait3A_52 = arith.constant 0 : i32
      %dma_wait3A_53 = tpu.memref_slice %arg11[%add3A_13, %dma_wait3A_52] : memref<10240x128xf32, #tpu.memory_space<vmem_shared>> -> memref<80x128xf32, #tpu.memory_space<vmem_shared>>
      tpu.wait_dma2 semaphore(%run_scoped3A : memref<!tpu.dma_semaphore, #tpu.memory_space<semaphore_mem>>) src(%arg7 : memref<80x128xf32, #tpu.memory_space<vmem>>) dst(%dma_wait3A_53 : memref<80x128xf32, #tpu.memory_space<vmem_shared>>)
      tpu.yield
    }) : () -> ()
    %mul3A_14 = arith.constant 640 : i32
    %mul3A_15 = arith.muli %arg1, %mul3A_14 : i32
    %add3A_16 = arith.constant 160 : i32
    %add3A_17 = arith.addi %mul3A_15, %add3A_16 : i32
    "tpu.region"() ({
      %run_scoped3A = tpu.sem_alloc : memref<!tpu.dma_semaphore, #tpu.memory_space<semaphore_mem>>
      %dma_start3A = arith.constant 0 : i32
      %dma_start3A_48 = tpu.memref_slice %arg11[%add3A_17, %dma_start3A] : memref<10240x128xf32, #tpu.memory_space<vmem_shared>> -> memref<80x128xf32, #tpu.memory_space<vmem_shared>>
      %dma_start3A_49 = arith.constant 0 : i32
      %dma_start3A_50 = tpu.memref_slice %arg11[%add3A_17, %dma_start3A_49] : memref<10240x128xf32, #tpu.memory_space<vmem_shared>> -> memref<80x128xf32, #tpu.memory_space<vmem_shared>>
      tpu.enqueue_dma source(%arg7 : memref<80x128xf32, #tpu.memory_space<vmem>>) target(%dma_start3A_50 : memref<80x128xf32, #tpu.memory_space<vmem_shared>>) target_semaphore(%run_scoped3A : memref<!tpu.dma_semaphore, #tpu.memory_space<semaphore_mem>>)
      %dma_wait3A = arith.constant 0 : i32
      %dma_wait3A_51 = tpu.memref_slice %arg11[%add3A_17, %dma_wait3A] : memref<10240x128xf32, #tpu.memory_space<vmem_shared>> -> memref<80x128xf32, #tpu.memory_space<vmem_shared>>
      %dma_wait3A_52 = arith.constant 0 : i32
      %dma_wait3A_53 = tpu.memref_slice %arg11[%add3A_17, %dma_wait3A_52] : memref<10240x128xf32, #tpu.memory_space<vmem_shared>> -> memref<80x128xf32, #tpu.memory_space<vmem_shared>>
      tpu.wait_dma2 semaphore(%run_scoped3A : memref<!tpu.dma_semaphore, #tpu.memory_space<semaphore_mem>>) src(%arg7 : memref<80x128xf32, #tpu.memory_space<vmem>>) dst(%dma_wait3A_53 : memref<80x128xf32, #tpu.memory_space<vmem_shared>>)
      tpu.yield
    }) : () -> ()
    %mul3A_18 = arith.constant 640 : i32
    %mul3A_19 = arith.muli %arg1, %mul3A_18 : i32
    %add3A_20 = arith.constant 240 : i32
    %add3A_21 = arith.addi %mul3A_19, %add3A_20 : i32
    "tpu.region"() ({
      %run_scoped3A = tpu.sem_alloc : memref<!tpu.dma_semaphore, #tpu.memory_space<semaphore_mem>>
      %dma_start3A = arith.constant 0 : i32
      %dma_start3A_48 = tpu.memref_slice %arg11[%add3A_21, %dma_start3A] : memref<10240x128xf32, #tpu.memory_space<vmem_shared>> -> memref<80x128xf32, #tpu.memory_space<vmem_shared>>
      %dma_start3A_49 = arith.constant 0 : i32
      %dma_start3A_50 = tpu.memref_slice %arg11[%add3A_21, %dma_start3A_49] : memref<10240x128xf32, #tpu.memory_space<vmem_shared>> -> memref<80x128xf32, #tpu.memory_space<vmem_shared>>
      tpu.enqueue_dma source(%arg7 : memref<80x128xf32, #tpu.memory_space<vmem>>) target(%dma_start3A_50 : memref<80x128xf32, #tpu.memory_space<vmem_shared>>) target_semaphore(%run_scoped3A : memref<!tpu.dma_semaphore, #tpu.memory_space<semaphore_mem>>)
      %dma_wait3A = arith.constant 0 : i32
      %dma_wait3A_51 = tpu.memref_slice %arg11[%add3A_21, %dma_wait3A] : memref<10240x128xf32, #tpu.memory_space<vmem_shared>> -> memref<80x128xf32, #tpu.memory_space<vmem_shared>>
      %dma_wait3A_52 = arith.constant 0 : i32
      %dma_wait3A_53 = tpu.memref_slice %arg11[%add3A_21, %dma_wait3A_52] : memref<10240x128xf32, #tpu.memory_space<vmem_shared>> -> memref<80x128xf32, #tpu.memory_space<vmem_shared>>
      tpu.wait_dma2 semaphore(%run_scoped3A : memref<!tpu.dma_semaphore, #tpu.memory_space<semaphore_mem>>) src(%arg7 : memref<80x128xf32, #tpu.memory_space<vmem>>) dst(%dma_wait3A_53 : memref<80x128xf32, #tpu.memory_space<vmem_shared>>)
      tpu.yield
    }) : () -> ()
    %mul3A_22 = arith.constant 640 : i32
    %mul3A_23 = arith.muli %arg1, %mul3A_22 : i32
    %add3A_24 = arith.constant 320 : i32
    %add3A_25 = arith.addi %mul3A_23, %add3A_24 : i32
    "tpu.region"() ({
      %run_scoped3A = tpu.sem_alloc : memref<!tpu.dma_semaphore, #tpu.memory_space<semaphore_mem>>
      %dma_start3A = arith.constant 0 : i32
      %dma_start3A_48 = tpu.memref_slice %arg11[%add3A_25, %dma_start3A] : memref<10240x128xf32, #tpu.memory_space<vmem_shared>> -> memref<80x128xf32, #tpu.memory_space<vmem_shared>>
      %dma_start3A_49 = arith.constant 0 : i32
      %dma_start3A_50 = tpu.memref_slice %arg11[%add3A_25, %dma_start3A_49] : memref<10240x128xf32, #tpu.memory_space<vmem_shared>> -> memref<80x128xf32, #tpu.memory_space<vmem_shared>>
      tpu.enqueue_dma source(%arg7 : memref<80x128xf32, #tpu.memory_space<vmem>>) target(%dma_start3A_50 : memref<80x128xf32, #tpu.memory_space<vmem_shared>>) target_semaphore(%run_scoped3A : memref<!tpu.dma_semaphore, #tpu.memory_space<semaphore_mem>>)
      %dma_wait3A = arith.constant 0 : i32
      %dma_wait3A_51 = tpu.memref_slice %arg11[%add3A_25, %dma_wait3A] : memref<10240x128xf32, #tpu.memory_space<vmem_shared>> -> memref<80x128xf32, #tpu.memory_space<vmem_shared>>
      %dma_wait3A_52 = arith.constant 0 : i32
      %dma_wait3A_53 = tpu.memref_slice %arg11[%add3A_25, %dma_wait3A_52] : memref<10240x128xf32, #tpu.memory_space<vmem_shared>> -> memref<80x128xf32, #tpu.memory_space<vmem_shared>>
      tpu.wait_dma2 semaphore(%run_scoped3A : memref<!tpu.dma_semaphore, #tpu.memory_space<semaphore_mem>>) src(%arg7 : memref<80x128xf32, #tpu.memory_space<vmem>>) dst(%dma_wait3A_53 : memref<80x128xf32, #tpu.memory_space<vmem_shared>>)
      tpu.yield
    }) : () -> ()
    %mul3A_26 = arith.constant 640 : i32
    %mul3A_27 = arith.muli %arg1, %mul3A_26 : i32
    %add3A_28 = arith.constant 400 : i32
    %add3A_29 = arith.addi %mul3A_27, %add3A_28 : i32
    "tpu.region"() ({
      %run_scoped3A = tpu.sem_alloc : memref<!tpu.dma_semaphore, #tpu.memory_space<semaphore_mem>>
      %dma_start3A = arith.constant 0 : i32
      %dma_start3A_48 = tpu.memref_slice %arg11[%add3A_29, %dma_start3A] : memref<10240x128xf32, #tpu.memory_space<vmem_shared>> -> memref<80x128xf32, #tpu.memory_space<vmem_shared>>
      %dma_start3A_49 = arith.constant 0 : i32
      %dma_start3A_50 = tpu.memref_slice %arg11[%add3A_29, %dma_start3A_49] : memref<10240x128xf32, #tpu.memory_space<vmem_shared>> -> memref<80x128xf32, #tpu.memory_space<vmem_shared>>
      tpu.enqueue_dma source(%arg7 : memref<80x128xf32, #tpu.memory_space<vmem>>) target(%dma_start3A_50 : memref<80x128xf32, #tpu.memory_space<vmem_shared>>) target_semaphore(%run_scoped3A : memref<!tpu.dma_semaphore, #tpu.memory_space<semaphore_mem>>)
      %dma_wait3A = arith.constant 0 : i32
      %dma_wait3A_51 = tpu.memref_slice %arg11[%add3A_29, %dma_wait3A] : memref<10240x128xf32, #tpu.memory_space<vmem_shared>> -> memref<80x128xf32, #tpu.memory_space<vmem_shared>>
      %dma_wait3A_52 = arith.constant 0 : i32
      %dma_wait3A_53 = tpu.memref_slice %arg11[%add3A_29, %dma_wait3A_52] : memref<10240x128xf32, #tpu.memory_space<vmem_shared>> -> memref<80x128xf32, #tpu.memory_space<vmem_shared>>
      tpu.wait_dma2 semaphore(%run_scoped3A : memref<!tpu.dma_semaphore, #tpu.memory_space<semaphore_mem>>) src(%arg7 : memref<80x128xf32, #tpu.memory_space<vmem>>) dst(%dma_wait3A_53 : memref<80x128xf32, #tpu.memory_space<vmem_shared>>)
      tpu.yield
    }) : () -> ()
    %mul3A_30 = arith.constant 640 : i32
    %mul3A_31 = arith.muli %arg1, %mul3A_30 : i32
    %add3A_32 = arith.constant 480 : i32
    %add3A_33 = arith.addi %mul3A_31, %add3A_32 : i32
    "tpu.region"() ({
      %run_scoped3A = tpu.sem_alloc : memref<!tpu.dma_semaphore, #tpu.memory_space<semaphore_mem>>
      %dma_start3A = arith.constant 0 : i32
      %dma_start3A_48 = tpu.memref_slice %arg11[%add3A_33, %dma_start3A] : memref<10240x128xf32, #tpu.memory_space<vmem_shared>> -> memref<80x128xf32, #tpu.memory_space<vmem_shared>>
      %dma_start3A_49 = arith.constant 0 : i32
      %dma_start3A_50 = tpu.memref_slice %arg11[%add3A_33, %dma_start3A_49] : memref<10240x128xf32, #tpu.memory_space<vmem_shared>> -> memref<80x128xf32, #tpu.memory_space<vmem_shared>>
      tpu.enqueue_dma source(%arg7 : memref<80x128xf32, #tpu.memory_space<vmem>>) target(%dma_start3A_50 : memref<80x128xf32, #tpu.memory_space<vmem_shared>>) target_semaphore(%run_scoped3A : memref<!tpu.dma_semaphore, #tpu.memory_space<semaphore_mem>>)
      %dma_wait3A = arith.constant 0 : i32
      %dma_wait3A_51 = tpu.memref_slice %arg11[%add3A_33, %dma_wait3A] : memref<10240x128xf32, #tpu.memory_space<vmem_shared>> -> memref<80x128xf32, #tpu.memory_space<vmem_shared>>
      %dma_wait3A_52 = arith.constant 0 : i32
      %dma_wait3A_53 = tpu.memref_slice %arg11[%add3A_33, %dma_wait3A_52] : memref<10240x128xf32, #tpu.memory_space<vmem_shared>> -> memref<80x128xf32, #tpu.memory_space<vmem_shared>>
      tpu.wait_dma2 semaphore(%run_scoped3A : memref<!tpu.dma_semaphore, #tpu.memory_space<semaphore_mem>>) src(%arg7 : memref<80x128xf32, #tpu.memory_space<vmem>>) dst(%dma_wait3A_53 : memref<80x128xf32, #tpu.memory_space<vmem_shared>>)
      tpu.yield
    }) : () -> ()
    %mul3A_34 = arith.constant 640 : i32
    %mul3A_35 = arith.muli %arg1, %mul3A_34 : i32
    %add3A_36 = arith.constant 560 : i32
    %add3A_37 = arith.addi %mul3A_35, %add3A_36 : i32
    "tpu.region"() ({
      %run_scoped3A = tpu.sem_alloc : memref<!tpu.dma_semaphore, #tpu.memory_space<semaphore_mem>>
      %dma_start3A = arith.constant 0 : i32
      %dma_start3A_48 = tpu.memref_slice %arg11[%add3A_37, %dma_start3A] : memref<10240x128xf32, #tpu.memory_space<vmem_shared>> -> memref<80x128xf32, #tpu.memory_space<vmem_shared>>
      %dma_start3A_49 = arith.constant 0 : i32
      %dma_start3A_50 = tpu.memref_slice %arg11[%add3A_37, %dma_start3A_49] : memref<10240x128xf32, #tpu.memory_space<vmem_shared>> -> memref<80x128xf32, #tpu.memory_space<vmem_shared>>
      tpu.enqueue_dma source(%arg7 : memref<80x128xf32, #tpu.memory_space<vmem>>) target(%dma_start3A_50 : memref<80x128xf32, #tpu.memory_space<vmem_shared>>) target_semaphore(%run_scoped3A : memref<!tpu.dma_semaphore, #tpu.memory_space<semaphore_mem>>)
      %dma_wait3A = arith.constant 0 : i32
      %dma_wait3A_51 = tpu.memref_slice %arg11[%add3A_37, %dma_wait3A] : memref<10240x128xf32, #tpu.memory_space<vmem_shared>> -> memref<80x128xf32, #tpu.memory_space<vmem_shared>>
      %dma_wait3A_52 = arith.constant 0 : i32
      %dma_wait3A_53 = tpu.memref_slice %arg11[%add3A_37, %dma_wait3A_52] : memref<10240x128xf32, #tpu.memory_space<vmem_shared>> -> memref<80x128xf32, #tpu.memory_space<vmem_shared>>
      tpu.wait_dma2 semaphore(%run_scoped3A : memref<!tpu.dma_semaphore, #tpu.memory_space<semaphore_mem>>) src(%arg7 : memref<80x128xf32, #tpu.memory_space<vmem>>) dst(%dma_wait3A_53 : memref<80x128xf32, #tpu.memory_space<vmem_shared>>)
      tpu.yield
    }) : () -> ()
    %barrier3A = arith.constant 0 : index
    tpu.barrier barrier_id(%barrier3A)
    %scan3A_38 = arith.constant 0 : i32
    %scan3A_39 = arith.constant 5 : i32
    %scan3A_40 = arith.addi %scan3A_38, %scan3A_39 : i32
    %scan3A_41 = arith.constant 1 : i32
    scf.for %scan3A_48 = %scan3A_38 to %scan3A_40 step %scan3A_41  : i32 {
      %mul3A_49 = arith.constant 1 : i32
      %mul3A_50 = arith.muli %scan3A_48, %mul3A_49 : i32
      %add3A_51 = arith.constant 0 : i32
      %add3A_52 = arith.addi %add3A_51, %mul3A_50 : i32
      %run_scoped3A = arith.constant 0 : i32
      "tpu.region"() ({
        %run_scoped3A_132 = tpu.sem_alloc : memref<!tpu.dma_semaphore, #tpu.memory_space<semaphore_mem>>
        %dma_start3A_133 = arith.constant 0 : i32
        %dma_start3A_134 = arith.constant 0 : i32
        %dma_start3A_135 = tpu.memref_slice %arg3[%run_scoped3A, %add3A, %add3A_52, %dma_start3A_133, %dma_start3A_134] : memref<2x32x5x25x80xi32, #tpu.memory_space<hbm>> -> memref<1x1x1x25x80xi32, #tpu.memory_space<hbm>>
        %dma_start3A_136 = tpu.memref_squeeze %dma_start3A_135 : memref<1x1x1x25x80xi32, #tpu.memory_space<hbm>> -> memref<25x80xi32, #tpu.memory_space<hbm>>
        %dma_start3A_137 = arith.constant 0 : i32
        %dma_start3A_138 = arith.constant 0 : i32
        %dma_start3A_139 = tpu.memref_slice %arg3[%run_scoped3A, %add3A, %add3A_52, %dma_start3A_137, %dma_start3A_138] : memref<2x32x5x25x80xi32, #tpu.memory_space<hbm>> -> memref<1x1x1x25x80xi32, #tpu.memory_space<hbm>>
        %dma_start3A_140 = tpu.memref_squeeze %dma_start3A_139 : memref<1x1x1x25x80xi32, #tpu.memory_space<hbm>> -> memref<25x80xi32, #tpu.memory_space<hbm>>
        tpu.enqueue_dma source(%dma_start3A_140 : memref<25x80xi32, #tpu.memory_space<hbm>>) target(%arg5 : memref<25x80xi32, #tpu.memory_space<vmem>>) target_semaphore(%run_scoped3A_132 : memref<!tpu.dma_semaphore, #tpu.memory_space<semaphore_mem>>)
        %dma_wait3A_141 = arith.constant 0 : i32
        %dma_wait3A_142 = arith.constant 0 : i32
        %dma_wait3A_143 = tpu.memref_slice %arg3[%run_scoped3A, %add3A, %add3A_52, %dma_wait3A_141, %dma_wait3A_142] : memref<2x32x5x25x80xi32, #tpu.memory_space<hbm>> -> memref<1x1x1x25x80xi32, #tpu.memory_space<hbm>>
        %dma_wait3A_144 = tpu.memref_squeeze %dma_wait3A_143 : memref<1x1x1x25x80xi32, #tpu.memory_space<hbm>> -> memref<25x80xi32, #tpu.memory_space<hbm>>
        %dma_wait3A_145 = arith.constant 0 : i32
        %dma_wait3A_146 = arith.constant 0 : i32
        %dma_wait3A_147 = tpu.memref_slice %arg3[%run_scoped3A, %add3A, %add3A_52, %dma_wait3A_145, %dma_wait3A_146] : memref<2x32x5x25x80xi32, #tpu.memory_space<hbm>> -> memref<1x1x1x25x80xi32, #tpu.memory_space<hbm>>
        %dma_wait3A_148 = tpu.memref_squeeze %dma_wait3A_147 : memref<1x1x1x25x80xi32, #tpu.memory_space<hbm>> -> memref<25x80xi32, #tpu.memory_space<hbm>>
        tpu.wait_dma2 semaphore(%run_scoped3A_132 : memref<!tpu.dma_semaphore, #tpu.memory_space<semaphore_mem>>) src(%dma_wait3A_148 : memref<25x80xi32, #tpu.memory_space<hbm>>) dst(%arg5 : memref<25x80xi32, #tpu.memory_space<vmem>>)
        tpu.yield
      }) : () -> ()
      %run_scoped3A_53 = arith.constant 1 : i32
      "tpu.region"() ({
        %run_scoped3A_132 = tpu.sem_alloc : memref<!tpu.dma_semaphore, #tpu.memory_space<semaphore_mem>>
        %dma_start3A_133 = arith.constant 0 : i32
        %dma_start3A_134 = arith.constant 0 : i32
        %dma_start3A_135 = tpu.memref_slice %arg3[%run_scoped3A_53, %add3A, %add3A_52, %dma_start3A_133, %dma_start3A_134] : memref<2x32x5x25x80xi32, #tpu.memory_space<hbm>> -> memref<1x1x1x25x80xi32, #tpu.memory_space<hbm>>
        %dma_start3A_136 = tpu.memref_squeeze %dma_start3A_135 : memref<1x1x1x25x80xi32, #tpu.memory_space<hbm>> -> memref<25x80xi32, #tpu.memory_space<hbm>>
        %dma_start3A_137 = arith.constant 0 : i32
        %dma_start3A_138 = arith.constant 0 : i32
        %dma_start3A_139 = tpu.memref_slice %arg3[%run_scoped3A_53, %add3A, %add3A_52, %dma_start3A_137, %dma_start3A_138] : memref<2x32x5x25x80xi32, #tpu.memory_space<hbm>> -> memref<1x1x1x25x80xi32, #tpu.memory_space<hbm>>
        %dma_start3A_140 = tpu.memref_squeeze %dma_start3A_139 : memref<1x1x1x25x80xi32, #tpu.memory_space<hbm>> -> memref<25x80xi32, #tpu.memory_space<hbm>>
        tpu.enqueue_dma source(%dma_start3A_140 : memref<25x80xi32, #tpu.memory_space<hbm>>) target(%arg6 : memref<25x80xi32, #tpu.memory_space<vmem>>) target_semaphore(%run_scoped3A_132 : memref<!tpu.dma_semaphore, #tpu.memory_space<semaphore_mem>>)
        %dma_wait3A_141 = arith.constant 0 : i32
        %dma_wait3A_142 = arith.constant 0 : i32
        %dma_wait3A_143 = tpu.memref_slice %arg3[%run_scoped3A_53, %add3A, %add3A_52, %dma_wait3A_141, %dma_wait3A_142] : memref<2x32x5x25x80xi32, #tpu.memory_space<hbm>> -> memref<1x1x1x25x80xi32, #tpu.memory_space<hbm>>
        %dma_wait3A_144 = tpu.memref_squeeze %dma_wait3A_143 : memref<1x1x1x25x80xi32, #tpu.memory_space<hbm>> -> memref<25x80xi32, #tpu.memory_space<hbm>>
        %dma_wait3A_145 = arith.constant 0 : i32
        %dma_wait3A_146 = arith.constant 0 : i32
        %dma_wait3A_147 = tpu.memref_slice %arg3[%run_scoped3A_53, %add3A, %add3A_52, %dma_wait3A_145, %dma_wait3A_146] : memref<2x32x5x25x80xi32, #tpu.memory_space<hbm>> -> memref<1x1x1x25x80xi32, #tpu.memory_space<hbm>>
        %dma_wait3A_148 = tpu.memref_squeeze %dma_wait3A_147 : memref<1x1x1x25x80xi32, #tpu.memory_space<hbm>> -> memref<25x80xi32, #tpu.memory_space<hbm>>
        tpu.wait_dma2 semaphore(%run_scoped3A_132 : memref<!tpu.dma_semaphore, #tpu.memory_space<semaphore_mem>>) src(%dma_wait3A_148 : memref<25x80xi32, #tpu.memory_space<hbm>>) dst(%arg6 : memref<25x80xi32, #tpu.memory_space<vmem>>)
        tpu.yield
      }) : () -> ()
      %dma_start3A = arith.constant 0 : i32
      %dma_start3A_54 = arith.constant 0 : i32
      %dma_start3A_55 = tpu.memref_slice %arg5[%dma_start3A, %dma_start3A_54] : memref<25x80xi32, #tpu.memory_space<vmem>> -> memref<1x80xi32, #tpu.memory_space<vmem>>
      %dma_start3A_56 = tpu.memref_squeeze %dma_start3A_55 : memref<1x80xi32, #tpu.memory_space<vmem>> -> memref<80xi32, #tpu.memory_space<vmem>>
      %dma_start3A_57 = arith.constant 0 : i32
      %dma_start3A_58 = arith.constant 0 : i32
      %dma_start3A_59 = tpu.memref_slice %arg2[%dma_start3A_57, %dma_start3A_58] : memref<10000x128xf32, #tpu.memory_space<hbm>> -> memref<10000x128xf32, #tpu.memory_space<hbm>>
      tpu.enqueue_indirect_dma source(%dma_start3A_59 : memref<10000x128xf32, #tpu.memory_space<hbm>>) target(%arg7 : memref<80x128xf32, #tpu.memory_space<vmem>>) offsets(%dma_start3A_56 : memref<80xi32, #tpu.memory_space<vmem>>) semaphore(%arg12 : memref<!tpu.dma_semaphore, #tpu.memory_space<semaphore_mem>>)
      %dma_start3A_60 = arith.constant 1 : i32
      %dma_start3A_61 = arith.constant 0 : i32
      %dma_start3A_62 = tpu.memref_slice %arg5[%dma_start3A_60, %dma_start3A_61] : memref<25x80xi32, #tpu.memory_space<vmem>> -> memref<1x80xi32, #tpu.memory_space<vmem>>
      %dma_start3A_63 = tpu.memref_squeeze %dma_start3A_62 : memref<1x80xi32, #tpu.memory_space<vmem>> -> memref<80xi32, #tpu.memory_space<vmem>>
      %dma_start3A_64 = arith.constant 0 : i32
      %dma_start3A_65 = arith.constant 0 : i32
      %dma_start3A_66 = tpu.memref_slice %arg2[%dma_start3A_64, %dma_start3A_65] : memref<10000x128xf32, #tpu.memory_space<hbm>> -> memref<10000x128xf32, #tpu.memory_space<hbm>>
      tpu.enqueue_indirect_dma source(%dma_start3A_66 : memref<10000x128xf32, #tpu.memory_space<hbm>>) target(%arg8 : memref<80x128xf32, #tpu.memory_space<vmem>>) offsets(%dma_start3A_63 : memref<80xi32, #tpu.memory_space<vmem>>) semaphore(%arg13 : memref<!tpu.dma_semaphore, #tpu.memory_space<semaphore_mem>>)
      %dma_start3A_67 = arith.constant 2 : i32
      %dma_start3A_68 = arith.constant 0 : i32
      %dma_start3A_69 = tpu.memref_slice %arg5[%dma_start3A_67, %dma_start3A_68] : memref<25x80xi32, #tpu.memory_space<vmem>> -> memref<1x80xi32, #tpu.memory_space<vmem>>
      %dma_start3A_70 = tpu.memref_squeeze %dma_start3A_69 : memref<1x80xi32, #tpu.memory_space<vmem>> -> memref<80xi32, #tpu.memory_space<vmem>>
      %dma_start3A_71 = arith.constant 0 : i32
      %dma_start3A_72 = arith.constant 0 : i32
      %dma_start3A_73 = tpu.memref_slice %arg2[%dma_start3A_71, %dma_start3A_72] : memref<10000x128xf32, #tpu.memory_space<hbm>> -> memref<10000x128xf32, #tpu.memory_space<hbm>>
      tpu.enqueue_indirect_dma source(%dma_start3A_73 : memref<10000x128xf32, #tpu.memory_space<hbm>>) target(%arg9 : memref<80x128xf32, #tpu.memory_space<vmem>>) offsets(%dma_start3A_70 : memref<80xi32, #tpu.memory_space<vmem>>) semaphore(%arg14 : memref<!tpu.dma_semaphore, #tpu.memory_space<semaphore_mem>>)
      %dma_start3A_74 = arith.constant 3 : i32
      %dma_start3A_75 = arith.constant 0 : i32
      %dma_start3A_76 = tpu.memref_slice %arg5[%dma_start3A_74, %dma_start3A_75] : memref<25x80xi32, #tpu.memory_space<vmem>> -> memref<1x80xi32, #tpu.memory_space<vmem>>
      %dma_start3A_77 = tpu.memref_squeeze %dma_start3A_76 : memref<1x80xi32, #tpu.memory_space<vmem>> -> memref<80xi32, #tpu.memory_space<vmem>>
      %dma_start3A_78 = arith.constant 0 : i32
      %dma_start3A_79 = arith.constant 0 : i32
      %dma_start3A_80 = tpu.memref_slice %arg2[%dma_start3A_78, %dma_start3A_79] : memref<10000x128xf32, #tpu.memory_space<hbm>> -> memref<10000x128xf32, #tpu.memory_space<hbm>>
      tpu.enqueue_indirect_dma source(%dma_start3A_80 : memref<10000x128xf32, #tpu.memory_space<hbm>>) target(%arg10 : memref<80x128xf32, #tpu.memory_space<vmem>>) offsets(%dma_start3A_77 : memref<80xi32, #tpu.memory_space<vmem>>) semaphore(%arg15 : memref<!tpu.dma_semaphore, #tpu.memory_space<semaphore_mem>>)
      %scan3A_81 = arith.constant 0 : i32
      %scan3A_82 = arith.constant 5 : i32
      %scan3A_83 = arith.addi %scan3A_81, %scan3A_82 : i32
      %scan3A_84 = arith.constant 1 : i32
      scf.for %scan3A_132 = %scan3A_81 to %scan3A_83 step %scan3A_84  : i32 {
        %mul3A_133 = arith.constant 1 : i32
        %mul3A_134 = arith.muli %scan3A_132, %mul3A_133 : i32
        %add3A_135 = arith.constant 0 : i32
        %add3A_136 = arith.addi %add3A_135, %mul3A_134 : i32
        %mul3A_137 = arith.constant 4 : i32
        %mul3A_138 = arith.muli %mul3A_137, %add3A_136 : i32
        %add3A_139 = arith.constant 0 : i32
        %add3A_140 = arith.addi %mul3A_138, %add3A_139 : i32
        %dma_wait3A_141 = arith.constant 0 : i32
        %dma_wait3A_142 = tpu.memref_slice %arg5[%add3A_140, %dma_wait3A_141] : memref<25x80xi32, #tpu.memory_space<vmem>> -> memref<1x80xi32, #tpu.memory_space<vmem>>
        %dma_wait3A_143 = tpu.memref_squeeze %dma_wait3A_142 : memref<1x80xi32, #tpu.memory_space<vmem>> -> memref<80xi32, #tpu.memory_space<vmem>>
        %dma_wait3A_144 = arith.constant 0 : i32
        %dma_wait3A_145 = arith.constant 0 : i32
        %dma_wait3A_146 = tpu.memref_slice %arg2[%dma_wait3A_144, %dma_wait3A_145] : memref<10000x128xf32, #tpu.memory_space<hbm>> -> memref<10000x128xf32, #tpu.memory_space<hbm>>
        tpu.wait_indirect_dma semaphore(%arg12 : memref<!tpu.dma_semaphore, #tpu.memory_space<semaphore_mem>>) src(%dma_wait3A_146 : memref<10000x128xf32, #tpu.memory_space<hbm>>) dst(%arg7 : memref<80x128xf32, #tpu.memory_space<vmem>>)
        %add3A_147 = arith.constant 0 : i32
        %add3A_148 = arith.addi %mul3A_138, %add3A_147 : i32
        "tpu.region"() ({
          %run_scoped3A_219 = tpu.sem_alloc : memref<!tpu.dma_semaphore, #tpu.memory_space<semaphore_mem>>
          %dma_start3A_220 = arith.constant 0 : i32
          %dma_start3A_221 = tpu.memref_slice %arg6[%add3A_148, %dma_start3A_220] : memref<25x80xi32, #tpu.memory_space<vmem>> -> memref<1x80xi32, #tpu.memory_space<vmem>>
          %dma_start3A_222 = tpu.memref_squeeze %dma_start3A_221 : memref<1x80xi32, #tpu.memory_space<vmem>> -> memref<80xi32, #tpu.memory_space<vmem>>
          %dma_start3A_223 = arith.constant 0 : i32
          %dma_start3A_224 = arith.constant 0 : i32
          %dma_start3A_225 = tpu.memref_slice %arg11[%dma_start3A_223, %dma_start3A_224] : memref<10240x128xf32, #tpu.memory_space<vmem_shared>> -> memref<10240x128xf32, #tpu.memory_space<vmem_shared>>
          tpu.enqueue_indirect_dma source(%arg7 : memref<80x128xf32, #tpu.memory_space<vmem>>) target(%dma_start3A_225 : memref<10240x128xf32, #tpu.memory_space<vmem_shared>>) offsets(%dma_start3A_222 : memref<80xi32, #tpu.memory_space<vmem>>) semaphore(%run_scoped3A_219 : memref<!tpu.dma_semaphore, #tpu.memory_space<semaphore_mem>>) {add = true}
          %dma_wait3A_226 = arith.constant 0 : i32
          %dma_wait3A_227 = tpu.memref_slice %arg6[%add3A_148, %dma_wait3A_226] : memref<25x80xi32, #tpu.memory_space<vmem>> -> memref<1x80xi32, #tpu.memory_space<vmem>>
          %dma_wait3A_228 = tpu.memref_squeeze %dma_wait3A_227 : memref<1x80xi32, #tpu.memory_space<vmem>> -> memref<80xi32, #tpu.memory_space<vmem>>
          %dma_wait3A_229 = arith.constant 0 : i32
          %dma_wait3A_230 = arith.constant 0 : i32
          %dma_wait3A_231 = tpu.memref_slice %arg11[%dma_wait3A_229, %dma_wait3A_230] : memref<10240x128xf32, #tpu.memory_space<vmem_shared>> -> memref<10240x128xf32, #tpu.memory_space<vmem_shared>>
          tpu.wait_indirect_dma semaphore(%run_scoped3A_219 : memref<!tpu.dma_semaphore, #tpu.memory_space<semaphore_mem>>) src(%arg7 : memref<80x128xf32, #tpu.memory_space<vmem>>) dst(%dma_wait3A_231 : memref<10240x128xf32, #tpu.memory_space<vmem_shared>>)
          tpu.yield
        }) : () -> ()
        %add3A_149 = arith.constant 4 : i32
        %add3A_150 = arith.addi %mul3A_138, %add3A_149 : i32
        %add3A_151 = arith.constant 0 : i32
        %add3A_152 = arith.addi %add3A_150, %add3A_151 : i32
        %dma_start3A_153 = arith.constant 0 : i32
        %dma_start3A_154 = tpu.memref_slice %arg5[%add3A_152, %dma_start3A_153] : memref<25x80xi32, #tpu.memory_space<vmem>> -> memref<1x80xi32, #tpu.memory_space<vmem>>
        %dma_start3A_155 = tpu.memref_squeeze %dma_start3A_154 : memref<1x80xi32, #tpu.memory_space<vmem>> -> memref<80xi32, #tpu.memory_space<vmem>>
        %dma_start3A_156 = arith.constant 0 : i32
        %dma_start3A_157 = arith.constant 0 : i32
        %dma_start3A_158 = tpu.memref_slice %arg2[%dma_start3A_156, %dma_start3A_157] : memref<10000x128xf32, #tpu.memory_space<hbm>> -> memref<10000x128xf32, #tpu.memory_space<hbm>>
        tpu.enqueue_indirect_dma source(%dma_start3A_158 : memref<10000x128xf32, #tpu.memory_space<hbm>>) target(%arg7 : memref<80x128xf32, #tpu.memory_space<vmem>>) offsets(%dma_start3A_155 : memref<80xi32, #tpu.memory_space<vmem>>) semaphore(%arg12 : memref<!tpu.dma_semaphore, #tpu.memory_space<semaphore_mem>>)
        %add3A_159 = arith.constant 1 : i32
        %add3A_160 = arith.addi %mul3A_138, %add3A_159 : i32
        %dma_wait3A_161 = arith.constant 0 : i32
        %dma_wait3A_162 = tpu.memref_slice %arg5[%add3A_160, %dma_wait3A_161] : memref<25x80xi32, #tpu.memory_space<vmem>> -> memref<1x80xi32, #tpu.memory_space<vmem>>
        %dma_wait3A_163 = tpu.memref_squeeze %dma_wait3A_162 : memref<1x80xi32, #tpu.memory_space<vmem>> -> memref<80xi32, #tpu.memory_space<vmem>>
        %dma_wait3A_164 = arith.constant 0 : i32
        %dma_wait3A_165 = arith.constant 0 : i32
        %dma_wait3A_166 = tpu.memref_slice %arg2[%dma_wait3A_164, %dma_wait3A_165] : memref<10000x128xf32, #tpu.memory_space<hbm>> -> memref<10000x128xf32, #tpu.memory_space<hbm>>
        tpu.wait_indirect_dma semaphore(%arg13 : memref<!tpu.dma_semaphore, #tpu.memory_space<semaphore_mem>>) src(%dma_wait3A_166 : memref<10000x128xf32, #tpu.memory_space<hbm>>) dst(%arg8 : memref<80x128xf32, #tpu.memory_space<vmem>>)
        %add3A_167 = arith.constant 1 : i32
        %add3A_168 = arith.addi %mul3A_138, %add3A_167 : i32
        "tpu.region"() ({
          %run_scoped3A_219 = tpu.sem_alloc : memref<!tpu.dma_semaphore, #tpu.memory_space<semaphore_mem>>
          %dma_start3A_220 = arith.constant 0 : i32
          %dma_start3A_221 = tpu.memref_slice %arg6[%add3A_168, %dma_start3A_220] : memref<25x80xi32, #tpu.memory_space<vmem>> -> memref<1x80xi32, #tpu.memory_space<vmem>>
          %dma_start3A_222 = tpu.memref_squeeze %dma_start3A_221 : memref<1x80xi32, #tpu.memory_space<vmem>> -> memref<80xi32, #tpu.memory_space<vmem>>
          %dma_start3A_223 = arith.constant 0 : i32
          %dma_start3A_224 = arith.constant 0 : i32
          %dma_start3A_225 = tpu.memref_slice %arg11[%dma_start3A_223, %dma_start3A_224] : memref<10240x128xf32, #tpu.memory_space<vmem_shared>> -> memref<10240x128xf32, #tpu.memory_space<vmem_shared>>
          tpu.enqueue_indirect_dma source(%arg8 : memref<80x128xf32, #tpu.memory_space<vmem>>) target(%dma_start3A_225 : memref<10240x128xf32, #tpu.memory_space<vmem_shared>>) offsets(%dma_start3A_222 : memref<80xi32, #tpu.memory_space<vmem>>) semaphore(%run_scoped3A_219 : memref<!tpu.dma_semaphore, #tpu.memory_space<semaphore_mem>>) {add = true}
          %dma_wait3A_226 = arith.constant 0 : i32
          %dma_wait3A_227 = tpu.memref_slice %arg6[%add3A_168, %dma_wait3A_226] : memref<25x80xi32, #tpu.memory_space<vmem>> -> memref<1x80xi32, #tpu.memory_space<vmem>>
          %dma_wait3A_228 = tpu.memref_squeeze %dma_wait3A_227 : memref<1x80xi32, #tpu.memory_space<vmem>> -> memref<80xi32, #tpu.memory_space<vmem>>
          %dma_wait3A_229 = arith.constant 0 : i32
          %dma_wait3A_230 = arith.constant 0 : i32
          %dma_wait3A_231 = tpu.memref_slice %arg11[%dma_wait3A_229, %dma_wait3A_230] : memref<10240x128xf32, #tpu.memory_space<vmem_shared>> -> memref<10240x128xf32, #tpu.memory_space<vmem_shared>>
          tpu.wait_indirect_dma semaphore(%run_scoped3A_219 : memref<!tpu.dma_semaphore, #tpu.memory_space<semaphore_mem>>) src(%arg8 : memref<80x128xf32, #tpu.memory_space<vmem>>) dst(%dma_wait3A_231 : memref<10240x128xf32, #tpu.memory_space<vmem_shared>>)
          tpu.yield
        }) : () -> ()
        %add3A_169 = arith.constant 4 : i32
        %add3A_170 = arith.addi %mul3A_138, %add3A_169 : i32
        %add3A_171 = arith.constant 1 : i32
        %add3A_172 = arith.addi %add3A_170, %add3A_171 : i32
        %dma_start3A_173 = arith.constant 0 : i32
        %dma_start3A_174 = tpu.memref_slice %arg5[%add3A_172, %dma_start3A_173] : memref<25x80xi32, #tpu.memory_space<vmem>> -> memref<1x80xi32, #tpu.memory_space<vmem>>
        %dma_start3A_175 = tpu.memref_squeeze %dma_start3A_174 : memref<1x80xi32, #tpu.memory_space<vmem>> -> memref<80xi32, #tpu.memory_space<vmem>>
        %dma_start3A_176 = arith.constant 0 : i32
        %dma_start3A_177 = arith.constant 0 : i32
        %dma_start3A_178 = tpu.memref_slice %arg2[%dma_start3A_176, %dma_start3A_177] : memref<10000x128xf32, #tpu.memory_space<hbm>> -> memref<10000x128xf32, #tpu.memory_space<hbm>>
        tpu.enqueue_indirect_dma source(%dma_start3A_178 : memref<10000x128xf32, #tpu.memory_space<hbm>>) target(%arg8 : memref<80x128xf32, #tpu.memory_space<vmem>>) offsets(%dma_start3A_175 : memref<80xi32, #tpu.memory_space<vmem>>) semaphore(%arg13 : memref<!tpu.dma_semaphore, #tpu.memory_space<semaphore_mem>>)
        %add3A_179 = arith.constant 2 : i32
        %add3A_180 = arith.addi %mul3A_138, %add3A_179 : i32
        %dma_wait3A_181 = arith.constant 0 : i32
        %dma_wait3A_182 = tpu.memref_slice %arg5[%add3A_180, %dma_wait3A_181] : memref<25x80xi32, #tpu.memory_space<vmem>> -> memref<1x80xi32, #tpu.memory_space<vmem>>
        %dma_wait3A_183 = tpu.memref_squeeze %dma_wait3A_182 : memref<1x80xi32, #tpu.memory_space<vmem>> -> memref<80xi32, #tpu.memory_space<vmem>>
        %dma_wait3A_184 = arith.constant 0 : i32
        %dma_wait3A_185 = arith.constant 0 : i32
        %dma_wait3A_186 = tpu.memref_slice %arg2[%dma_wait3A_184, %dma_wait3A_185] : memref<10000x128xf32, #tpu.memory_space<hbm>> -> memref<10000x128xf32, #tpu.memory_space<hbm>>
        tpu.wait_indirect_dma semaphore(%arg14 : memref<!tpu.dma_semaphore, #tpu.memory_space<semaphore_mem>>) src(%dma_wait3A_186 : memref<10000x128xf32, #tpu.memory_space<hbm>>) dst(%arg9 : memref<80x128xf32, #tpu.memory_space<vmem>>)
        %add3A_187 = arith.constant 2 : i32
        %add3A_188 = arith.addi %mul3A_138, %add3A_187 : i32
        "tpu.region"() ({
          %run_scoped3A_219 = tpu.sem_alloc : memref<!tpu.dma_semaphore, #tpu.memory_space<semaphore_mem>>
          %dma_start3A_220 = arith.constant 0 : i32
          %dma_start3A_221 = tpu.memref_slice %arg6[%add3A_188, %dma_start3A_220] : memref<25x80xi32, #tpu.memory_space<vmem>> -> memref<1x80xi32, #tpu.memory_space<vmem>>
          %dma_start3A_222 = tpu.memref_squeeze %dma_start3A_221 : memref<1x80xi32, #tpu.memory_space<vmem>> -> memref<80xi32, #tpu.memory_space<vmem>>
          %dma_start3A_223 = arith.constant 0 : i32
          %dma_start3A_224 = arith.constant 0 : i32
          %dma_start3A_225 = tpu.memref_slice %arg11[%dma_start3A_223, %dma_start3A_224] : memref<10240x128xf32, #tpu.memory_space<vmem_shared>> -> memref<10240x128xf32, #tpu.memory_space<vmem_shared>>
          tpu.enqueue_indirect_dma source(%arg9 : memref<80x128xf32, #tpu.memory_space<vmem>>) target(%dma_start3A_225 : memref<10240x128xf32, #tpu.memory_space<vmem_shared>>) offsets(%dma_start3A_222 : memref<80xi32, #tpu.memory_space<vmem>>) semaphore(%run_scoped3A_219 : memref<!tpu.dma_semaphore, #tpu.memory_space<semaphore_mem>>) {add = true}
          %dma_wait3A_226 = arith.constant 0 : i32
          %dma_wait3A_227 = tpu.memref_slice %arg6[%add3A_188, %dma_wait3A_226] : memref<25x80xi32, #tpu.memory_space<vmem>> -> memref<1x80xi32, #tpu.memory_space<vmem>>
          %dma_wait3A_228 = tpu.memref_squeeze %dma_wait3A_227 : memref<1x80xi32, #tpu.memory_space<vmem>> -> memref<80xi32, #tpu.memory_space<vmem>>
          %dma_wait3A_229 = arith.constant 0 : i32
          %dma_wait3A_230 = arith.constant 0 : i32
          %dma_wait3A_231 = tpu.memref_slice %arg11[%dma_wait3A_229, %dma_wait3A_230] : memref<10240x128xf32, #tpu.memory_space<vmem_shared>> -> memref<10240x128xf32, #tpu.memory_space<vmem_shared>>
          tpu.wait_indirect_dma semaphore(%run_scoped3A_219 : memref<!tpu.dma_semaphore, #tpu.memory_space<semaphore_mem>>) src(%arg9 : memref<80x128xf32, #tpu.memory_space<vmem>>) dst(%dma_wait3A_231 : memref<10240x128xf32, #tpu.memory_space<vmem_shared>>)
          tpu.yield
        }) : () -> ()
        %add3A_189 = arith.constant 4 : i32
        %add3A_190 = arith.addi %mul3A_138, %add3A_189 : i32
        %add3A_191 = arith.constant 2 : i32
        %add3A_192 = arith.addi %add3A_190, %add3A_191 : i32
        %dma_start3A_193 = arith.constant 0 : i32
        %dma_start3A_194 = tpu.memref_slice %arg5[%add3A_192, %dma_start3A_193] : memref<25x80xi32, #tpu.memory_space<vmem>> -> memref<1x80xi32, #tpu.memory_space<vmem>>
        %dma_start3A_195 = tpu.memref_squeeze %dma_start3A_194 : memref<1x80xi32, #tpu.memory_space<vmem>> -> memref<80xi32, #tpu.memory_space<vmem>>
        %dma_start3A_196 = arith.constant 0 : i32
        %dma_start3A_197 = arith.constant 0 : i32
        %dma_start3A_198 = tpu.memref_slice %arg2[%dma_start3A_196, %dma_start3A_197] : memref<10000x128xf32, #tpu.memory_space<hbm>> -> memref<10000x128xf32, #tpu.memory_space<hbm>>
        tpu.enqueue_indirect_dma source(%dma_start3A_198 : memref<10000x128xf32, #tpu.memory_space<hbm>>) target(%arg9 : memref<80x128xf32, #tpu.memory_space<vmem>>) offsets(%dma_start3A_195 : memref<80xi32, #tpu.memory_space<vmem>>) semaphore(%arg14 : memref<!tpu.dma_semaphore, #tpu.memory_space<semaphore_mem>>)
        %add3A_199 = arith.constant 3 : i32
        %add3A_200 = arith.addi %mul3A_138, %add3A_199 : i32
        %dma_wait3A_201 = arith.constant 0 : i32
        %dma_wait3A_202 = tpu.memref_slice %arg5[%add3A_200, %dma_wait3A_201] : memref<25x80xi32, #tpu.memory_space<vmem>> -> memref<1x80xi32, #tpu.memory_space<vmem>>
        %dma_wait3A_203 = tpu.memref_squeeze %dma_wait3A_202 : memref<1x80xi32, #tpu.memory_space<vmem>> -> memref<80xi32, #tpu.memory_space<vmem>>
        %dma_wait3A_204 = arith.constant 0 : i32
        %dma_wait3A_205 = arith.constant 0 : i32
        %dma_wait3A_206 = tpu.memref_slice %arg2[%dma_wait3A_204, %dma_wait3A_205] : memref<10000x128xf32, #tpu.memory_space<hbm>> -> memref<10000x128xf32, #tpu.memory_space<hbm>>
        tpu.wait_indirect_dma semaphore(%arg15 : memref<!tpu.dma_semaphore, #tpu.memory_space<semaphore_mem>>) src(%dma_wait3A_206 : memref<10000x128xf32, #tpu.memory_space<hbm>>) dst(%arg10 : memref<80x128xf32, #tpu.memory_space<vmem>>)
        %add3A_207 = arith.constant 3 : i32
        %add3A_208 = arith.addi %mul3A_138, %add3A_207 : i32
        "tpu.region"() ({
          %run_scoped3A_219 = tpu.sem_alloc : memref<!tpu.dma_semaphore, #tpu.memory_space<semaphore_mem>>
          %dma_start3A_220 = arith.constant 0 : i32
          %dma_start3A_221 = tpu.memref_slice %arg6[%add3A_208, %dma_start3A_220] : memref<25x80xi32, #tpu.memory_space<vmem>> -> memref<1x80xi32, #tpu.memory_space<vmem>>
          %dma_start3A_222 = tpu.memref_squeeze %dma_start3A_221 : memref<1x80xi32, #tpu.memory_space<vmem>> -> memref<80xi32, #tpu.memory_space<vmem>>
          %dma_start3A_223 = arith.constant 0 : i32
          %dma_start3A_224 = arith.constant 0 : i32
          %dma_start3A_225 = tpu.memref_slice %arg11[%dma_start3A_223, %dma_start3A_224] : memref<10240x128xf32, #tpu.memory_space<vmem_shared>> -> memref<10240x128xf32, #tpu.memory_space<vmem_shared>>
          tpu.enqueue_indirect_dma source(%arg10 : memref<80x128xf32, #tpu.memory_space<vmem>>) target(%dma_start3A_225 : memref<10240x128xf32, #tpu.memory_space<vmem_shared>>) offsets(%dma_start3A_222 : memref<80xi32, #tpu.memory_space<vmem>>) semaphore(%run_scoped3A_219 : memref<!tpu.dma_semaphore, #tpu.memory_space<semaphore_mem>>) {add = true}
          %dma_wait3A_226 = arith.constant 0 : i32
          %dma_wait3A_227 = tpu.memref_slice %arg6[%add3A_208, %dma_wait3A_226] : memref<25x80xi32, #tpu.memory_space<vmem>> -> memref<1x80xi32, #tpu.memory_space<vmem>>
          %dma_wait3A_228 = tpu.memref_squeeze %dma_wait3A_227 : memref<1x80xi32, #tpu.memory_space<vmem>> -> memref<80xi32, #tpu.memory_space<vmem>>
          %dma_wait3A_229 = arith.constant 0 : i32
          %dma_wait3A_230 = arith.constant 0 : i32
          %dma_wait3A_231 = tpu.memref_slice %arg11[%dma_wait3A_229, %dma_wait3A_230] : memref<10240x128xf32, #tpu.memory_space<vmem_shared>> -> memref<10240x128xf32, #tpu.memory_space<vmem_shared>>
          tpu.wait_indirect_dma semaphore(%run_scoped3A_219 : memref<!tpu.dma_semaphore, #tpu.memory_space<semaphore_mem>>) src(%arg10 : memref<80x128xf32, #tpu.memory_space<vmem>>) dst(%dma_wait3A_231 : memref<10240x128xf32, #tpu.memory_space<vmem_shared>>)
          tpu.yield
        }) : () -> ()
        %add3A_209 = arith.constant 4 : i32
        %add3A_210 = arith.addi %mul3A_138, %add3A_209 : i32
        %add3A_211 = arith.constant 3 : i32
        %add3A_212 = arith.addi %add3A_210, %add3A_211 : i32
        %dma_start3A_213 = arith.constant 0 : i32
        %dma_start3A_214 = tpu.memref_slice %arg5[%add3A_212, %dma_start3A_213] : memref<25x80xi32, #tpu.memory_space<vmem>> -> memref<1x80xi32, #tpu.memory_space<vmem>>
        %dma_start3A_215 = tpu.memref_squeeze %dma_start3A_214 : memref<1x80xi32, #tpu.memory_space<vmem>> -> memref<80xi32, #tpu.memory_space<vmem>>
        %dma_start3A_216 = arith.constant 0 : i32
        %dma_start3A_217 = arith.constant 0 : i32
        %dma_start3A_218 = tpu.memref_slice %arg2[%dma_start3A_216, %dma_start3A_217] : memref<10000x128xf32, #tpu.memory_space<hbm>> -> memref<10000x128xf32, #tpu.memory_space<hbm>>
        tpu.enqueue_indirect_dma source(%dma_start3A_218 : memref<10000x128xf32, #tpu.memory_space<hbm>>) target(%arg10 : memref<80x128xf32, #tpu.memory_space<vmem>>) offsets(%dma_start3A_215 : memref<80xi32, #tpu.memory_space<vmem>>) semaphore(%arg15 : memref<!tpu.dma_semaphore, #tpu.memory_space<semaphore_mem>>)
      }
      %scan3A_85 = arith.constant 5 : i32
      %dma_wait3A = arith.constant 20 : i32
      %dma_wait3A_86 = arith.constant 0 : i32
      %dma_wait3A_87 = tpu.memref_slice %arg5[%dma_wait3A, %dma_wait3A_86] : memref<25x80xi32, #tpu.memory_space<vmem>> -> memref<1x80xi32, #tpu.memory_space<vmem>>
      %dma_wait3A_88 = tpu.memref_squeeze %dma_wait3A_87 : memref<1x80xi32, #tpu.memory_space<vmem>> -> memref<80xi32, #tpu.memory_space<vmem>>
      %dma_wait3A_89 = arith.constant 0 : i32
      %dma_wait3A_90 = arith.constant 0 : i32
      %dma_wait3A_91 = tpu.memref_slice %arg2[%dma_wait3A_89, %dma_wait3A_90] : memref<10000x128xf32, #tpu.memory_space<hbm>> -> memref<10000x128xf32, #tpu.memory_space<hbm>>
      tpu.wait_indirect_dma semaphore(%arg12 : memref<!tpu.dma_semaphore, #tpu.memory_space<semaphore_mem>>) src(%dma_wait3A_91 : memref<10000x128xf32, #tpu.memory_space<hbm>>) dst(%arg7 : memref<80x128xf32, #tpu.memory_space<vmem>>)
      %run_scoped3A_92 = arith.constant 20 : i32
      "tpu.region"() ({
        %run_scoped3A_132 = tpu.sem_alloc : memref<!tpu.dma_semaphore, #tpu.memory_space<semaphore_mem>>
        %dma_start3A_133 = arith.constant 0 : i32
        %dma_start3A_134 = tpu.memref_slice %arg6[%run_scoped3A_92, %dma_start3A_133] : memref<25x80xi32, #tpu.memory_space<vmem>> -> memref<1x80xi32, #tpu.memory_space<vmem>>
        %dma_start3A_135 = tpu.memref_squeeze %dma_start3A_134 : memref<1x80xi32, #tpu.memory_space<vmem>> -> memref<80xi32, #tpu.memory_space<vmem>>
        %dma_start3A_136 = arith.constant 0 : i32
        %dma_start3A_137 = arith.constant 0 : i32
        %dma_start3A_138 = tpu.memref_slice %arg11[%dma_start3A_136, %dma_start3A_137] : memref<10240x128xf32, #tpu.memory_space<vmem_shared>> -> memref<10240x128xf32, #tpu.memory_space<vmem_shared>>
        tpu.enqueue_indirect_dma source(%arg7 : memref<80x128xf32, #tpu.memory_space<vmem>>) target(%dma_start3A_138 : memref<10240x128xf32, #tpu.memory_space<vmem_shared>>) offsets(%dma_start3A_135 : memref<80xi32, #tpu.memory_space<vmem>>) semaphore(%run_scoped3A_132 : memref<!tpu.dma_semaphore, #tpu.memory_space<semaphore_mem>>) {add = true}
        %dma_wait3A_139 = arith.constant 0 : i32
        %dma_wait3A_140 = tpu.memref_slice %arg6[%run_scoped3A_92, %dma_wait3A_139] : memref<25x80xi32, #tpu.memory_space<vmem>> -> memref<1x80xi32, #tpu.memory_space<vmem>>
        %dma_wait3A_141 = tpu.memref_squeeze %dma_wait3A_140 : memref<1x80xi32, #tpu.memory_space<vmem>> -> memref<80xi32, #tpu.memory_space<vmem>>
        %dma_wait3A_142 = arith.constant 0 : i32
        %dma_wait3A_143 = arith.constant 0 : i32
        %dma_wait3A_144 = tpu.memref_slice %arg11[%dma_wait3A_142, %dma_wait3A_143] : memref<10240x128xf32, #tpu.memory_space<vmem_shared>> -> memref<10240x128xf32, #tpu.memory_space<vmem_shared>>
        tpu.wait_indirect_dma semaphore(%run_scoped3A_132 : memref<!tpu.dma_semaphore, #tpu.memory_space<semaphore_mem>>) src(%arg7 : memref<80x128xf32, #tpu.memory_space<vmem>>) dst(%dma_wait3A_144 : memref<10240x128xf32, #tpu.memory_space<vmem_shared>>)
        tpu.yield
      }) : () -> ()
      %dma_start3A_93 = arith.constant 24 : i32
      %dma_start3A_94 = arith.constant 0 : i32
      %dma_start3A_95 = tpu.memref_slice %arg5[%dma_start3A_93, %dma_start3A_94] : memref<25x80xi32, #tpu.memory_space<vmem>> -> memref<1x80xi32, #tpu.memory_space<vmem>>
      %dma_start3A_96 = tpu.memref_squeeze %dma_start3A_95 : memref<1x80xi32, #tpu.memory_space<vmem>> -> memref<80xi32, #tpu.memory_space<vmem>>
      %dma_start3A_97 = arith.constant 0 : i32
      %dma_start3A_98 = arith.constant 0 : i32
      %dma_start3A_99 = tpu.memref_slice %arg2[%dma_start3A_97, %dma_start3A_98] : memref<10000x128xf32, #tpu.memory_space<hbm>> -> memref<10000x128xf32, #tpu.memory_space<hbm>>
      tpu.enqueue_indirect_dma source(%dma_start3A_99 : memref<10000x128xf32, #tpu.memory_space<hbm>>) target(%arg7 : memref<80x128xf32, #tpu.memory_space<vmem>>) offsets(%dma_start3A_96 : memref<80xi32, #tpu.memory_space<vmem>>) semaphore(%arg12 : memref<!tpu.dma_semaphore, #tpu.memory_space<semaphore_mem>>)
      %dma_wait3A_100 = arith.constant 21 : i32
      %dma_wait3A_101 = arith.constant 0 : i32
      %dma_wait3A_102 = tpu.memref_slice %arg5[%dma_wait3A_100, %dma_wait3A_101] : memref<25x80xi32, #tpu.memory_space<vmem>> -> memref<1x80xi32, #tpu.memory_space<vmem>>
      %dma_wait3A_103 = tpu.memref_squeeze %dma_wait3A_102 : memref<1x80xi32, #tpu.memory_space<vmem>> -> memref<80xi32, #tpu.memory_space<vmem>>
      %dma_wait3A_104 = arith.constant 0 : i32
      %dma_wait3A_105 = arith.constant 0 : i32
      %dma_wait3A_106 = tpu.memref_slice %arg2[%dma_wait3A_104, %dma_wait3A_105] : memref<10000x128xf32, #tpu.memory_space<hbm>> -> memref<10000x128xf32, #tpu.memory_space<hbm>>
      tpu.wait_indirect_dma semaphore(%arg13 : memref<!tpu.dma_semaphore, #tpu.memory_space<semaphore_mem>>) src(%dma_wait3A_106 : memref<10000x128xf32, #tpu.memory_space<hbm>>) dst(%arg8 : memref<80x128xf32, #tpu.memory_space<vmem>>)
      %run_scoped3A_107 = arith.constant 21 : i32
      "tpu.region"() ({
        %run_scoped3A_132 = tpu.sem_alloc : memref<!tpu.dma_semaphore, #tpu.memory_space<semaphore_mem>>
        %dma_start3A_133 = arith.constant 0 : i32
        %dma_start3A_134 = tpu.memref_slice %arg6[%run_scoped3A_107, %dma_start3A_133] : memref<25x80xi32, #tpu.memory_space<vmem>> -> memref<1x80xi32, #tpu.memory_space<vmem>>
        %dma_start3A_135 = tpu.memref_squeeze %dma_start3A_134 : memref<1x80xi32, #tpu.memory_space<vmem>> -> memref<80xi32, #tpu.memory_space<vmem>>
        %dma_start3A_136 = arith.constant 0 : i32
        %dma_start3A_137 = arith.constant 0 : i32
        %dma_start3A_138 = tpu.memref_slice %arg11[%dma_start3A_136, %dma_start3A_137] : memref<10240x128xf32, #tpu.memory_space<vmem_shared>> -> memref<10240x128xf32, #tpu.memory_space<vmem_shared>>
        tpu.enqueue_indirect_dma source(%arg8 : memref<80x128xf32, #tpu.memory_space<vmem>>) target(%dma_start3A_138 : memref<10240x128xf32, #tpu.memory_space<vmem_shared>>) offsets(%dma_start3A_135 : memref<80xi32, #tpu.memory_space<vmem>>) semaphore(%run_scoped3A_132 : memref<!tpu.dma_semaphore, #tpu.memory_space<semaphore_mem>>) {add = true}
        %dma_wait3A_139 = arith.constant 0 : i32
        %dma_wait3A_140 = tpu.memref_slice %arg6[%run_scoped3A_107, %dma_wait3A_139] : memref<25x80xi32, #tpu.memory_space<vmem>> -> memref<1x80xi32, #tpu.memory_space<vmem>>
        %dma_wait3A_141 = tpu.memref_squeeze %dma_wait3A_140 : memref<1x80xi32, #tpu.memory_space<vmem>> -> memref<80xi32, #tpu.memory_space<vmem>>
        %dma_wait3A_142 = arith.constant 0 : i32
        %dma_wait3A_143 = arith.constant 0 : i32
        %dma_wait3A_144 = tpu.memref_slice %arg11[%dma_wait3A_142, %dma_wait3A_143] : memref<10240x128xf32, #tpu.memory_space<vmem_shared>> -> memref<10240x128xf32, #tpu.memory_space<vmem_shared>>
        tpu.wait_indirect_dma semaphore(%run_scoped3A_132 : memref<!tpu.dma_semaphore, #tpu.memory_space<semaphore_mem>>) src(%arg8 : memref<80x128xf32, #tpu.memory_space<vmem>>) dst(%dma_wait3A_144 : memref<10240x128xf32, #tpu.memory_space<vmem_shared>>)
        tpu.yield
      }) : () -> ()
      %dma_wait3A_108 = arith.constant 22 : i32
      %dma_wait3A_109 = arith.constant 0 : i32
      %dma_wait3A_110 = tpu.memref_slice %arg5[%dma_wait3A_108, %dma_wait3A_109] : memref<25x80xi32, #tpu.memory_space<vmem>> -> memref<1x80xi32, #tpu.memory_space<vmem>>
      %dma_wait3A_111 = tpu.memref_squeeze %dma_wait3A_110 : memref<1x80xi32, #tpu.memory_space<vmem>> -> memref<80xi32, #tpu.memory_space<vmem>>
      %dma_wait3A_112 = arith.constant 0 : i32
      %dma_wait3A_113 = arith.constant 0 : i32
      %dma_wait3A_114 = tpu.memref_slice %arg2[%dma_wait3A_112, %dma_wait3A_113] : memref<10000x128xf32, #tpu.memory_space<hbm>> -> memref<10000x128xf32, #tpu.memory_space<hbm>>
      tpu.wait_indirect_dma semaphore(%arg14 : memref<!tpu.dma_semaphore, #tpu.memory_space<semaphore_mem>>) src(%dma_wait3A_114 : memref<10000x128xf32, #tpu.memory_space<hbm>>) dst(%arg9 : memref<80x128xf32, #tpu.memory_space<vmem>>)
      %run_scoped3A_115 = arith.constant 22 : i32
      "tpu.region"() ({
        %run_scoped3A_132 = tpu.sem_alloc : memref<!tpu.dma_semaphore, #tpu.memory_space<semaphore_mem>>
        %dma_start3A_133 = arith.constant 0 : i32
        %dma_start3A_134 = tpu.memref_slice %arg6[%run_scoped3A_115, %dma_start3A_133] : memref<25x80xi32, #tpu.memory_space<vmem>> -> memref<1x80xi32, #tpu.memory_space<vmem>>
        %dma_start3A_135 = tpu.memref_squeeze %dma_start3A_134 : memref<1x80xi32, #tpu.memory_space<vmem>> -> memref<80xi32, #tpu.memory_space<vmem>>
        %dma_start3A_136 = arith.constant 0 : i32
        %dma_start3A_137 = arith.constant 0 : i32
        %dma_start3A_138 = tpu.memref_slice %arg11[%dma_start3A_136, %dma_start3A_137] : memref<10240x128xf32, #tpu.memory_space<vmem_shared>> -> memref<10240x128xf32, #tpu.memory_space<vmem_shared>>
        tpu.enqueue_indirect_dma source(%arg9 : memref<80x128xf32, #tpu.memory_space<vmem>>) target(%dma_start3A_138 : memref<10240x128xf32, #tpu.memory_space<vmem_shared>>) offsets(%dma_start3A_135 : memref<80xi32, #tpu.memory_space<vmem>>) semaphore(%run_scoped3A_132 : memref<!tpu.dma_semaphore, #tpu.memory_space<semaphore_mem>>) {add = true}
        %dma_wait3A_139 = arith.constant 0 : i32
        %dma_wait3A_140 = tpu.memref_slice %arg6[%run_scoped3A_115, %dma_wait3A_139] : memref<25x80xi32, #tpu.memory_space<vmem>> -> memref<1x80xi32, #tpu.memory_space<vmem>>
        %dma_wait3A_141 = tpu.memref_squeeze %dma_wait3A_140 : memref<1x80xi32, #tpu.memory_space<vmem>> -> memref<80xi32, #tpu.memory_space<vmem>>
        %dma_wait3A_142 = arith.constant 0 : i32
        %dma_wait3A_143 = arith.constant 0 : i32
        %dma_wait3A_144 = tpu.memref_slice %arg11[%dma_wait3A_142, %dma_wait3A_143] : memref<10240x128xf32, #tpu.memory_space<vmem_shared>> -> memref<10240x128xf32, #tpu.memory_space<vmem_shared>>
        tpu.wait_indirect_dma semaphore(%run_scoped3A_132 : memref<!tpu.dma_semaphore, #tpu.memory_space<semaphore_mem>>) src(%arg9 : memref<80x128xf32, #tpu.memory_space<vmem>>) dst(%dma_wait3A_144 : memref<10240x128xf32, #tpu.memory_space<vmem_shared>>)
        tpu.yield
      }) : () -> ()
      %dma_wait3A_116 = arith.constant 23 : i32
      %dma_wait3A_117 = arith.constant 0 : i32
      %dma_wait3A_118 = tpu.memref_slice %arg5[%dma_wait3A_116, %dma_wait3A_117] : memref<25x80xi32, #tpu.memory_space<vmem>> -> memref<1x80xi32, #tpu.memory_space<vmem>>
      %dma_wait3A_119 = tpu.memref_squeeze %dma_wait3A_118 : memref<1x80xi32, #tpu.memory_space<vmem>> -> memref<80xi32, #tpu.memory_space<vmem>>
      %dma_wait3A_120 = arith.constant 0 : i32
      %dma_wait3A_121 = arith.constant 0 : i32
      %dma_wait3A_122 = tpu.memref_slice %arg2[%dma_wait3A_120, %dma_wait3A_121] : memref<10000x128xf32, #tpu.memory_space<hbm>> -> memref<10000x128xf32, #tpu.memory_space<hbm>>
      tpu.wait_indirect_dma semaphore(%arg15 : memref<!tpu.dma_semaphore, #tpu.memory_space<semaphore_mem>>) src(%dma_wait3A_122 : memref<10000x128xf32, #tpu.memory_space<hbm>>) dst(%arg10 : memref<80x128xf32, #tpu.memory_space<vmem>>)
      %run_scoped3A_123 = arith.constant 23 : i32
      "tpu.region"() ({
        %run_scoped3A_132 = tpu.sem_alloc : memref<!tpu.dma_semaphore, #tpu.memory_space<semaphore_mem>>
        %dma_start3A_133 = arith.constant 0 : i32
        %dma_start3A_134 = tpu.memref_slice %arg6[%run_scoped3A_123, %dma_start3A_133] : memref<25x80xi32, #tpu.memory_space<vmem>> -> memref<1x80xi32, #tpu.memory_space<vmem>>
        %dma_start3A_135 = tpu.memref_squeeze %dma_start3A_134 : memref<1x80xi32, #tpu.memory_space<vmem>> -> memref<80xi32, #tpu.memory_space<vmem>>
        %dma_start3A_136 = arith.constant 0 : i32
        %dma_start3A_137 = arith.constant 0 : i32
        %dma_start3A_138 = tpu.memref_slice %arg11[%dma_start3A_136, %dma_start3A_137] : memref<10240x128xf32, #tpu.memory_space<vmem_shared>> -> memref<10240x128xf32, #tpu.memory_space<vmem_shared>>
        tpu.enqueue_indirect_dma source(%arg10 : memref<80x128xf32, #tpu.memory_space<vmem>>) target(%dma_start3A_138 : memref<10240x128xf32, #tpu.memory_space<vmem_shared>>) offsets(%dma_start3A_135 : memref<80xi32, #tpu.memory_space<vmem>>) semaphore(%run_scoped3A_132 : memref<!tpu.dma_semaphore, #tpu.memory_space<semaphore_mem>>) {add = true}
        %dma_wait3A_139 = arith.constant 0 : i32
        %dma_wait3A_140 = tpu.memref_slice %arg6[%run_scoped3A_123, %dma_wait3A_139] : memref<25x80xi32, #tpu.memory_space<vmem>> -> memref<1x80xi32, #tpu.memory_space<vmem>>
        %dma_wait3A_141 = tpu.memref_squeeze %dma_wait3A_140 : memref<1x80xi32, #tpu.memory_space<vmem>> -> memref<80xi32, #tpu.memory_space<vmem>>
        %dma_wait3A_142 = arith.constant 0 : i32
        %dma_wait3A_143 = arith.constant 0 : i32
        %dma_wait3A_144 = tpu.memref_slice %arg11[%dma_wait3A_142, %dma_wait3A_143] : memref<10240x128xf32, #tpu.memory_space<vmem_shared>> -> memref<10240x128xf32, #tpu.memory_space<vmem_shared>>
        tpu.wait_indirect_dma semaphore(%run_scoped3A_132 : memref<!tpu.dma_semaphore, #tpu.memory_space<semaphore_mem>>) src(%arg10 : memref<80x128xf32, #tpu.memory_space<vmem>>) dst(%dma_wait3A_144 : memref<10240x128xf32, #tpu.memory_space<vmem_shared>>)
        tpu.yield
      }) : () -> ()
      %dma_wait3A_124 = arith.constant 24 : i32
      %dma_wait3A_125 = arith.constant 0 : i32
      %dma_wait3A_126 = tpu.memref_slice %arg5[%dma_wait3A_124, %dma_wait3A_125] : memref<25x80xi32, #tpu.memory_space<vmem>> -> memref<1x80xi32, #tpu.memory_space<vmem>>
      %dma_wait3A_127 = tpu.memref_squeeze %dma_wait3A_126 : memref<1x80xi32, #tpu.memory_space<vmem>> -> memref<80xi32, #tpu.memory_space<vmem>>
      %dma_wait3A_128 = arith.constant 0 : i32
      %dma_wait3A_129 = arith.constant 0 : i32
      %dma_wait3A_130 = tpu.memref_slice %arg2[%dma_wait3A_128, %dma_wait3A_129] : memref<10000x128xf32, #tpu.memory_space<hbm>> -> memref<10000x128xf32, #tpu.memory_space<hbm>>
      tpu.wait_indirect_dma semaphore(%arg12 : memref<!tpu.dma_semaphore, #tpu.memory_space<semaphore_mem>>) src(%dma_wait3A_130 : memref<10000x128xf32, #tpu.memory_space<hbm>>) dst(%arg7 : memref<80x128xf32, #tpu.memory_space<vmem>>)
      %run_scoped3A_131 = arith.constant 24 : i32
      "tpu.region"() ({
        %run_scoped3A_132 = tpu.sem_alloc : memref<!tpu.dma_semaphore, #tpu.memory_space<semaphore_mem>>
        %dma_start3A_133 = arith.constant 0 : i32
        %dma_start3A_134 = tpu.memref_slice %arg6[%run_scoped3A_131, %dma_start3A_133] : memref<25x80xi32, #tpu.memory_space<vmem>> -> memref<1x80xi32, #tpu.memory_space<vmem>>
        %dma_start3A_135 = tpu.memref_squeeze %dma_start3A_134 : memref<1x80xi32, #tpu.memory_space<vmem>> -> memref<80xi32, #tpu.memory_space<vmem>>
        %dma_start3A_136 = arith.constant 0 : i32
        %dma_start3A_137 = arith.constant 0 : i32
        %dma_start3A_138 = tpu.memref_slice %arg11[%dma_start3A_136, %dma_start3A_137] : memref<10240x128xf32, #tpu.memory_space<vmem_shared>> -> memref<10240x128xf32, #tpu.memory_space<vmem_shared>>
        tpu.enqueue_indirect_dma source(%arg7 : memref<80x128xf32, #tpu.memory_space<vmem>>) target(%dma_start3A_138 : memref<10240x128xf32, #tpu.memory_space<vmem_shared>>) offsets(%dma_start3A_135 : memref<80xi32, #tpu.memory_space<vmem>>) semaphore(%run_scoped3A_132 : memref<!tpu.dma_semaphore, #tpu.memory_space<semaphore_mem>>) {add = true}
        %dma_wait3A_139 = arith.constant 0 : i32
        %dma_wait3A_140 = tpu.memref_slice %arg6[%run_scoped3A_131, %dma_wait3A_139] : memref<25x80xi32, #tpu.memory_space<vmem>> -> memref<1x80xi32, #tpu.memory_space<vmem>>
        %dma_wait3A_141 = tpu.memref_squeeze %dma_wait3A_140 : memref<1x80xi32, #tpu.memory_space<vmem>> -> memref<80xi32, #tpu.memory_space<vmem>>
        %dma_wait3A_142 = arith.constant 0 : i32
        %dma_wait3A_143 = arith.constant 0 : i32
        %dma_wait3A_144 = tpu.memref_slice %arg11[%dma_wait3A_142, %dma_wait3A_143] : memref<10240x128xf32, #tpu.memory_space<vmem_shared>> -> memref<10240x128xf32, #tpu.memory_space<vmem_shared>>
        tpu.wait_indirect_dma semaphore(%run_scoped3A_132 : memref<!tpu.dma_semaphore, #tpu.memory_space<semaphore_mem>>) src(%arg7 : memref<80x128xf32, #tpu.memory_space<vmem>>) dst(%dma_wait3A_144 : memref<10240x128xf32, #tpu.memory_space<vmem_shared>>)
        tpu.yield
      }) : () -> ()
    }
    %scan3A_42 = arith.constant 5 : i32
    %barrier3A_43 = arith.constant 0 : index
    tpu.barrier barrier_id(%barrier3A_43)
    %mul3A_44 = arith.constant 640 : i32
    %mul3A_45 = arith.muli %arg1, %mul3A_44 : i32
    %mul3A_46 = arith.constant 640 : i32
    %mul3A_47 = arith.muli %arg1, %mul3A_46 : i32
    "tpu.region"() ({
      %run_scoped3A = tpu.sem_alloc : memref<!tpu.dma_semaphore, #tpu.memory_space<semaphore_mem>>
      %dma_start3A = arith.constant 0 : i32
      %dma_start3A_48 = tpu.memref_slice %arg4[%arg0, %mul3A_47, %dma_start3A] : memref<2x10240x128xf32, #tpu.memory_space<hbm>> -> memref<1x640x128xf32, #tpu.memory_space<hbm>>
      %dma_start3A_49 = tpu.memref_squeeze %dma_start3A_48 : memref<1x640x128xf32, #tpu.memory_space<hbm>> -> memref<640x128xf32, #tpu.memory_space<hbm>>
      %dma_start3A_50 = arith.constant 0 : i32
      %dma_start3A_51 = tpu.memref_slice %arg11[%mul3A_45, %dma_start3A_50] : memref<10240x128xf32, #tpu.memory_space<vmem_shared>> -> memref<640x128xf32, #tpu.memory_space<vmem_shared>>
      tpu.enqueue_dma source(%dma_start3A_51 : memref<640x128xf32, #tpu.memory_space<vmem_shared>>) target(%dma_start3A_49 : memref<640x128xf32, #tpu.memory_space<hbm>>) target_semaphore(%run_scoped3A : memref<!tpu.dma_semaphore, #tpu.memory_space<semaphore_mem>>)
      %dma_wait3A = arith.constant 0 : i32
      %dma_wait3A_52 = tpu.memref_slice %arg4[%arg0, %mul3A_47, %dma_wait3A] : memref<2x10240x128xf32, #tpu.memory_space<hbm>> -> memref<1x640x128xf32, #tpu.memory_space<hbm>>
      %dma_wait3A_53 = tpu.memref_squeeze %dma_wait3A_52 : memref<1x640x128xf32, #tpu.memory_space<hbm>> -> memref<640x128xf32, #tpu.memory_space<hbm>>
      %dma_wait3A_54 = arith.constant 0 : i32
      %dma_wait3A_55 = tpu.memref_slice %arg11[%mul3A_45, %dma_wait3A_54] : memref<10240x128xf32, #tpu.memory_space<vmem_shared>> -> memref<640x128xf32, #tpu.memory_space<vmem_shared>>
      tpu.wait_dma2 semaphore(%run_scoped3A : memref<!tpu.dma_semaphore, #tpu.memory_space<semaphore_mem>>) src(%dma_wait3A_55 : memref<640x128xf32, #tpu.memory_space<vmem_shared>>) dst(%dma_wait3A_53 : memref<640x128xf32, #tpu.memory_space<hbm>>)
      tpu.yield
    }) : () -> ()
    return
  }
}

#map = affine_map<(d0, d1) -> (0, 0)>
#map1 = affine_map<(d0, d1) -> (0, 0, 0, 0, 0)>
#map2 = affine_map<(d0, d1) -> (0)>
module attributes {stable_mosaic.version = 14 : i64} {
  func.func @_sc_scores_body(%arg0: i32, %arg1: i32, %arg2: memref<8x10000xf32, #tpu.memory_space<hbm>>, %arg3: memref<2x32x5x25x80xi32, #tpu.memory_space<hbm>>, %arg4: memref<320000xf32, #tpu.memory_space<hbm>>, %arg5: memref<25x80xi32, #tpu.memory_space<vmem>>, %arg6: memref<25x80xi32, #tpu.memory_space<vmem>>, %arg7: memref<10000xf32, #tpu.memory_space<vmem>>, %arg8: memref<10000xf32, #tpu.memory_space<vmem_shared>>, %arg9: memref<10000xf32, #tpu.memory_space<vmem_shared>>, %arg10: memref<!tpu.dma_semaphore, #tpu.memory_space<semaphore_mem>>, %arg11: memref<!tpu.dma_semaphore, #tpu.memory_space<semaphore_mem>>, %arg12: memref<!tpu.dma_semaphore, #tpu.memory_space<semaphore_mem>>, %arg13: memref<!tpu.dma_semaphore, #tpu.memory_space<semaphore_mem>>, %arg14: memref<!tpu.dma_semaphore, #tpu.memory_space<semaphore_mem>>, %arg15: memref<!tpu.dma_semaphore, #tpu.memory_space<semaphore_mem>>) attributes {dimension_semantics = [#tpu.dimension_semantics<core_parallel>, #tpu.dimension_semantics<subcore_parallel>], iteration_bounds = array<i64: 2, 16>, scalar_prefetch = 0 : i64, scratch_operands = 11 : i64, tpu.core_type = #tpu.core_type<sc_vector_subcore>, window_params = [{transform_indices = #map}, {transform_indices = #map1}, {transform_indices = #map2}]} {
    %mul3A = arith.constant 2 : i32
    %mul3A_0 = arith.muli %arg1, %mul3A : i32
    %add3A = arith.addi %mul3A_0, %arg0 : i32
    %eq3A = arith.constant 0 : i32
    %eq3A_1 = arith.cmpi eq, %arg1, %eq3A : i32
    %convert_element_type3A = arith.extui %eq3A_1 : i1 to i32
    %cond3A = arith.constant 0 : i32
    %cond3A_2 = arith.cmpi ne, %convert_element_type3A, %cond3A : i32
    scf.if %cond3A_2 {
      %run_scoped3A = arith.constant 0 : i32
      "tpu.region"() ({
        %run_scoped3A_10 = tpu.sem_alloc : memref<!tpu.dma_semaphore, #tpu.memory_space<semaphore_mem>>
        %dma_start3A = arith.constant 0 : i32
        %dma_start3A_11 = tpu.memref_slice %arg2[%run_scoped3A, %dma_start3A] : memref<8x10000xf32, #tpu.memory_space<hbm>> -> memref<1x10000xf32, #tpu.memory_space<hbm>>
        %dma_start3A_12 = tpu.memref_squeeze %dma_start3A_11 : memref<1x10000xf32, #tpu.memory_space<hbm>> -> memref<10000xf32, #tpu.memory_space<hbm>>
        tpu.enqueue_dma source(%dma_start3A_12 : memref<10000xf32, #tpu.memory_space<hbm>>) target(%arg8 : memref<10000xf32, #tpu.memory_space<vmem_shared>>) target_semaphore(%run_scoped3A_10 : memref<!tpu.dma_semaphore, #tpu.memory_space<semaphore_mem>>)
        %dma_wait3A = arith.constant 0 : i32
        %dma_wait3A_13 = tpu.memref_slice %arg2[%run_scoped3A, %dma_wait3A] : memref<8x10000xf32, #tpu.memory_space<hbm>> -> memref<1x10000xf32, #tpu.memory_space<hbm>>
        %dma_wait3A_14 = tpu.memref_squeeze %dma_wait3A_13 : memref<1x10000xf32, #tpu.memory_space<hbm>> -> memref<10000xf32, #tpu.memory_space<hbm>>
        tpu.wait_dma2 semaphore(%run_scoped3A_10 : memref<!tpu.dma_semaphore, #tpu.memory_space<semaphore_mem>>) src(%dma_wait3A_14 : memref<10000xf32, #tpu.memory_space<hbm>>) dst(%arg8 : memref<10000xf32, #tpu.memory_space<vmem_shared>>)
        tpu.yield
      }) : () -> ()
      %run_scoped3A_9 = arith.constant 1 : i32
      "tpu.region"() ({
        %run_scoped3A_10 = tpu.sem_alloc : memref<!tpu.dma_semaphore, #tpu.memory_space<semaphore_mem>>
        %dma_start3A = arith.constant 0 : i32
        %dma_start3A_11 = tpu.memref_slice %arg2[%run_scoped3A_9, %dma_start3A] : memref<8x10000xf32, #tpu.memory_space<hbm>> -> memref<1x10000xf32, #tpu.memory_space<hbm>>
        %dma_start3A_12 = tpu.memref_squeeze %dma_start3A_11 : memref<1x10000xf32, #tpu.memory_space<hbm>> -> memref<10000xf32, #tpu.memory_space<hbm>>
        tpu.enqueue_dma source(%dma_start3A_12 : memref<10000xf32, #tpu.memory_space<hbm>>) target(%arg9 : memref<10000xf32, #tpu.memory_space<vmem_shared>>) target_semaphore(%run_scoped3A_10 : memref<!tpu.dma_semaphore, #tpu.memory_space<semaphore_mem>>)
        %dma_wait3A = arith.constant 0 : i32
        %dma_wait3A_13 = tpu.memref_slice %arg2[%run_scoped3A_9, %dma_wait3A] : memref<8x10000xf32, #tpu.memory_space<hbm>> -> memref<1x10000xf32, #tpu.memory_space<hbm>>
        %dma_wait3A_14 = tpu.memref_squeeze %dma_wait3A_13 : memref<1x10000xf32, #tpu.memory_space<hbm>> -> memref<10000xf32, #tpu.memory_space<hbm>>
        tpu.wait_dma2 semaphore(%run_scoped3A_10 : memref<!tpu.dma_semaphore, #tpu.memory_space<semaphore_mem>>) src(%dma_wait3A_14 : memref<10000xf32, #tpu.memory_space<hbm>>) dst(%arg9 : memref<10000xf32, #tpu.memory_space<vmem_shared>>)
        tpu.yield
      }) : () -> ()
    } else {
    }
    %barrier3A = arith.constant 0 : index
    tpu.barrier barrier_id(%barrier3A)
    %scan3A = arith.constant 0 : i32
    %scan3A_3 = arith.constant 5 : i32
    %scan3A_4 = arith.addi %scan3A, %scan3A_3 : i32
    %scan3A_5 = arith.constant 1 : i32
    scf.for %scan3A_9 = %scan3A to %scan3A_4 step %scan3A_5  : i32 {
      %mul3A_10 = arith.constant 1 : i32
      %mul3A_11 = arith.muli %scan3A_9, %mul3A_10 : i32
      %add3A_12 = arith.constant 0 : i32
      %add3A_13 = arith.addi %add3A_12, %mul3A_11 : i32
      %run_scoped3A = arith.constant 0 : i32
      "tpu.region"() ({
        %run_scoped3A_193 = tpu.sem_alloc : memref<!tpu.dma_semaphore, #tpu.memory_space<semaphore_mem>>
        %dma_start3A_194 = arith.constant 0 : i32
        %dma_start3A_195 = arith.constant 0 : i32
        %dma_start3A_196 = tpu.memref_slice %arg3[%run_scoped3A, %add3A, %add3A_13, %dma_start3A_194, %dma_start3A_195] : memref<2x32x5x25x80xi32, #tpu.memory_space<hbm>> -> memref<1x1x1x25x80xi32, #tpu.memory_space<hbm>>
        %dma_start3A_197 = tpu.memref_squeeze %dma_start3A_196 : memref<1x1x1x25x80xi32, #tpu.memory_space<hbm>> -> memref<25x80xi32, #tpu.memory_space<hbm>>
        %dma_start3A_198 = arith.constant 0 : i32
        %dma_start3A_199 = arith.constant 0 : i32
        %dma_start3A_200 = tpu.memref_slice %arg3[%run_scoped3A, %add3A, %add3A_13, %dma_start3A_198, %dma_start3A_199] : memref<2x32x5x25x80xi32, #tpu.memory_space<hbm>> -> memref<1x1x1x25x80xi32, #tpu.memory_space<hbm>>
        %dma_start3A_201 = tpu.memref_squeeze %dma_start3A_200 : memref<1x1x1x25x80xi32, #tpu.memory_space<hbm>> -> memref<25x80xi32, #tpu.memory_space<hbm>>
        tpu.enqueue_dma source(%dma_start3A_201 : memref<25x80xi32, #tpu.memory_space<hbm>>) target(%arg5 : memref<25x80xi32, #tpu.memory_space<vmem>>) target_semaphore(%run_scoped3A_193 : memref<!tpu.dma_semaphore, #tpu.memory_space<semaphore_mem>>)
        %dma_wait3A_202 = arith.constant 0 : i32
        %dma_wait3A_203 = arith.constant 0 : i32
        %dma_wait3A_204 = tpu.memref_slice %arg3[%run_scoped3A, %add3A, %add3A_13, %dma_wait3A_202, %dma_wait3A_203] : memref<2x32x5x25x80xi32, #tpu.memory_space<hbm>> -> memref<1x1x1x25x80xi32, #tpu.memory_space<hbm>>
        %dma_wait3A_205 = tpu.memref_squeeze %dma_wait3A_204 : memref<1x1x1x25x80xi32, #tpu.memory_space<hbm>> -> memref<25x80xi32, #tpu.memory_space<hbm>>
        %dma_wait3A_206 = arith.constant 0 : i32
        %dma_wait3A_207 = arith.constant 0 : i32
        %dma_wait3A_208 = tpu.memref_slice %arg3[%run_scoped3A, %add3A, %add3A_13, %dma_wait3A_206, %dma_wait3A_207] : memref<2x32x5x25x80xi32, #tpu.memory_space<hbm>> -> memref<1x1x1x25x80xi32, #tpu.memory_space<hbm>>
        %dma_wait3A_209 = tpu.memref_squeeze %dma_wait3A_208 : memref<1x1x1x25x80xi32, #tpu.memory_space<hbm>> -> memref<25x80xi32, #tpu.memory_space<hbm>>
        tpu.wait_dma2 semaphore(%run_scoped3A_193 : memref<!tpu.dma_semaphore, #tpu.memory_space<semaphore_mem>>) src(%dma_wait3A_209 : memref<25x80xi32, #tpu.memory_space<hbm>>) dst(%arg5 : memref<25x80xi32, #tpu.memory_space<vmem>>)
        tpu.yield
      }) : () -> ()
      %run_scoped3A_14 = arith.constant 1 : i32
      "tpu.region"() ({
        %run_scoped3A_193 = tpu.sem_alloc : memref<!tpu.dma_semaphore, #tpu.memory_space<semaphore_mem>>
        %dma_start3A_194 = arith.constant 0 : i32
        %dma_start3A_195 = arith.constant 0 : i32
        %dma_start3A_196 = tpu.memref_slice %arg3[%run_scoped3A_14, %add3A, %add3A_13, %dma_start3A_194, %dma_start3A_195] : memref<2x32x5x25x80xi32, #tpu.memory_space<hbm>> -> memref<1x1x1x25x80xi32, #tpu.memory_space<hbm>>
        %dma_start3A_197 = tpu.memref_squeeze %dma_start3A_196 : memref<1x1x1x25x80xi32, #tpu.memory_space<hbm>> -> memref<25x80xi32, #tpu.memory_space<hbm>>
        %dma_start3A_198 = arith.constant 0 : i32
        %dma_start3A_199 = arith.constant 0 : i32
        %dma_start3A_200 = tpu.memref_slice %arg3[%run_scoped3A_14, %add3A, %add3A_13, %dma_start3A_198, %dma_start3A_199] : memref<2x32x5x25x80xi32, #tpu.memory_space<hbm>> -> memref<1x1x1x25x80xi32, #tpu.memory_space<hbm>>
        %dma_start3A_201 = tpu.memref_squeeze %dma_start3A_200 : memref<1x1x1x25x80xi32, #tpu.memory_space<hbm>> -> memref<25x80xi32, #tpu.memory_space<hbm>>
        tpu.enqueue_dma source(%dma_start3A_201 : memref<25x80xi32, #tpu.memory_space<hbm>>) target(%arg6 : memref<25x80xi32, #tpu.memory_space<vmem>>) target_semaphore(%run_scoped3A_193 : memref<!tpu.dma_semaphore, #tpu.memory_space<semaphore_mem>>)
        %dma_wait3A_202 = arith.constant 0 : i32
        %dma_wait3A_203 = arith.constant 0 : i32
        %dma_wait3A_204 = tpu.memref_slice %arg3[%run_scoped3A_14, %add3A, %add3A_13, %dma_wait3A_202, %dma_wait3A_203] : memref<2x32x5x25x80xi32, #tpu.memory_space<hbm>> -> memref<1x1x1x25x80xi32, #tpu.memory_space<hbm>>
        %dma_wait3A_205 = tpu.memref_squeeze %dma_wait3A_204 : memref<1x1x1x25x80xi32, #tpu.memory_space<hbm>> -> memref<25x80xi32, #tpu.memory_space<hbm>>
        %dma_wait3A_206 = arith.constant 0 : i32
        %dma_wait3A_207 = arith.constant 0 : i32
        %dma_wait3A_208 = tpu.memref_slice %arg3[%run_scoped3A_14, %add3A, %add3A_13, %dma_wait3A_206, %dma_wait3A_207] : memref<2x32x5x25x80xi32, #tpu.memory_space<hbm>> -> memref<1x1x1x25x80xi32, #tpu.memory_space<hbm>>
        %dma_wait3A_209 = tpu.memref_squeeze %dma_wait3A_208 : memref<1x1x1x25x80xi32, #tpu.memory_space<hbm>> -> memref<25x80xi32, #tpu.memory_space<hbm>>
        tpu.wait_dma2 semaphore(%run_scoped3A_193 : memref<!tpu.dma_semaphore, #tpu.memory_space<semaphore_mem>>) src(%dma_wait3A_209 : memref<25x80xi32, #tpu.memory_space<hbm>>) dst(%arg6 : memref<25x80xi32, #tpu.memory_space<vmem>>)
        tpu.yield
      }) : () -> ()
      %mul3A_15 = arith.constant 25 : i32
      %mul3A_16 = arith.muli %add3A_13, %mul3A_15 : i32
      %mul3A_17 = arith.constant 80 : i32
      %mul3A_18 = arith.muli %mul3A_16, %mul3A_17 : i32
      %add3A_19 = arith.constant 0 : i32
      %add3A_20 = arith.addi %mul3A_18, %add3A_19 : i32
      %dma_start3A = arith.constant 0 : i32
      %dma_start3A_21 = tpu.memref_slice %arg7[%add3A_20] : memref<10000xf32, #tpu.memory_space<vmem>> -> memref<80xf32, #tpu.memory_space<vmem>>
      %dma_start3A_22 = arith.constant 0 : i32
      %dma_start3A_23 = tpu.memref_slice %arg5[%dma_start3A, %dma_start3A_22] : memref<25x80xi32, #tpu.memory_space<vmem>> -> memref<1x80xi32, #tpu.memory_space<vmem>>
      %dma_start3A_24 = tpu.memref_squeeze %dma_start3A_23 : memref<1x80xi32, #tpu.memory_space<vmem>> -> memref<80xi32, #tpu.memory_space<vmem>>
      %dma_start3A_25 = arith.constant 0 : i32
      %dma_start3A_26 = tpu.memref_slice %arg8[%dma_start3A_25] : memref<10000xf32, #tpu.memory_space<vmem_shared>> -> memref<10000xf32, #tpu.memory_space<vmem_shared>>
      tpu.enqueue_indirect_dma source(%dma_start3A_26 : memref<10000xf32, #tpu.memory_space<vmem_shared>>) target(%dma_start3A_21 : memref<80xf32, #tpu.memory_space<vmem>>) offsets(%dma_start3A_24 : memref<80xi32, #tpu.memory_space<vmem>>) semaphore(%arg10 : memref<!tpu.dma_semaphore, #tpu.memory_space<semaphore_mem>>)
      %add3A_27 = arith.constant 80 : i32
      %add3A_28 = arith.addi %mul3A_18, %add3A_27 : i32
      %dma_start3A_29 = arith.constant 1 : i32
      %dma_start3A_30 = tpu.memref_slice %arg7[%add3A_28] : memref<10000xf32, #tpu.memory_space<vmem>> -> memref<80xf32, #tpu.memory_space<vmem>>
      %dma_start3A_31 = arith.constant 0 : i32
      %dma_start3A_32 = tpu.memref_slice %arg5[%dma_start3A_29, %dma_start3A_31] : memref<25x80xi32, #tpu.memory_space<vmem>> -> memref<1x80xi32, #tpu.memory_space<vmem>>
      %dma_start3A_33 = tpu.memref_squeeze %dma_start3A_32 : memref<1x80xi32, #tpu.memory_space<vmem>> -> memref<80xi32, #tpu.memory_space<vmem>>
      %dma_start3A_34 = arith.constant 0 : i32
      %dma_start3A_35 = tpu.memref_slice %arg8[%dma_start3A_34] : memref<10000xf32, #tpu.memory_space<vmem_shared>> -> memref<10000xf32, #tpu.memory_space<vmem_shared>>
      tpu.enqueue_indirect_dma source(%dma_start3A_35 : memref<10000xf32, #tpu.memory_space<vmem_shared>>) target(%dma_start3A_30 : memref<80xf32, #tpu.memory_space<vmem>>) offsets(%dma_start3A_33 : memref<80xi32, #tpu.memory_space<vmem>>) semaphore(%arg11 : memref<!tpu.dma_semaphore, #tpu.memory_space<semaphore_mem>>)
      %add3A_36 = arith.constant 160 : i32
      %add3A_37 = arith.addi %mul3A_18, %add3A_36 : i32
      %dma_start3A_38 = arith.constant 2 : i32
      %dma_start3A_39 = tpu.memref_slice %arg7[%add3A_37] : memref<10000xf32, #tpu.memory_space<vmem>> -> memref<80xf32, #tpu.memory_space<vmem>>
      %dma_start3A_40 = arith.constant 0 : i32
      %dma_start3A_41 = tpu.memref_slice %arg5[%dma_start3A_38, %dma_start3A_40] : memref<25x80xi32, #tpu.memory_space<vmem>> -> memref<1x80xi32, #tpu.memory_space<vmem>>
      %dma_start3A_42 = tpu.memref_squeeze %dma_start3A_41 : memref<1x80xi32, #tpu.memory_space<vmem>> -> memref<80xi32, #tpu.memory_space<vmem>>
      %dma_start3A_43 = arith.constant 0 : i32
      %dma_start3A_44 = tpu.memref_slice %arg8[%dma_start3A_43] : memref<10000xf32, #tpu.memory_space<vmem_shared>> -> memref<10000xf32, #tpu.memory_space<vmem_shared>>
      tpu.enqueue_indirect_dma source(%dma_start3A_44 : memref<10000xf32, #tpu.memory_space<vmem_shared>>) target(%dma_start3A_39 : memref<80xf32, #tpu.memory_space<vmem>>) offsets(%dma_start3A_42 : memref<80xi32, #tpu.memory_space<vmem>>) semaphore(%arg12 : memref<!tpu.dma_semaphore, #tpu.memory_space<semaphore_mem>>)
      %scan3A_45 = arith.constant 0 : i32
      %scan3A_46 = arith.constant 7 : i32
      %scan3A_47 = arith.addi %scan3A_45, %scan3A_46 : i32
      %scan3A_48 = arith.constant 1 : i32
      scf.for %scan3A_193 = %scan3A_45 to %scan3A_47 step %scan3A_48  : i32 {
        %mul3A_194 = arith.constant 1 : i32
        %mul3A_195 = arith.muli %scan3A_193, %mul3A_194 : i32
        %add3A_196 = arith.constant 0 : i32
        %add3A_197 = arith.addi %add3A_196, %mul3A_195 : i32
        %mul3A_198 = arith.constant 3 : i32
        %mul3A_199 = arith.muli %mul3A_198, %add3A_197 : i32
        %add3A_200 = arith.constant 0 : i32
        %add3A_201 = arith.addi %mul3A_199, %add3A_200 : i32
        %mul3A_202 = arith.constant 80 : i32
        %mul3A_203 = arith.muli %add3A_201, %mul3A_202 : i32
        %add3A_204 = arith.addi %mul3A_18, %mul3A_203 : i32
        %dma_wait3A_205 = tpu.memref_slice %arg7[%add3A_204] : memref<10000xf32, #tpu.memory_space<vmem>> -> memref<80xf32, #tpu.memory_space<vmem>>
        %dma_wait3A_206 = arith.constant 0 : i32
        %dma_wait3A_207 = tpu.memref_slice %arg5[%add3A_201, %dma_wait3A_206] : memref<25x80xi32, #tpu.memory_space<vmem>> -> memref<1x80xi32, #tpu.memory_space<vmem>>
        %dma_wait3A_208 = tpu.memref_squeeze %dma_wait3A_207 : memref<1x80xi32, #tpu.memory_space<vmem>> -> memref<80xi32, #tpu.memory_space<vmem>>
        %dma_wait3A_209 = arith.constant 0 : i32
        %dma_wait3A_210 = tpu.memref_slice %arg8[%dma_wait3A_209] : memref<10000xf32, #tpu.memory_space<vmem_shared>> -> memref<10000xf32, #tpu.memory_space<vmem_shared>>
        tpu.wait_indirect_dma semaphore(%arg10 : memref<!tpu.dma_semaphore, #tpu.memory_space<semaphore_mem>>) src(%dma_wait3A_210 : memref<10000xf32, #tpu.memory_space<vmem_shared>>) dst(%dma_wait3A_205 : memref<80xf32, #tpu.memory_space<vmem>>)
        %gt3A = arith.constant 0 : i32
        %gt3A_211 = arith.cmpi sgt, %add3A_197, %gt3A : i32
        %convert_element_type3A_212 = arith.extui %gt3A_211 : i1 to i32
        %cond3A_213 = arith.constant 0 : i32
        %cond3A_214 = arith.cmpi ne, %convert_element_type3A_212, %cond3A_213 : i32
        scf.if %cond3A_214 {
          %sub3A = arith.constant 3 : i32
          %sub3A_313 = arith.subi %add3A_201, %sub3A : i32
          %sub3A_314 = arith.constant 3 : i32
          %sub3A_315 = arith.subi %add3A_201, %sub3A_314 : i32
          %mul3A_316 = arith.constant 80 : i32
          %mul3A_317 = arith.muli %sub3A_315, %mul3A_316 : i32
          %add3A_318 = arith.addi %mul3A_18, %mul3A_317 : i32
          %dma_wait3A_319 = tpu.memref_slice %arg7[%add3A_318] : memref<10000xf32, #tpu.memory_space<vmem>> -> memref<80xf32, #tpu.memory_space<vmem>>
          %dma_wait3A_320 = arith.constant 0 : i32
          %dma_wait3A_321 = tpu.memref_slice %arg6[%sub3A_313, %dma_wait3A_320] : memref<25x80xi32, #tpu.memory_space<vmem>> -> memref<1x80xi32, #tpu.memory_space<vmem>>
          %dma_wait3A_322 = tpu.memref_squeeze %dma_wait3A_321 : memref<1x80xi32, #tpu.memory_space<vmem>> -> memref<80xi32, #tpu.memory_space<vmem>>
          %dma_wait3A_323 = arith.constant 0 : i32
          %dma_wait3A_324 = tpu.memref_slice %arg9[%dma_wait3A_323] : memref<10000xf32, #tpu.memory_space<vmem_shared>> -> memref<10000xf32, #tpu.memory_space<vmem_shared>>
          tpu.wait_indirect_dma semaphore(%arg13 : memref<!tpu.dma_semaphore, #tpu.memory_space<semaphore_mem>>) src(%dma_wait3A_324 : memref<10000xf32, #tpu.memory_space<vmem_shared>>) dst(%dma_wait3A_319 : memref<80xf32, #tpu.memory_space<vmem>>)
        } else {
        }
        %mul3A_215 = arith.constant 80 : i32
        %mul3A_216 = arith.muli %add3A_201, %mul3A_215 : i32
        %add3A_217 = arith.addi %mul3A_18, %mul3A_216 : i32
        %dma_start3A_218 = tpu.memref_slice %arg7[%add3A_217] : memref<10000xf32, #tpu.memory_space<vmem>> -> memref<80xf32, #tpu.memory_space<vmem>>
        %dma_start3A_219 = arith.constant 0 : i32
        %dma_start3A_220 = tpu.memref_slice %arg6[%add3A_201, %dma_start3A_219] : memref<25x80xi32, #tpu.memory_space<vmem>> -> memref<1x80xi32, #tpu.memory_space<vmem>>
        %dma_start3A_221 = tpu.memref_squeeze %dma_start3A_220 : memref<1x80xi32, #tpu.memory_space<vmem>> -> memref<80xi32, #tpu.memory_space<vmem>>
        %dma_start3A_222 = arith.constant 0 : i32
        %dma_start3A_223 = tpu.memref_slice %arg9[%dma_start3A_222] : memref<10000xf32, #tpu.memory_space<vmem_shared>> -> memref<10000xf32, #tpu.memory_space<vmem_shared>>
        tpu.enqueue_indirect_dma source(%dma_start3A_223 : memref<10000xf32, #tpu.memory_space<vmem_shared>>) target(%dma_start3A_218 : memref<80xf32, #tpu.memory_space<vmem>>) offsets(%dma_start3A_221 : memref<80xi32, #tpu.memory_space<vmem>>) semaphore(%arg13 : memref<!tpu.dma_semaphore, #tpu.memory_space<semaphore_mem>>) {add = true}
        %add3A_224 = arith.constant 3 : i32
        %add3A_225 = arith.addi %add3A_201, %add3A_224 : i32
        %add3A_226 = arith.constant 3 : i32
        %add3A_227 = arith.addi %add3A_201, %add3A_226 : i32
        %mul3A_228 = arith.constant 80 : i32
        %mul3A_229 = arith.muli %add3A_227, %mul3A_228 : i32
        %add3A_230 = arith.addi %mul3A_18, %mul3A_229 : i32
        %dma_start3A_231 = tpu.memref_slice %arg7[%add3A_230] : memref<10000xf32, #tpu.memory_space<vmem>> -> memref<80xf32, #tpu.memory_space<vmem>>
        %dma_start3A_232 = arith.constant 0 : i32
        %dma_start3A_233 = tpu.memref_slice %arg5[%add3A_225, %dma_start3A_232] : memref<25x80xi32, #tpu.memory_space<vmem>> -> memref<1x80xi32, #tpu.memory_space<vmem>>
        %dma_start3A_234 = tpu.memref_squeeze %dma_start3A_233 : memref<1x80xi32, #tpu.memory_space<vmem>> -> memref<80xi32, #tpu.memory_space<vmem>>
        %dma_start3A_235 = arith.constant 0 : i32
        %dma_start3A_236 = tpu.memref_slice %arg8[%dma_start3A_235] : memref<10000xf32, #tpu.memory_space<vmem_shared>> -> memref<10000xf32, #tpu.memory_space<vmem_shared>>
        tpu.enqueue_indirect_dma source(%dma_start3A_236 : memref<10000xf32, #tpu.memory_space<vmem_shared>>) target(%dma_start3A_231 : memref<80xf32, #tpu.memory_space<vmem>>) offsets(%dma_start3A_234 : memref<80xi32, #tpu.memory_space<vmem>>) semaphore(%arg10 : memref<!tpu.dma_semaphore, #tpu.memory_space<semaphore_mem>>)
        %add3A_237 = arith.constant 1 : i32
        %add3A_238 = arith.addi %mul3A_199, %add3A_237 : i32
        %mul3A_239 = arith.constant 80 : i32
        %mul3A_240 = arith.muli %add3A_238, %mul3A_239 : i32
        %add3A_241 = arith.addi %mul3A_18, %mul3A_240 : i32
        %dma_wait3A_242 = tpu.memref_slice %arg7[%add3A_241] : memref<10000xf32, #tpu.memory_space<vmem>> -> memref<80xf32, #tpu.memory_space<vmem>>
        %dma_wait3A_243 = arith.constant 0 : i32
        %dma_wait3A_244 = tpu.memref_slice %arg5[%add3A_238, %dma_wait3A_243] : memref<25x80xi32, #tpu.memory_space<vmem>> -> memref<1x80xi32, #tpu.memory_space<vmem>>
        %dma_wait3A_245 = tpu.memref_squeeze %dma_wait3A_244 : memref<1x80xi32, #tpu.memory_space<vmem>> -> memref<80xi32, #tpu.memory_space<vmem>>
        %dma_wait3A_246 = arith.constant 0 : i32
        %dma_wait3A_247 = tpu.memref_slice %arg8[%dma_wait3A_246] : memref<10000xf32, #tpu.memory_space<vmem_shared>> -> memref<10000xf32, #tpu.memory_space<vmem_shared>>
        tpu.wait_indirect_dma semaphore(%arg11 : memref<!tpu.dma_semaphore, #tpu.memory_space<semaphore_mem>>) src(%dma_wait3A_247 : memref<10000xf32, #tpu.memory_space<vmem_shared>>) dst(%dma_wait3A_242 : memref<80xf32, #tpu.memory_space<vmem>>)
        %gt3A_248 = arith.constant 0 : i32
        %gt3A_249 = arith.cmpi sgt, %add3A_197, %gt3A_248 : i32
        %convert_element_type3A_250 = arith.extui %gt3A_249 : i1 to i32
        %cond3A_251 = arith.constant 0 : i32
        %cond3A_252 = arith.cmpi ne, %convert_element_type3A_250, %cond3A_251 : i32
        scf.if %cond3A_252 {
          %sub3A = arith.constant 3 : i32
          %sub3A_313 = arith.subi %add3A_238, %sub3A : i32
          %sub3A_314 = arith.constant 3 : i32
          %sub3A_315 = arith.subi %add3A_238, %sub3A_314 : i32
          %mul3A_316 = arith.constant 80 : i32
          %mul3A_317 = arith.muli %sub3A_315, %mul3A_316 : i32
          %add3A_318 = arith.addi %mul3A_18, %mul3A_317 : i32
          %dma_wait3A_319 = tpu.memref_slice %arg7[%add3A_318] : memref<10000xf32, #tpu.memory_space<vmem>> -> memref<80xf32, #tpu.memory_space<vmem>>
          %dma_wait3A_320 = arith.constant 0 : i32
          %dma_wait3A_321 = tpu.memref_slice %arg6[%sub3A_313, %dma_wait3A_320] : memref<25x80xi32, #tpu.memory_space<vmem>> -> memref<1x80xi32, #tpu.memory_space<vmem>>
          %dma_wait3A_322 = tpu.memref_squeeze %dma_wait3A_321 : memref<1x80xi32, #tpu.memory_space<vmem>> -> memref<80xi32, #tpu.memory_space<vmem>>
          %dma_wait3A_323 = arith.constant 0 : i32
          %dma_wait3A_324 = tpu.memref_slice %arg9[%dma_wait3A_323] : memref<10000xf32, #tpu.memory_space<vmem_shared>> -> memref<10000xf32, #tpu.memory_space<vmem_shared>>
          tpu.wait_indirect_dma semaphore(%arg14 : memref<!tpu.dma_semaphore, #tpu.memory_space<semaphore_mem>>) src(%dma_wait3A_324 : memref<10000xf32, #tpu.memory_space<vmem_shared>>) dst(%dma_wait3A_319 : memref<80xf32, #tpu.memory_space<vmem>>)
        } else {
        }
        %mul3A_253 = arith.constant 80 : i32
        %mul3A_254 = arith.muli %add3A_238, %mul3A_253 : i32
        %add3A_255 = arith.addi %mul3A_18, %mul3A_254 : i32
        %dma_start3A_256 = tpu.memref_slice %arg7[%add3A_255] : memref<10000xf32, #tpu.memory_space<vmem>> -> memref<80xf32, #tpu.memory_space<vmem>>
        %dma_start3A_257 = arith.constant 0 : i32
        %dma_start3A_258 = tpu.memref_slice %arg6[%add3A_238, %dma_start3A_257] : memref<25x80xi32, #tpu.memory_space<vmem>> -> memref<1x80xi32, #tpu.memory_space<vmem>>
        %dma_start3A_259 = tpu.memref_squeeze %dma_start3A_258 : memref<1x80xi32, #tpu.memory_space<vmem>> -> memref<80xi32, #tpu.memory_space<vmem>>
        %dma_start3A_260 = arith.constant 0 : i32
        %dma_start3A_261 = tpu.memref_slice %arg9[%dma_start3A_260] : memref<10000xf32, #tpu.memory_space<vmem_shared>> -> memref<10000xf32, #tpu.memory_space<vmem_shared>>
        tpu.enqueue_indirect_dma source(%dma_start3A_261 : memref<10000xf32, #tpu.memory_space<vmem_shared>>) target(%dma_start3A_256 : memref<80xf32, #tpu.memory_space<vmem>>) offsets(%dma_start3A_259 : memref<80xi32, #tpu.memory_space<vmem>>) semaphore(%arg14 : memref<!tpu.dma_semaphore, #tpu.memory_space<semaphore_mem>>) {add = true}
        %add3A_262 = arith.constant 3 : i32
        %add3A_263 = arith.addi %add3A_238, %add3A_262 : i32
        %add3A_264 = arith.constant 3 : i32
        %add3A_265 = arith.addi %add3A_238, %add3A_264 : i32
        %mul3A_266 = arith.constant 80 : i32
        %mul3A_267 = arith.muli %add3A_265, %mul3A_266 : i32
        %add3A_268 = arith.addi %mul3A_18, %mul3A_267 : i32
        %dma_start3A_269 = tpu.memref_slice %arg7[%add3A_268] : memref<10000xf32, #tpu.memory_space<vmem>> -> memref<80xf32, #tpu.memory_space<vmem>>
        %dma_start3A_270 = arith.constant 0 : i32
        %dma_start3A_271 = tpu.memref_slice %arg5[%add3A_263, %dma_start3A_270] : memref<25x80xi32, #tpu.memory_space<vmem>> -> memref<1x80xi32, #tpu.memory_space<vmem>>
        %dma_start3A_272 = tpu.memref_squeeze %dma_start3A_271 : memref<1x80xi32, #tpu.memory_space<vmem>> -> memref<80xi32, #tpu.memory_space<vmem>>
        %dma_start3A_273 = arith.constant 0 : i32
        %dma_start3A_274 = tpu.memref_slice %arg8[%dma_start3A_273] : memref<10000xf32, #tpu.memory_space<vmem_shared>> -> memref<10000xf32, #tpu.memory_space<vmem_shared>>
        tpu.enqueue_indirect_dma source(%dma_start3A_274 : memref<10000xf32, #tpu.memory_space<vmem_shared>>) target(%dma_start3A_269 : memref<80xf32, #tpu.memory_space<vmem>>) offsets(%dma_start3A_272 : memref<80xi32, #tpu.memory_space<vmem>>) semaphore(%arg11 : memref<!tpu.dma_semaphore, #tpu.memory_space<semaphore_mem>>)
        %add3A_275 = arith.constant 2 : i32
        %add3A_276 = arith.addi %mul3A_199, %add3A_275 : i32
        %mul3A_277 = arith.constant 80 : i32
        %mul3A_278 = arith.muli %add3A_276, %mul3A_277 : i32
        %add3A_279 = arith.addi %mul3A_18, %mul3A_278 : i32
        %dma_wait3A_280 = tpu.memref_slice %arg7[%add3A_279] : memref<10000xf32, #tpu.memory_space<vmem>> -> memref<80xf32, #tpu.memory_space<vmem>>
        %dma_wait3A_281 = arith.constant 0 : i32
        %dma_wait3A_282 = tpu.memref_slice %arg5[%add3A_276, %dma_wait3A_281] : memref<25x80xi32, #tpu.memory_space<vmem>> -> memref<1x80xi32, #tpu.memory_space<vmem>>
        %dma_wait3A_283 = tpu.memref_squeeze %dma_wait3A_282 : memref<1x80xi32, #tpu.memory_space<vmem>> -> memref<80xi32, #tpu.memory_space<vmem>>
        %dma_wait3A_284 = arith.constant 0 : i32
        %dma_wait3A_285 = tpu.memref_slice %arg8[%dma_wait3A_284] : memref<10000xf32, #tpu.memory_space<vmem_shared>> -> memref<10000xf32, #tpu.memory_space<vmem_shared>>
        tpu.wait_indirect_dma semaphore(%arg12 : memref<!tpu.dma_semaphore, #tpu.memory_space<semaphore_mem>>) src(%dma_wait3A_285 : memref<10000xf32, #tpu.memory_space<vmem_shared>>) dst(%dma_wait3A_280 : memref<80xf32, #tpu.memory_space<vmem>>)
        %gt3A_286 = arith.constant 0 : i32
        %gt3A_287 = arith.cmpi sgt, %add3A_197, %gt3A_286 : i32
        %convert_element_type3A_288 = arith.extui %gt3A_287 : i1 to i32
        %cond3A_289 = arith.constant 0 : i32
        %cond3A_290 = arith.cmpi ne, %convert_element_type3A_288, %cond3A_289 : i32
        scf.if %cond3A_290 {
          %sub3A = arith.constant 3 : i32
          %sub3A_313 = arith.subi %add3A_276, %sub3A : i32
          %sub3A_314 = arith.constant 3 : i32
          %sub3A_315 = arith.subi %add3A_276, %sub3A_314 : i32
          %mul3A_316 = arith.constant 80 : i32
          %mul3A_317 = arith.muli %sub3A_315, %mul3A_316 : i32
          %add3A_318 = arith.addi %mul3A_18, %mul3A_317 : i32
          %dma_wait3A_319 = tpu.memref_slice %arg7[%add3A_318] : memref<10000xf32, #tpu.memory_space<vmem>> -> memref<80xf32, #tpu.memory_space<vmem>>
          %dma_wait3A_320 = arith.constant 0 : i32
          %dma_wait3A_321 = tpu.memref_slice %arg6[%sub3A_313, %dma_wait3A_320] : memref<25x80xi32, #tpu.memory_space<vmem>> -> memref<1x80xi32, #tpu.memory_space<vmem>>
          %dma_wait3A_322 = tpu.memref_squeeze %dma_wait3A_321 : memref<1x80xi32, #tpu.memory_space<vmem>> -> memref<80xi32, #tpu.memory_space<vmem>>
          %dma_wait3A_323 = arith.constant 0 : i32
          %dma_wait3A_324 = tpu.memref_slice %arg9[%dma_wait3A_323] : memref<10000xf32, #tpu.memory_space<vmem_shared>> -> memref<10000xf32, #tpu.memory_space<vmem_shared>>
          tpu.wait_indirect_dma semaphore(%arg15 : memref<!tpu.dma_semaphore, #tpu.memory_space<semaphore_mem>>) src(%dma_wait3A_324 : memref<10000xf32, #tpu.memory_space<vmem_shared>>) dst(%dma_wait3A_319 : memref<80xf32, #tpu.memory_space<vmem>>)
        } else {
        }
        %mul3A_291 = arith.constant 80 : i32
        %mul3A_292 = arith.muli %add3A_276, %mul3A_291 : i32
        %add3A_293 = arith.addi %mul3A_18, %mul3A_292 : i32
        %dma_start3A_294 = tpu.memref_slice %arg7[%add3A_293] : memref<10000xf32, #tpu.memory_space<vmem>> -> memref<80xf32, #tpu.memory_space<vmem>>
        %dma_start3A_295 = arith.constant 0 : i32
        %dma_start3A_296 = tpu.memref_slice %arg6[%add3A_276, %dma_start3A_295] : memref<25x80xi32, #tpu.memory_space<vmem>> -> memref<1x80xi32, #tpu.memory_space<vmem>>
        %dma_start3A_297 = tpu.memref_squeeze %dma_start3A_296 : memref<1x80xi32, #tpu.memory_space<vmem>> -> memref<80xi32, #tpu.memory_space<vmem>>
        %dma_start3A_298 = arith.constant 0 : i32
        %dma_start3A_299 = tpu.memref_slice %arg9[%dma_start3A_298] : memref<10000xf32, #tpu.memory_space<vmem_shared>> -> memref<10000xf32, #tpu.memory_space<vmem_shared>>
        tpu.enqueue_indirect_dma source(%dma_start3A_299 : memref<10000xf32, #tpu.memory_space<vmem_shared>>) target(%dma_start3A_294 : memref<80xf32, #tpu.memory_space<vmem>>) offsets(%dma_start3A_297 : memref<80xi32, #tpu.memory_space<vmem>>) semaphore(%arg15 : memref<!tpu.dma_semaphore, #tpu.memory_space<semaphore_mem>>) {add = true}
        %add3A_300 = arith.constant 3 : i32
        %add3A_301 = arith.addi %add3A_276, %add3A_300 : i32
        %add3A_302 = arith.constant 3 : i32
        %add3A_303 = arith.addi %add3A_276, %add3A_302 : i32
        %mul3A_304 = arith.constant 80 : i32
        %mul3A_305 = arith.muli %add3A_303, %mul3A_304 : i32
        %add3A_306 = arith.addi %mul3A_18, %mul3A_305 : i32
        %dma_start3A_307 = tpu.memref_slice %arg7[%add3A_306] : memref<10000xf32, #tpu.memory_space<vmem>> -> memref<80xf32, #tpu.memory_space<vmem>>
        %dma_start3A_308 = arith.constant 0 : i32
        %dma_start3A_309 = tpu.memref_slice %arg5[%add3A_301, %dma_start3A_308] : memref<25x80xi32, #tpu.memory_space<vmem>> -> memref<1x80xi32, #tpu.memory_space<vmem>>
        %dma_start3A_310 = tpu.memref_squeeze %dma_start3A_309 : memref<1x80xi32, #tpu.memory_space<vmem>> -> memref<80xi32, #tpu.memory_space<vmem>>
        %dma_start3A_311 = arith.constant 0 : i32
        %dma_start3A_312 = tpu.memref_slice %arg8[%dma_start3A_311] : memref<10000xf32, #tpu.memory_space<vmem_shared>> -> memref<10000xf32, #tpu.memory_space<vmem_shared>>
        tpu.enqueue_indirect_dma source(%dma_start3A_312 : memref<10000xf32, #tpu.memory_space<vmem_shared>>) target(%dma_start3A_307 : memref<80xf32, #tpu.memory_space<vmem>>) offsets(%dma_start3A_310 : memref<80xi32, #tpu.memory_space<vmem>>) semaphore(%arg12 : memref<!tpu.dma_semaphore, #tpu.memory_space<semaphore_mem>>)
      }
      %scan3A_49 = arith.constant 7 : i32
      %add3A_50 = arith.constant 1680 : i32
      %add3A_51 = arith.addi %mul3A_18, %add3A_50 : i32
      %dma_wait3A = arith.constant 21 : i32
      %dma_wait3A_52 = tpu.memref_slice %arg7[%add3A_51] : memref<10000xf32, #tpu.memory_space<vmem>> -> memref<80xf32, #tpu.memory_space<vmem>>
      %dma_wait3A_53 = arith.constant 0 : i32
      %dma_wait3A_54 = tpu.memref_slice %arg5[%dma_wait3A, %dma_wait3A_53] : memref<25x80xi32, #tpu.memory_space<vmem>> -> memref<1x80xi32, #tpu.memory_space<vmem>>
      %dma_wait3A_55 = tpu.memref_squeeze %dma_wait3A_54 : memref<1x80xi32, #tpu.memory_space<vmem>> -> memref<80xi32, #tpu.memory_space<vmem>>
      %dma_wait3A_56 = arith.constant 0 : i32
      %dma_wait3A_57 = tpu.memref_slice %arg8[%dma_wait3A_56] : memref<10000xf32, #tpu.memory_space<vmem_shared>> -> memref<10000xf32, #tpu.memory_space<vmem_shared>>
      tpu.wait_indirect_dma semaphore(%arg10 : memref<!tpu.dma_semaphore, #tpu.memory_space<semaphore_mem>>) src(%dma_wait3A_57 : memref<10000xf32, #tpu.memory_space<vmem_shared>>) dst(%dma_wait3A_52 : memref<80xf32, #tpu.memory_space<vmem>>)
      %add3A_58 = arith.constant 1440 : i32
      %add3A_59 = arith.addi %mul3A_18, %add3A_58 : i32
      %dma_wait3A_60 = arith.constant 18 : i32
      %dma_wait3A_61 = tpu.memref_slice %arg7[%add3A_59] : memref<10000xf32, #tpu.memory_space<vmem>> -> memref<80xf32, #tpu.memory_space<vmem>>
      %dma_wait3A_62 = arith.constant 0 : i32
      %dma_wait3A_63 = tpu.memref_slice %arg6[%dma_wait3A_60, %dma_wait3A_62] : memref<25x80xi32, #tpu.memory_space<vmem>> -> memref<1x80xi32, #tpu.memory_space<vmem>>
      %dma_wait3A_64 = tpu.memref_squeeze %dma_wait3A_63 : memref<1x80xi32, #tpu.memory_space<vmem>> -> memref<80xi32, #tpu.memory_space<vmem>>
      %dma_wait3A_65 = arith.constant 0 : i32
      %dma_wait3A_66 = tpu.memref_slice %arg9[%dma_wait3A_65] : memref<10000xf32, #tpu.memory_space<vmem_shared>> -> memref<10000xf32, #tpu.memory_space<vmem_shared>>
      tpu.wait_indirect_dma semaphore(%arg13 : memref<!tpu.dma_semaphore, #tpu.memory_space<semaphore_mem>>) src(%dma_wait3A_66 : memref<10000xf32, #tpu.memory_space<vmem_shared>>) dst(%dma_wait3A_61 : memref<80xf32, #tpu.memory_space<vmem>>)
      %add3A_67 = arith.constant 1680 : i32
      %add3A_68 = arith.addi %mul3A_18, %add3A_67 : i32
      %dma_start3A_69 = arith.constant 21 : i32
      %dma_start3A_70 = tpu.memref_slice %arg7[%add3A_68] : memref<10000xf32, #tpu.memory_space<vmem>> -> memref<80xf32, #tpu.memory_space<vmem>>
      %dma_start3A_71 = arith.constant 0 : i32
      %dma_start3A_72 = tpu.memref_slice %arg6[%dma_start3A_69, %dma_start3A_71] : memref<25x80xi32, #tpu.memory_space<vmem>> -> memref<1x80xi32, #tpu.memory_space<vmem>>
      %dma_start3A_73 = tpu.memref_squeeze %dma_start3A_72 : memref<1x80xi32, #tpu.memory_space<vmem>> -> memref<80xi32, #tpu.memory_space<vmem>>
      %dma_start3A_74 = arith.constant 0 : i32
      %dma_start3A_75 = tpu.memref_slice %arg9[%dma_start3A_74] : memref<10000xf32, #tpu.memory_space<vmem_shared>> -> memref<10000xf32, #tpu.memory_space<vmem_shared>>
      tpu.enqueue_indirect_dma source(%dma_start3A_75 : memref<10000xf32, #tpu.memory_space<vmem_shared>>) target(%dma_start3A_70 : memref<80xf32, #tpu.memory_space<vmem>>) offsets(%dma_start3A_73 : memref<80xi32, #tpu.memory_space<vmem>>) semaphore(%arg13 : memref<!tpu.dma_semaphore, #tpu.memory_space<semaphore_mem>>) {add = true}
      %add3A_76 = arith.constant 1760 : i32
      %add3A_77 = arith.addi %mul3A_18, %add3A_76 : i32
      %dma_wait3A_78 = arith.constant 22 : i32
      %dma_wait3A_79 = tpu.memref_slice %arg7[%add3A_77] : memref<10000xf32, #tpu.memory_space<vmem>> -> memref<80xf32, #tpu.memory_space<vmem>>
      %dma_wait3A_80 = arith.constant 0 : i32
      %dma_wait3A_81 = tpu.memref_slice %arg5[%dma_wait3A_78, %dma_wait3A_80] : memref<25x80xi32, #tpu.memory_space<vmem>> -> memref<1x80xi32, #tpu.memory_space<vmem>>
      %dma_wait3A_82 = tpu.memref_squeeze %dma_wait3A_81 : memref<1x80xi32, #tpu.memory_space<vmem>> -> memref<80xi32, #tpu.memory_space<vmem>>
      %dma_wait3A_83 = arith.constant 0 : i32
      %dma_wait3A_84 = tpu.memref_slice %arg8[%dma_wait3A_83] : memref<10000xf32, #tpu.memory_space<vmem_shared>> -> memref<10000xf32, #tpu.memory_space<vmem_shared>>
      tpu.wait_indirect_dma semaphore(%arg11 : memref<!tpu.dma_semaphore, #tpu.memory_space<semaphore_mem>>) src(%dma_wait3A_84 : memref<10000xf32, #tpu.memory_space<vmem_shared>>) dst(%dma_wait3A_79 : memref<80xf32, #tpu.memory_space<vmem>>)
      %add3A_85 = arith.constant 1520 : i32
      %add3A_86 = arith.addi %mul3A_18, %add3A_85 : i32
      %dma_wait3A_87 = arith.constant 19 : i32
      %dma_wait3A_88 = tpu.memref_slice %arg7[%add3A_86] : memref<10000xf32, #tpu.memory_space<vmem>> -> memref<80xf32, #tpu.memory_space<vmem>>
      %dma_wait3A_89 = arith.constant 0 : i32
      %dma_wait3A_90 = tpu.memref_slice %arg6[%dma_wait3A_87, %dma_wait3A_89] : memref<25x80xi32, #tpu.memory_space<vmem>> -> memref<1x80xi32, #tpu.memory_space<vmem>>
      %dma_wait3A_91 = tpu.memref_squeeze %dma_wait3A_90 : memref<1x80xi32, #tpu.memory_space<vmem>> -> memref<80xi32, #tpu.memory_space<vmem>>
      %dma_wait3A_92 = arith.constant 0 : i32
      %dma_wait3A_93 = tpu.memref_slice %arg9[%dma_wait3A_92] : memref<10000xf32, #tpu.memory_space<vmem_shared>> -> memref<10000xf32, #tpu.memory_space<vmem_shared>>
      tpu.wait_indirect_dma semaphore(%arg14 : memref<!tpu.dma_semaphore, #tpu.memory_space<semaphore_mem>>) src(%dma_wait3A_93 : memref<10000xf32, #tpu.memory_space<vmem_shared>>) dst(%dma_wait3A_88 : memref<80xf32, #tpu.memory_space<vmem>>)
      %add3A_94 = arith.constant 1760 : i32
      %add3A_95 = arith.addi %mul3A_18, %add3A_94 : i32
      %dma_start3A_96 = arith.constant 22 : i32
      %dma_start3A_97 = tpu.memref_slice %arg7[%add3A_95] : memref<10000xf32, #tpu.memory_space<vmem>> -> memref<80xf32, #tpu.memory_space<vmem>>
      %dma_start3A_98 = arith.constant 0 : i32
      %dma_start3A_99 = tpu.memref_slice %arg6[%dma_start3A_96, %dma_start3A_98] : memref<25x80xi32, #tpu.memory_space<vmem>> -> memref<1x80xi32, #tpu.memory_space<vmem>>
      %dma_start3A_100 = tpu.memref_squeeze %dma_start3A_99 : memref<1x80xi32, #tpu.memory_space<vmem>> -> memref<80xi32, #tpu.memory_space<vmem>>
      %dma_start3A_101 = arith.constant 0 : i32
      %dma_start3A_102 = tpu.memref_slice %arg9[%dma_start3A_101] : memref<10000xf32, #tpu.memory_space<vmem_shared>> -> memref<10000xf32, #tpu.memory_space<vmem_shared>>
      tpu.enqueue_indirect_dma source(%dma_start3A_102 : memref<10000xf32, #tpu.memory_space<vmem_shared>>) target(%dma_start3A_97 : memref<80xf32, #tpu.memory_space<vmem>>) offsets(%dma_start3A_100 : memref<80xi32, #tpu.memory_space<vmem>>) semaphore(%arg14 : memref<!tpu.dma_semaphore, #tpu.memory_space<semaphore_mem>>) {add = true}
      %add3A_103 = arith.constant 1840 : i32
      %add3A_104 = arith.addi %mul3A_18, %add3A_103 : i32
      %dma_wait3A_105 = arith.constant 23 : i32
      %dma_wait3A_106 = tpu.memref_slice %arg7[%add3A_104] : memref<10000xf32, #tpu.memory_space<vmem>> -> memref<80xf32, #tpu.memory_space<vmem>>
      %dma_wait3A_107 = arith.constant 0 : i32
      %dma_wait3A_108 = tpu.memref_slice %arg5[%dma_wait3A_105, %dma_wait3A_107] : memref<25x80xi32, #tpu.memory_space<vmem>> -> memref<1x80xi32, #tpu.memory_space<vmem>>
      %dma_wait3A_109 = tpu.memref_squeeze %dma_wait3A_108 : memref<1x80xi32, #tpu.memory_space<vmem>> -> memref<80xi32, #tpu.memory_space<vmem>>
      %dma_wait3A_110 = arith.constant 0 : i32
      %dma_wait3A_111 = tpu.memref_slice %arg8[%dma_wait3A_110] : memref<10000xf32, #tpu.memory_space<vmem_shared>> -> memref<10000xf32, #tpu.memory_space<vmem_shared>>
      tpu.wait_indirect_dma semaphore(%arg12 : memref<!tpu.dma_semaphore, #tpu.memory_space<semaphore_mem>>) src(%dma_wait3A_111 : memref<10000xf32, #tpu.memory_space<vmem_shared>>) dst(%dma_wait3A_106 : memref<80xf32, #tpu.memory_space<vmem>>)
      %add3A_112 = arith.constant 1600 : i32
      %add3A_113 = arith.addi %mul3A_18, %add3A_112 : i32
      %dma_wait3A_114 = arith.constant 20 : i32
      %dma_wait3A_115 = tpu.memref_slice %arg7[%add3A_113] : memref<10000xf32, #tpu.memory_space<vmem>> -> memref<80xf32, #tpu.memory_space<vmem>>
      %dma_wait3A_116 = arith.constant 0 : i32
      %dma_wait3A_117 = tpu.memref_slice %arg6[%dma_wait3A_114, %dma_wait3A_116] : memref<25x80xi32, #tpu.memory_space<vmem>> -> memref<1x80xi32, #tpu.memory_space<vmem>>
      %dma_wait3A_118 = tpu.memref_squeeze %dma_wait3A_117 : memref<1x80xi32, #tpu.memory_space<vmem>> -> memref<80xi32, #tpu.memory_space<vmem>>
      %dma_wait3A_119 = arith.constant 0 : i32
      %dma_wait3A_120 = tpu.memref_slice %arg9[%dma_wait3A_119] : memref<10000xf32, #tpu.memory_space<vmem_shared>> -> memref<10000xf32, #tpu.memory_space<vmem_shared>>
      tpu.wait_indirect_dma semaphore(%arg15 : memref<!tpu.dma_semaphore, #tpu.memory_space<semaphore_mem>>) src(%dma_wait3A_120 : memref<10000xf32, #tpu.memory_space<vmem_shared>>) dst(%dma_wait3A_115 : memref<80xf32, #tpu.memory_space<vmem>>)
      %add3A_121 = arith.constant 1840 : i32
      %add3A_122 = arith.addi %mul3A_18, %add3A_121 : i32
      %dma_start3A_123 = arith.constant 23 : i32
      %dma_start3A_124 = tpu.memref_slice %arg7[%add3A_122] : memref<10000xf32, #tpu.memory_space<vmem>> -> memref<80xf32, #tpu.memory_space<vmem>>
      %dma_start3A_125 = arith.constant 0 : i32
      %dma_start3A_126 = tpu.memref_slice %arg6[%dma_start3A_123, %dma_start3A_125] : memref<25x80xi32, #tpu.memory_space<vmem>> -> memref<1x80xi32, #tpu.memory_space<vmem>>
      %dma_start3A_127 = tpu.memref_squeeze %dma_start3A_126 : memref<1x80xi32, #tpu.memory_space<vmem>> -> memref<80xi32, #tpu.memory_space<vmem>>
      %dma_start3A_128 = arith.constant 0 : i32
      %dma_start3A_129 = tpu.memref_slice %arg9[%dma_start3A_128] : memref<10000xf32, #tpu.memory_space<vmem_shared>> -> memref<10000xf32, #tpu.memory_space<vmem_shared>>
      tpu.enqueue_indirect_dma source(%dma_start3A_129 : memref<10000xf32, #tpu.memory_space<vmem_shared>>) target(%dma_start3A_124 : memref<80xf32, #tpu.memory_space<vmem>>) offsets(%dma_start3A_127 : memref<80xi32, #tpu.memory_space<vmem>>) semaphore(%arg15 : memref<!tpu.dma_semaphore, #tpu.memory_space<semaphore_mem>>) {add = true}
      %add3A_130 = arith.constant 1920 : i32
      %add3A_131 = arith.addi %mul3A_18, %add3A_130 : i32
      %dma_start3A_132 = arith.constant 24 : i32
      %dma_start3A_133 = tpu.memref_slice %arg7[%add3A_131] : memref<10000xf32, #tpu.memory_space<vmem>> -> memref<80xf32, #tpu.memory_space<vmem>>
      %dma_start3A_134 = arith.constant 0 : i32
      %dma_start3A_135 = tpu.memref_slice %arg5[%dma_start3A_132, %dma_start3A_134] : memref<25x80xi32, #tpu.memory_space<vmem>> -> memref<1x80xi32, #tpu.memory_space<vmem>>
      %dma_start3A_136 = tpu.memref_squeeze %dma_start3A_135 : memref<1x80xi32, #tpu.memory_space<vmem>> -> memref<80xi32, #tpu.memory_space<vmem>>
      %dma_start3A_137 = arith.constant 0 : i32
      %dma_start3A_138 = tpu.memref_slice %arg8[%dma_start3A_137] : memref<10000xf32, #tpu.memory_space<vmem_shared>> -> memref<10000xf32, #tpu.memory_space<vmem_shared>>
      tpu.enqueue_indirect_dma source(%dma_start3A_138 : memref<10000xf32, #tpu.memory_space<vmem_shared>>) target(%dma_start3A_133 : memref<80xf32, #tpu.memory_space<vmem>>) offsets(%dma_start3A_136 : memref<80xi32, #tpu.memory_space<vmem>>) semaphore(%arg10 : memref<!tpu.dma_semaphore, #tpu.memory_space<semaphore_mem>>)
      %add3A_139 = arith.constant 1920 : i32
      %add3A_140 = arith.addi %mul3A_18, %add3A_139 : i32
      %dma_wait3A_141 = arith.constant 24 : i32
      %dma_wait3A_142 = tpu.memref_slice %arg7[%add3A_140] : memref<10000xf32, #tpu.memory_space<vmem>> -> memref<80xf32, #tpu.memory_space<vmem>>
      %dma_wait3A_143 = arith.constant 0 : i32
      %dma_wait3A_144 = tpu.memref_slice %arg5[%dma_wait3A_141, %dma_wait3A_143] : memref<25x80xi32, #tpu.memory_space<vmem>> -> memref<1x80xi32, #tpu.memory_space<vmem>>
      %dma_wait3A_145 = tpu.memref_squeeze %dma_wait3A_144 : memref<1x80xi32, #tpu.memory_space<vmem>> -> memref<80xi32, #tpu.memory_space<vmem>>
      %dma_wait3A_146 = arith.constant 0 : i32
      %dma_wait3A_147 = tpu.memref_slice %arg8[%dma_wait3A_146] : memref<10000xf32, #tpu.memory_space<vmem_shared>> -> memref<10000xf32, #tpu.memory_space<vmem_shared>>
      tpu.wait_indirect_dma semaphore(%arg10 : memref<!tpu.dma_semaphore, #tpu.memory_space<semaphore_mem>>) src(%dma_wait3A_147 : memref<10000xf32, #tpu.memory_space<vmem_shared>>) dst(%dma_wait3A_142 : memref<80xf32, #tpu.memory_space<vmem>>)
      %add3A_148 = arith.constant 1680 : i32
      %add3A_149 = arith.addi %mul3A_18, %add3A_148 : i32
      %dma_wait3A_150 = arith.constant 21 : i32
      %dma_wait3A_151 = tpu.memref_slice %arg7[%add3A_149] : memref<10000xf32, #tpu.memory_space<vmem>> -> memref<80xf32, #tpu.memory_space<vmem>>
      %dma_wait3A_152 = arith.constant 0 : i32
      %dma_wait3A_153 = tpu.memref_slice %arg6[%dma_wait3A_150, %dma_wait3A_152] : memref<25x80xi32, #tpu.memory_space<vmem>> -> memref<1x80xi32, #tpu.memory_space<vmem>>
      %dma_wait3A_154 = tpu.memref_squeeze %dma_wait3A_153 : memref<1x80xi32, #tpu.memory_space<vmem>> -> memref<80xi32, #tpu.memory_space<vmem>>
      %dma_wait3A_155 = arith.constant 0 : i32
      %dma_wait3A_156 = tpu.memref_slice %arg9[%dma_wait3A_155] : memref<10000xf32, #tpu.memory_space<vmem_shared>> -> memref<10000xf32, #tpu.memory_space<vmem_shared>>
      tpu.wait_indirect_dma semaphore(%arg13 : memref<!tpu.dma_semaphore, #tpu.memory_space<semaphore_mem>>) src(%dma_wait3A_156 : memref<10000xf32, #tpu.memory_space<vmem_shared>>) dst(%dma_wait3A_151 : memref<80xf32, #tpu.memory_space<vmem>>)
      %add3A_157 = arith.constant 1920 : i32
      %add3A_158 = arith.addi %mul3A_18, %add3A_157 : i32
      %dma_start3A_159 = arith.constant 24 : i32
      %dma_start3A_160 = tpu.memref_slice %arg7[%add3A_158] : memref<10000xf32, #tpu.memory_space<vmem>> -> memref<80xf32, #tpu.memory_space<vmem>>
      %dma_start3A_161 = arith.constant 0 : i32
      %dma_start3A_162 = tpu.memref_slice %arg6[%dma_start3A_159, %dma_start3A_161] : memref<25x80xi32, #tpu.memory_space<vmem>> -> memref<1x80xi32, #tpu.memory_space<vmem>>
      %dma_start3A_163 = tpu.memref_squeeze %dma_start3A_162 : memref<1x80xi32, #tpu.memory_space<vmem>> -> memref<80xi32, #tpu.memory_space<vmem>>
      %dma_start3A_164 = arith.constant 0 : i32
      %dma_start3A_165 = tpu.memref_slice %arg9[%dma_start3A_164] : memref<10000xf32, #tpu.memory_space<vmem_shared>> -> memref<10000xf32, #tpu.memory_space<vmem_shared>>
      tpu.enqueue_indirect_dma source(%dma_start3A_165 : memref<10000xf32, #tpu.memory_space<vmem_shared>>) target(%dma_start3A_160 : memref<80xf32, #tpu.memory_space<vmem>>) offsets(%dma_start3A_163 : memref<80xi32, #tpu.memory_space<vmem>>) semaphore(%arg13 : memref<!tpu.dma_semaphore, #tpu.memory_space<semaphore_mem>>) {add = true}
      %add3A_166 = arith.constant 1760 : i32
      %add3A_167 = arith.addi %mul3A_18, %add3A_166 : i32
      %dma_wait3A_168 = arith.constant 22 : i32
      %dma_wait3A_169 = tpu.memref_slice %arg7[%add3A_167] : memref<10000xf32, #tpu.memory_space<vmem>> -> memref<80xf32, #tpu.memory_space<vmem>>
      %dma_wait3A_170 = arith.constant 0 : i32
      %dma_wait3A_171 = tpu.memref_slice %arg6[%dma_wait3A_168, %dma_wait3A_170] : memref<25x80xi32, #tpu.memory_space<vmem>> -> memref<1x80xi32, #tpu.memory_space<vmem>>
      %dma_wait3A_172 = tpu.memref_squeeze %dma_wait3A_171 : memref<1x80xi32, #tpu.memory_space<vmem>> -> memref<80xi32, #tpu.memory_space<vmem>>
      %dma_wait3A_173 = arith.constant 0 : i32
      %dma_wait3A_174 = tpu.memref_slice %arg9[%dma_wait3A_173] : memref<10000xf32, #tpu.memory_space<vmem_shared>> -> memref<10000xf32, #tpu.memory_space<vmem_shared>>
      tpu.wait_indirect_dma semaphore(%arg14 : memref<!tpu.dma_semaphore, #tpu.memory_space<semaphore_mem>>) src(%dma_wait3A_174 : memref<10000xf32, #tpu.memory_space<vmem_shared>>) dst(%dma_wait3A_169 : memref<80xf32, #tpu.memory_space<vmem>>)
      %add3A_175 = arith.constant 1840 : i32
      %add3A_176 = arith.addi %mul3A_18, %add3A_175 : i32
      %dma_wait3A_177 = arith.constant 23 : i32
      %dma_wait3A_178 = tpu.memref_slice %arg7[%add3A_176] : memref<10000xf32, #tpu.memory_space<vmem>> -> memref<80xf32, #tpu.memory_space<vmem>>
      %dma_wait3A_179 = arith.constant 0 : i32
      %dma_wait3A_180 = tpu.memref_slice %arg6[%dma_wait3A_177, %dma_wait3A_179] : memref<25x80xi32, #tpu.memory_space<vmem>> -> memref<1x80xi32, #tpu.memory_space<vmem>>
      %dma_wait3A_181 = tpu.memref_squeeze %dma_wait3A_180 : memref<1x80xi32, #tpu.memory_space<vmem>> -> memref<80xi32, #tpu.memory_space<vmem>>
      %dma_wait3A_182 = arith.constant 0 : i32
      %dma_wait3A_183 = tpu.memref_slice %arg9[%dma_wait3A_182] : memref<10000xf32, #tpu.memory_space<vmem_shared>> -> memref<10000xf32, #tpu.memory_space<vmem_shared>>
      tpu.wait_indirect_dma semaphore(%arg15 : memref<!tpu.dma_semaphore, #tpu.memory_space<semaphore_mem>>) src(%dma_wait3A_183 : memref<10000xf32, #tpu.memory_space<vmem_shared>>) dst(%dma_wait3A_178 : memref<80xf32, #tpu.memory_space<vmem>>)
      %add3A_184 = arith.constant 1920 : i32
      %add3A_185 = arith.addi %mul3A_18, %add3A_184 : i32
      %dma_wait3A_186 = arith.constant 24 : i32
      %dma_wait3A_187 = tpu.memref_slice %arg7[%add3A_185] : memref<10000xf32, #tpu.memory_space<vmem>> -> memref<80xf32, #tpu.memory_space<vmem>>
      %dma_wait3A_188 = arith.constant 0 : i32
      %dma_wait3A_189 = tpu.memref_slice %arg6[%dma_wait3A_186, %dma_wait3A_188] : memref<25x80xi32, #tpu.memory_space<vmem>> -> memref<1x80xi32, #tpu.memory_space<vmem>>
      %dma_wait3A_190 = tpu.memref_squeeze %dma_wait3A_189 : memref<1x80xi32, #tpu.memory_space<vmem>> -> memref<80xi32, #tpu.memory_space<vmem>>
      %dma_wait3A_191 = arith.constant 0 : i32
      %dma_wait3A_192 = tpu.memref_slice %arg9[%dma_wait3A_191] : memref<10000xf32, #tpu.memory_space<vmem_shared>> -> memref<10000xf32, #tpu.memory_space<vmem_shared>>
      tpu.wait_indirect_dma semaphore(%arg13 : memref<!tpu.dma_semaphore, #tpu.memory_space<semaphore_mem>>) src(%dma_wait3A_192 : memref<10000xf32, #tpu.memory_space<vmem_shared>>) dst(%dma_wait3A_187 : memref<80xf32, #tpu.memory_space<vmem>>)
    }
    %scan3A_6 = arith.constant 5 : i32
    %mul3A_7 = arith.constant 10000 : i32
    %mul3A_8 = arith.muli %add3A, %mul3A_7 : i32
    "tpu.region"() ({
      %run_scoped3A = tpu.sem_alloc : memref<!tpu.dma_semaphore, #tpu.memory_space<semaphore_mem>>
      %dma_start3A = tpu.memref_slice %arg4[%mul3A_8] : memref<320000xf32, #tpu.memory_space<hbm>> -> memref<10000xf32, #tpu.memory_space<hbm>>
      %dma_start3A_9 = tpu.memref_slice %arg4[%mul3A_8] : memref<320000xf32, #tpu.memory_space<hbm>> -> memref<10000xf32, #tpu.memory_space<hbm>>
      tpu.enqueue_dma source(%arg7 : memref<10000xf32, #tpu.memory_space<vmem>>) target(%dma_start3A_9 : memref<10000xf32, #tpu.memory_space<hbm>>) target_semaphore(%run_scoped3A : memref<!tpu.dma_semaphore, #tpu.memory_space<semaphore_mem>>)
      %dma_wait3A = tpu.memref_slice %arg4[%mul3A_8] : memref<320000xf32, #tpu.memory_space<hbm>> -> memref<10000xf32, #tpu.memory_space<hbm>>
      %dma_wait3A_10 = tpu.memref_slice %arg4[%mul3A_8] : memref<320000xf32, #tpu.memory_space<hbm>> -> memref<10000xf32, #tpu.memory_space<hbm>>
      tpu.wait_dma2 semaphore(%run_scoped3A : memref<!tpu.dma_semaphore, #tpu.memory_space<semaphore_mem>>) src(%arg7 : memref<10000xf32, #tpu.memory_space<vmem>>) dst(%dma_wait3A_10 : memref<10000xf32, #tpu.memory_space<hbm>>)
      tpu.yield
    }) : () -> ()
    return
  }
}

module attributes {stable_mosaic.version = 14 : i64} {
  func.func @_tc_mlp_body(%arg0: i32, %arg1: memref<1xf32, #tpu.memory_space<smem>>, %arg2: memref<2048x128xf32, #tpu.memory_space<vmem>>, %arg3: memref<1x2048x128xf32, #tpu.memory_space<vmem>>, %arg4: memref<1x2048x128xf32, #tpu.memory_space<vmem>>, %arg5: memref<128x128xf32, #tpu.memory_space<vmem>>, %arg6: memref<1x128xf32, #tpu.memory_space<vmem>>, %arg7: memref<128x128xf32, #tpu.memory_space<vmem>>, %arg8: memref<1x128xf32, #tpu.memory_space<vmem>>, %arg9: memref<8x128xf32, #tpu.memory_space<vmem>>, %arg10: memref<8x1xf32, #tpu.memory_space<vmem>>, %arg11: memref<8x2048xf32, #tpu.memory_space<vmem>>) attributes {dimension_semantics = [#tpu.dimension_semantics<arbitrary>], iteration_bounds = array<i64: 5>, scalar_prefetch = 0 : i64, scratch_operands = 0 : i64, tpu.core_type = #tpu.core_type<tc>, window_params = [{transform_indices = @transform_0, window_bounds = array<i64: 1>}, {transform_indices = @transform_1, window_bounds = array<i64: 2048, 128>}, {transform_indices = @transform_2, window_bounds = array<i64: 1, 2048, 128>}, {transform_indices = @transform_3, window_bounds = array<i64: 1, 2048, 128>}, {pipeline_mode = #tpu.pipeline_mode<synchronous>, transform_indices = @transform_4, window_bounds = array<i64: 128, 128>}, {pipeline_mode = #tpu.pipeline_mode<synchronous>, transform_indices = @transform_5, window_bounds = array<i64: 1, 128>}, {pipeline_mode = #tpu.pipeline_mode<synchronous>, transform_indices = @transform_6, window_bounds = array<i64: 128, 128>}, {pipeline_mode = #tpu.pipeline_mode<synchronous>, transform_indices = @transform_7, window_bounds = array<i64: 1, 128>}, {pipeline_mode = #tpu.pipeline_mode<synchronous>, transform_indices = @transform_8, window_bounds = array<i64: 8, 128>}, {pipeline_mode = #tpu.pipeline_mode<synchronous>, transform_indices = @transform_9, window_bounds = array<i64: 8, 1>}, {transform_indices = @transform_10, window_bounds = array<i64: 8, 2048>}]} {
    %get3A = arith.constant 0 : index
    %get3A_0 = arith.constant 0 : index
    %get3A_1 = vector.load %arg2[%get3A, %get3A_0] : memref<2048x128xf32, #tpu.memory_space<vmem>>, vector<2048x128xf32>
    %get3A_2 = arith.constant 0 : index
    %get3A_3 = memref.load %arg1[%get3A_2] : memref<1xf32, #tpu.memory_space<smem>>
    %mul3A = vector.broadcast %get3A_3 : f32 to vector<2048x128xf32>
    %mul3A_4 = arith.mulf %get3A_1, %mul3A : vector<2048x128xf32>
    %get3A_5 = arith.constant 0 : index
    %get3A_6 = arith.constant 0 : index
    %get3A_7 = arith.constant 0 : index
    %get3A_8 = vector.load %arg3[%get3A_5, %get3A_6, %get3A_7] : memref<1x2048x128xf32, #tpu.memory_space<vmem>>, vector<1x2048x128xf32>
    %get3A_9 = vector.shape_cast %get3A_8 : vector<1x2048x128xf32> to vector<2048x128xf32>
    %add3A = arith.addf %mul3A_4, %get3A_9 : vector<2048x128xf32>
    %get3A_10 = arith.constant 0 : index
    %get3A_11 = arith.constant 0 : index
    %get3A_12 = arith.constant 0 : index
    %get3A_13 = vector.load %arg4[%get3A_10, %get3A_11, %get3A_12] : memref<1x2048x128xf32, #tpu.memory_space<vmem>>, vector<1x2048x128xf32>
    %get3A_14 = vector.shape_cast %get3A_13 : vector<1x2048x128xf32> to vector<2048x128xf32>
    %add3A_15 = arith.addf %add3A, %get3A_14 : vector<2048x128xf32>
    %get3A_16 = arith.constant 0 : index
    %get3A_17 = arith.constant 0 : index
    %get3A_18 = vector.load %arg5[%get3A_16, %get3A_17] : memref<128x128xf32, #tpu.memory_space<vmem>>, vector<128x128xf32>
    %dot_general3A = arith.constant dense<0.000000e+00> : vector<2048x128xf32>
    %dot_general3A_19 = tpu.matmul %add3A_15, %get3A_18, %dot_general3A {dimension_numbers = #tpu.dot_dimension_numbers<[1], [0], [0], [1], [0, 0, 1, 1], [], []>, transpose_lhs_hint = false} : vector<2048x128xf32>, vector<128x128xf32>, vector<2048x128xf32> -> vector<2048x128xf32>
    %get3A_20 = arith.constant 0 : index
    %get3A_21 = arith.constant 0 : index
    %get3A_22 = vector.load %arg6[%get3A_20, %get3A_21] : memref<1x128xf32, #tpu.memory_space<vmem>>, vector<1x128xf32>
    %add3A_23 = vector.broadcast %get3A_22 : vector<1x128xf32> to vector<2048x128xf32>
    %add3A_24 = arith.addf %dot_general3A_19, %add3A_23 : vector<2048x128xf32>
    %max3A = arith.constant 0.000000e+00 : f32
    %max3A_25 = vector.broadcast %max3A : f32 to vector<2048x128xf32>
    %max3A_26 = arith.maximumf %add3A_24, %max3A_25 : vector<2048x128xf32>
    %get3A_27 = arith.constant 0 : index
    %get3A_28 = arith.constant 0 : index
    %get3A_29 = vector.load %arg7[%get3A_27, %get3A_28] : memref<128x128xf32, #tpu.memory_space<vmem>>, vector<128x128xf32>
    %dot_general3A_30 = arith.constant dense<0.000000e+00> : vector<2048x128xf32>
    %dot_general3A_31 = tpu.matmul %max3A_26, %get3A_29, %dot_general3A_30 {dimension_numbers = #tpu.dot_dimension_numbers<[1], [0], [0], [1], [0, 0, 1, 1], [], []>, transpose_lhs_hint = false} : vector<2048x128xf32>, vector<128x128xf32>, vector<2048x128xf32> -> vector<2048x128xf32>
    %get3A_32 = arith.constant 0 : index
    %get3A_33 = arith.constant 0 : index
    %get3A_34 = vector.load %arg8[%get3A_32, %get3A_33] : memref<1x128xf32, #tpu.memory_space<vmem>>, vector<1x128xf32>
    %add3A_35 = vector.broadcast %get3A_34 : vector<1x128xf32> to vector<2048x128xf32>
    %add3A_36 = arith.addf %dot_general3A_31, %add3A_35 : vector<2048x128xf32>
    %max3A_37 = arith.constant 0.000000e+00 : f32
    %max3A_38 = vector.broadcast %max3A_37 : f32 to vector<2048x128xf32>
    %max3A_39 = arith.maximumf %add3A_36, %max3A_38 : vector<2048x128xf32>
    %get3A_40 = arith.constant 0 : index
    %get3A_41 = arith.constant 0 : index
    %get3A_42 = vector.load %arg9[%get3A_40, %get3A_41] : memref<8x128xf32, #tpu.memory_space<vmem>>, vector<8x128xf32>
    %dot_general3A_43 = arith.constant dense<0.000000e+00> : vector<8x2048xf32>
    %dot_general3A_44 = tpu.matmul %get3A_42, %max3A_39, %dot_general3A_43 {dimension_numbers = #tpu.dot_dimension_numbers<[1], [1], [0], [0], [0, 0, 1, 0], [], []>, transpose_lhs_hint = false} : vector<8x128xf32>, vector<2048x128xf32>, vector<8x2048xf32> -> vector<8x2048xf32>
    %get3A_45 = arith.constant 0 : index
    %get3A_46 = arith.constant 0 : index
    %get3A_47 = vector.load %arg10[%get3A_45, %get3A_46] : memref<8x1xf32, #tpu.memory_space<vmem>>, vector<8x1xf32>
    %add3A_48 = vector.broadcast %get3A_47 : vector<8x1xf32> to vector<8x2048xf32>
    %add3A_49 = arith.addf %dot_general3A_44, %add3A_48 : vector<8x2048xf32>
    %swap3A = arith.constant 0 : index
    %swap3A_50 = arith.constant 0 : index
    %swap3A_51 = vector.load %arg11[%swap3A, %swap3A_50] : memref<8x2048xf32, #tpu.memory_space<vmem>>, vector<8x2048xf32>
    tpu.vector_store %arg11[%swap3A, %swap3A_50], %add3A_49 {strides = array<i32>} : memref<8x2048xf32, #tpu.memory_space<vmem>>, vector<8x2048xf32>,
    return
  }
  func.func @transform_0(%arg0: i32) -> i32 {
    %c0_i32 = arith.constant 0 : i32
    %c0_i32_0 = arith.constant 0 : i32
    return %c0_i32 : i32
  }
  func.func @transform_1(%arg0: i32) -> (i32, i32) {
    %c0_i32 = arith.constant 0 : i32
    %c0_i32_0 = arith.constant 0 : i32
    return %arg0, %c0_i32 : i32, i32
  }
  func.func @transform_2(%arg0: i32) -> (i32, i32, i32) {
    %c0_i32 = arith.constant 0 : i32
    %c0_i32_0 = arith.constant 0 : i32
    %c0_i32_1 = arith.constant 0 : i32
    return %c0_i32, %arg0, %c0_i32_0 : i32, i32, i32
  }
  func.func @transform_3(%arg0: i32) -> (i32, i32, i32) {
    %c1_i32 = arith.constant 1 : i32
    %c0_i32 = arith.constant 0 : i32
    %c0_i32_0 = arith.constant 0 : i32
    return %c1_i32, %arg0, %c0_i32 : i32, i32, i32
  }
  func.func @transform_4(%arg0: i32) -> (i32, i32) {
    %c0_i32 = arith.constant 0 : i32
    %c0_i32_0 = arith.constant 0 : i32
    %c0_i32_1 = arith.constant 0 : i32
    return %c0_i32, %c0_i32_0 : i32, i32
  }
  func.func @transform_5(%arg0: i32) -> (i32, i32) {
    %c0_i32 = arith.constant 0 : i32
    %c0_i32_0 = arith.constant 0 : i32
    %c0_i32_1 = arith.constant 0 : i32
    return %c0_i32, %c0_i32_0 : i32, i32
  }
  func.func @transform_6(%arg0: i32) -> (i32, i32) {
    %c0_i32 = arith.constant 0 : i32
    %c0_i32_0 = arith.constant 0 : i32
    %c0_i32_1 = arith.constant 0 : i32
    return %c0_i32, %c0_i32_0 : i32, i32
  }
  func.func @transform_7(%arg0: i32) -> (i32, i32) {
    %c0_i32 = arith.constant 0 : i32
    %c0_i32_0 = arith.constant 0 : i32
    %c0_i32_1 = arith.constant 0 : i32
    return %c0_i32, %c0_i32_0 : i32, i32
  }
  func.func @transform_8(%arg0: i32) -> (i32, i32) {
    %c0_i32 = arith.constant 0 : i32
    %c0_i32_0 = arith.constant 0 : i32
    %c0_i32_1 = arith.constant 0 : i32
    return %c0_i32, %c0_i32_0 : i32, i32
  }
  func.func @transform_9(%arg0: i32) -> (i32, i32) {
    %c0_i32 = arith.constant 0 : i32
    %c0_i32_0 = arith.constant 0 : i32
    %c0_i32_1 = arith.constant 0 : i32
    return %c0_i32, %c0_i32_0 : i32, i32
  }
  func.func @transform_10(%arg0: i32) -> (i32, i32) {
    %c0_i32 = arith.constant 0 : i32
    %c0_i32_0 = arith.constant 0 : i32
    return %c0_i32, %arg0 : i32, i32
  }
}

</mosaic_0001>

<sc_bundles>
// kernel: kernel.5.cloned.1.call-start
scs
__scs_entry_jumppad:
0x0: {  	(pc) =	sbr.rel $0x88, $3  }
0x1: {  	(tag) =	ssettag $0x0;
	lr =	simm.s32 $0x1  }
0x2: {  	[smem:$0x3F98] =	sst lr;
	_ =	strace $0xD0000000  }
0x3: {  	_ = 	snop  }
0x4: {  	_ = 	snop  }
0x5: {  	_ = 	snop  }
0x6: {  	_ = 	snop  }
0x7: {  	_ = 	snop  }
__scs_overlays_trampoline_lowered:
0x8: {  	[smem:$0x3FA7] =	sst s0  }
0x9: {  	[smem:$0x3FA8] =	sst s1  }
0xa: {  	[smem:$0x3FA9] =	sst s2  }
0xb: {  	[smem:$0x3FAA] =	sst s3  }
0xc: {  	[smem:$0x3FAB] =	sst s4  }
0xd: {  	[smem:$0x3FAC] =	sst s5  }
0xe: {  	[smem:$0x3FAD] =	sst s6  }
0xf: {  	[smem:$0x3FAE] =	sst s7  }
0x10: {  	[smem:$0x3FAF] =	sst s8  }
0x11: {  	[smem:$0x3FB0] =	sst s9;
	s0 =	simm.s32 @!p0 $0x0  }
0x12: {  	s1 =	sld [smem:$0x3F96];
	s0 =	simm.s32 @p0 $0x1  }
0x13: {  	[smem:$0x3FB1] =	sst s0;
	s0 =	simm.s32 @!p1 $0x0  }
0x14: {  	s2 =	sld [smem:$0x3F95];
	s0 =	simm.s32 @p1 $0x1  }
0x15: {  	[smem:$0x3FB2] =	sst s0;
	s0 =	simm.s32 @!p2 $0x0  }
0x16: {  	s3 =	sld [smem:$0x3FDB];
	s0 =	simm.s32 @p2 $0x1  }
0x17: {  	s4 =	simm.s32 $0x1BF5;
	[smem:$0x3FB4] =	sst s0  }
0x18: {  	s0 =	sld [smem:$0x3F97];
	_ =	swait.ge [sflag:s4], $0x0  }
0x19: {  	s7 =	sld [smem:$0x3F98]  }
0x1a: {  	s8 =	sadd.s32 $0xFFFFE003, lr  }
0x1b: {  	s9 =	sadd.s32 $0xFFFFFEF7, lr;
	s5 =	simm.s32 $0xFFFFFFFF;
	p2 =	slt.u32 s8, $0xFFFFF086  }
0x1c: {  	p1 =	slt.u32 s9, $0xF7A;
	s5 =	simm.s32 @!p2 $0x0  }
0x1d: {  	s5 =	simm.s32 @p1 $0x1;
	p0 =	seq.s32 s7, s2  }
0x1e: {  	s7 =	smul.u32 @!p0 $0xF7A, s2;
	p2 =	seq.s32 @!p0 s5, $0x0  }
0x1f: {  	s9 =	smul.u32 $0xF7A, s1;
	s8 =	simm.s32 @!p0 $0x1BF5;
	p2 =	por !p2, p0  }
0x20: {  	[sflag:s8] =	ssyncset.s32 @!p0 $0xFFFFF086;
	s6 =	sadd.s32 @!p0 s3, s7;
	s7 =	simm.s32 @!p0 $0x108  }
0x21: {  	s3 =	sadd.s32 s3, s9;
	s6 =	sadd.s32 @!p0 $0x88, s6;
	s7 =	simm.s32 @p2 $0x1082  }
0x22: {  	[simem:s7], [sflag:s8] =	dma.local @!p0 [hbm:s6], $0xF7A  }
0x23: {  	s9 =	sor.u32 $0xD0000000, s2;
	s6 =	simm.s32 $0x108;
	_ =	swait.ge @!p0 [sflag:s8], $0x0  }
0x24: {  	s3 =	sadd.s32 $0x88, s3;
	s6 =	simm.s32 @!p1 $0x1082;
	[sflag:s4] =	ssyncset.s32 $0xFFFFF086  }
0x25: {  	[simem:s6], [sflag:s4] =	dma.local [hbm:s3], $0xF7A  }
0x26: {  	[smem:$0x3F98] =	sst s1;
	(tag) =	ssettag s2;
	_ =	strace s9  }
0x27: {  	s1 =	sld [smem:$0x3FA8]  }
0x28: {  	s2 =	sld [smem:$0x3FA9]  }
0x29: {  	s4 =	sld [smem:$0x3FAB]  }
0x2a: {  	p0 =	seq.s32 s5, $0x0;
	s5 =	sld [smem:$0x3FAC]  }
0x2b: {  	s6 =	sld [smem:$0x3FAD]  }
0x2c: {  	s7 =	sld [smem:$0x3FAE]  }
0x2d: {  	s3 =	simm.s32 $0x108;
	s8 =	sld [smem:$0x3FAF]  }
0x2e: {  	s3 =	simm.s32 @!p0 $0x1082;
	s9 =	sld [smem:$0x3FB0]  }
0x2f: {  	lr =	sadd.s32 s0, s3;
	s0 =	sld [smem:$0x3FA7]  }
0x30: {  	s3 =	sld [smem:$0x3FAA]  }
0x31: {  	[smem:$0x3FB3] =	sst s10  }
0x32: {  	s10 =	sld [smem:$0x3FB1];
	_ =	sdelay $0x3  }
0x33: {  	p0 =	seq.s32 s10, $0x1;
	s10 =	sld [smem:$0x3FB3];
	_ =	sdelay $0x3  }
0x34: {  	[smem:$0x3FB3] =	sst s10  }
0x35: {  	s10 =	sld [smem:$0x3FB2];
	_ =	sdelay $0x3  }
0x36: {  	p1 =	seq.s32 s10, $0x1;
	s10 =	sld [smem:$0x3FB3];
	_ =	sdelay $0x3  }
0x37: {  	[smem:$0x3FB3] =	sst s10  }
0x38: {  	s10 =	sld [smem:$0x3FB4]  }
0x39: {  	_ = 	snop;
	(pc) =	sbr.ind lr, $3  }
0x3a: {  	_ = 	snop  }
0x3b: {  	_ = 	snop  }
0x3c: {  	p2 =	seq.s32 s10, $0x1;
	s10 =	sld [smem:$0x3FB3]  }
0x3d: {  	_ =	shalt  }
0x3e: {  	_ =	shalt  }
0x3f: {  	_ =	shalt  }
0x40: {  	_ =	shalt  }
0x41: {  	_ =	shalt  }
0x42: {  	_ =	shalt  }
0x43: {  	_ =	shalt  }
0x44: {  	_ =	shalt  }
0x45: {  	_ =	shalt  }
0x46: {  	_ =	shalt  }
0x47: {  	_ =	shalt  }
0x48: {  	_ =	shalt  }
0x49: {  	_ =	shalt  }
0x4a: {  	_ =	shalt  }
0x4b: {  	_ =	shalt  }
0x4c: {  	_ =	shalt  }
0x4d: {  	_ =	shalt  }
0x4e: {  	_ =	shalt  }
0x4f: {  	_ =	shalt  }
0x50: {  	_ =	shalt  }
0x51: {  	_ =	shalt  }
0x52: {  	_ =	shalt  }
0x53: {  	_ =	shalt  }
0x54: {  	_ =	shalt  }
0x55: {  	_ =	shalt  }
0x56: {  	_ =	shalt  }
0x57: {  	_ =	shalt  }
0x58: {  	_ =	shalt  }
0x59: {  	_ =	shalt  }
0x5a: {  	_ =	shalt  }
0x5b: {  	_ =	shalt  }
0x5c: {  	_ =	shalt  }
0x5d: {  	_ =	shalt  }
0x5e: {  	_ =	shalt  }
0x5f: {  	_ =	shalt  }
0x60: {  	_ =	shalt  }
0x61: {  	_ =	shalt  }
0x62: {  	_ =	shalt  }
0x63: {  	_ =	shalt  }
0x64: {  	_ =	shalt  }
0x65: {  	_ =	shalt  }
0x66: {  	_ =	shalt  }
0x67: {  	_ =	shalt  }
0x68: {  	_ =	shalt  }
0x69: {  	_ =	shalt  }
0x6a: {  	_ =	shalt  }
0x6b: {  	_ =	shalt  }
0x6c: {  	_ =	shalt  }
0x6d: {  	_ =	shalt  }
0x6e: {  	_ =	shalt  }
0x6f: {  	_ =	shalt  }
0x70: {  	_ =	shalt  }
0x71: {  	_ =	shalt  }
0x72: {  	_ =	shalt  }
0x73: {  	_ =	shalt  }
0x74: {  	_ =	shalt  }
0x75: {  	_ =	shalt  }
0x76: {  	_ =	shalt  }
0x77: {  	_ =	shalt  }
0x78: {  	_ =	shalt  }
0x79: {  	_ =	shalt  }
0x7a: {  	_ =	shalt  }
0x7b: {  	_ =	shalt  }
0x7c: {  	_ =	shalt  }
0x7d: {  	_ =	shalt  }
0x7e: {  	_ =	shalt  }
0x7f: {  	_ =	shalt  }
0x80: {  	_ =	shalt  }
0x81: {  	_ =	shalt  }
0x82: {  	_ =	shalt  }
0x83: {  	_ =	shalt  }
0x84: {  	_ =	shalt  }
0x85: {  	_ =	shalt  }
0x86: {  	_ =	shalt  }
0x87: {  	_ =	shalt  }
.Lfunc_end0:
.L_simem_size_0:
called_computation_lowered:
.L_overlay_start_0:
0x88: {  	s2 =	sld [smem:$0x3FD9]  }
0x89: {  	s3 =	sld [smem:$0x3FFE];
	_ =	sdelay $0x1  }
0x8a: {  	s1 =	srdreg.scid  }
0x8b: {  	s0 =	sand.u32 $0x1, s1  }
0x8c: {  	s17 =	sshll.u32 s0, $0xA;
	s2 =	sadd.s32 s3, s2  }
0x8d: {  	s2 =	sadd.s32 s2, s17  }
0x8e: {  	[smem:$0x3FBF] =	sst s2  }
0x8f: {  	_ = 	snop  }
0x90: {  	s2 =	sld [smem:$0x3FC9];
	(tm) =	ssettm $0x1  }
0x91: {  	s18 =	sld [smem:$0x3FFB];
	_ =	sdelay $0x3  }
0x92: {  	_ =	strace s18  }
0x93: {  	s3 =	sld [smem:$0x3FFC];
	_ =	sdelay $0x3  }
0x94: {  	_ =	strace s3  }
0x95: {  	s3 =	sld [smem:$0x3FFD];
	_ =	sdelay $0x3  }
0x96: {  	_ =	strace s3  }
0x97: {  	_ =	strace $0x8FFFFFFF  }
0x98: {  	s19 =	sld [smem:$0x3FDB];
	_ =	sdelay $0x1  }
0x99: {  	s4 =	simm.s32 $_scs_section_size  }
0x9a: {  	s5 =	simm.s32 $_size__tile_overlayer_lowered;
	s6 =	simm.s32 $_tile_overlayer_lowered  }
0x9b: {  	s22 =	simm.s32 $0x1BFF;
	s21 =	sshll.u32 s6, $0x1;
	s3 =	sadd.s32 s4, s19  }
0x9c: {  	s7 =	simm.s32 $0x0;
	s20 =	sshll.u32 s5, $0x1;
	s5 =	sadd.s32 s21, s3  }
0x9d: {  	[timem:s7], [sflag:s22] =	dma.local [hbm:s5], s20  }
0x9e: {  	_ =	swait.ge [sflag:s22], s20  }
0x9f: {  	s4 =	ssub.s32 $0x0, s20;
	[sflag:s22] =	ssyncset.done $0x0  }
0xa0: {  	[sflag:s22] =	ssyncadd.s32 s4;
	_ =	sdelay $0x1  }
0xa1: {  	s23 =	simm.s32 $0x1B8B  }
0xa2: {  	_ =	swait.ge [sflag:s23], $0x1  }
0xa3: {  	[sflag:s23] =	ssyncset.done $0x0  }
0xa4: {  	s25 =	simm.s32 $0x1B8E;
	s24 =	sld [smem:$0x3FFE];
	[sflag:s23] =	ssyncadd.s32 $0xFFFFFFFF  }
0xa5: {  	s26 =	simm.s32 $execute0_lowered;
	[smem:$0x3FD2] =	sst s25  }
0xa6: {  	s5 =	sshll.u32 s26, $0x1;
	_ =	strace $0x80000046;
	[dreg:$0x1] =	wrdreg $0xFFFFFFFF  }
0xa7: {  	s28 =	simm.s32 $_size_execute0_lowered;
	s3 =	sadd.s32 s3, s5;
	[dreg:$0x0] =	wrdreg $0x0  }
0xa8: {  	s5 =	sshll.u32 s28, $0x1;
	[dreg:$0x2] =	wrdreg s3  }
0xa9: {  	[dreg:$0x3] =	wrdreg s5  }
0xaa: {  	[dreg:$0x4] =	wrdreg $0xC0  }
0xab: {  	_ =	task [dreg:s7], $0x5FFFF  }
0xac: {  	[dreg:$0x1] =	wrdreg $0xFFFFFFFF  }
0xad: {  	[dreg:$0x0] =	wrdreg $0x60  }
0xae: {  	[dreg:$0x2] =	wrdreg s2  }
0xaf: {  	[dreg:$0x3] =	wrdreg s24  }
0xb0: {  	[dreg:$0x4] =	wrdreg $0xC0000  }
0xb1: {  	[dreg:$0x5] =	wrdreg $0x9  }
0xb2: {  	_ =	task.clear_ibuf [dreg:s7], $0x6FFFF;
	_ =	strace $0x90000046  }
0xb3: {  	s29 =	simm.s32 $0x9;
	_ =	strace $0x80000048  }
0xb4: {  	_ =	swait.ge [sflag:s29], $0x1  }
0xb5: {  	[sflag:s29] =	ssyncadd.s32 $0xFFFFFFFF  }
0xb6: {  	_ =	strace $0x90000048  }
0xb7: {  	_ =	sfence  }
0xb8: {  	s30 =	sld [smem:$0x0];
	_ =	sdelay $0x2  }
0xb9: {  	s31 =	sshll.u32 s1, $0xD;
	s1 =	sshrl.u32 s1, $0x2  }
0xba: {  	s3 =	sand.u32 $0x4000, s31;
	s1 =	sadd.s32 s1, s30  }
0xbb: {  	s0 =	sor.u32 s3, s0;
	s1 =	sshll.u32 s1, $0x11  }
0xbc: {  	s0 =	sor.u32 s1, s0  }
0xbd: {  	s0 =	sadd.s32 $0x8F2B, s0  }
0xbe: {  	[sflag:s0] =	ssyncadd.remote.s32 $0x1  }
0xbf: {  	_ =	sfence.sel $0xFFFF  }
0xc0: {  	[dreg:$0x0] =	wrdreg $0xFFFFFFFF;
	(pc) =	sbr.abs _section_cstart, $3  }
0xc1: {  	[dreg:$0x1] =	wrdreg $0xFFFFFFFF  }
0xc2: {  	_ =	task.clear_ibuf [dreg:s7], $0x2FFFF;
	_ =	strace $0x9FFFFFFF  }
0xc3: {  	(tm) =	ssettm $0x7FFFFFFF  }
tec
execute0_lowered:
.L_overlay_start_1:
0x0: {  	(tag) =	ssettag $0x1  }
0x1: {  	s0 =	srdreg.scid;
	s8 =	stileid.u32  }
0x2: {  	s0 =	sand.u32 $0x1, s0;
	s1 =	smul.u32 $0xA000, s8  }
0x3: {  	s2 =	rddreg [dreg:$0x0];
	s4 =	smul.u32 $0x5000, s0  }
0x4: {  	s5 =	rddreg [dreg:$0x1]  }
0x5: {  	s3 =	rddreg [dreg:$0x2];
	s1 =	sadd.s32 s4, s1;
	s4 =	simm.s32 $0x0  }
0x6: {  	s18 =	simm.s32 $0x80;
	[smem:$0x7FF] =	sst s4  }
0x7: {  	s19 =	simm.s32 $0x100;
	_ =	strace $0x80000047;
	[dreg:$0x6] =	wrdreg s18  }
0x8: {  	s20 =	simm.s32 $0x180;
	[dreg:$0x7] =	wrdreg s19  }
0x9: {  	s21 =	simm.s32 $0x200;
	[dreg:$0x8] =	wrdreg s20  }
0xa: {  	s22 =	simm.s32 $0x1080;
	[dreg:$0x9] =	wrdreg s21  }
0xb: {  	s23 =	simm.s32 $0x280;
	[dreg:$0xa] =	wrdreg s22  }
0xc: {  	s25 =	simm.s32 $0x1100;
	[dreg:$0xb] =	wrdreg s23  }
0xd: {  	s9 =	simm.s32 $0x300;
	[dreg:$0xc] =	wrdreg s25  }
0xe: {  	s10 =	simm.s32 $0x1180;
	[dreg:$0xd] =	wrdreg s9  }
0xf: {  	s11 =	simm.s32 $0x380;
	s12 =	simm.s32 $0x1200;
	[dreg:$0xe] =	wrdreg s10  }
0x10: {  	s13 =	simm.s32 $0x400;
	s14 =	simm.s32 $0x1280;
	[dreg:$0xf] =	wrdreg s11  }
0x11: {  	s24 =	smul.u32 $0x140000, s0;
	s0 =	ssub.s32 $0x2, s0;
	[dreg:$0x10] =	wrdreg s12  }
0x12: {  	s16 =	simm.s32 $0x480;
	s15 =	sshrl.u32 s0, $0x1;
	[dreg:$0x11] =	wrdreg s13  }
0x13: {  	s7 =	sadd.s32 $0x1E00, s5;
	s0 =	ssub.s32 s0, s15;
	[dreg:$0x12] =	wrdreg s14  }
0x14: {  	s15 =	simm.s32 $0x700;
	s6 =	sadd.s32 $0xA0000, s1;
	[dreg:$0x13] =	wrdreg s16  }
0x15: {  	s1 =	sshrl.u32 s1, $0x3;
	s0 =	smax.u32 s0, $0x1;
	[dreg:$0x1d] =	wrdreg s15  }
0x16: {  	s1 =	sadd.s32 s1, s7;
	[smem:$0x7F4] =	sst s0  }
0x17: {  	s18 =	simm.s32 $0x1300;
	[dreg:$0x5] =	wrdreg s1  }
0x18: {  	s19 =	simm.s32 $0x500;
	[dreg:$0x14] =	wrdreg s18  }
0x19: {  	s21 =	simm.s32 $0x1380;
	[dreg:$0x15] =	wrdreg s19  }
0x1a: {  	s28 =	simm.s32 $0x1880;
	s22 =	simm.s32 $0x580;
	[dreg:$0x16] =	wrdreg s21  }
0x1b: {  	s29 =	simm.s32 $0xA80;
	s9 =	simm.s32 $0x1480;
	[dreg:$0x17] =	wrdreg s22  }
0x1c: {  	s30 =	simm.s32 $0x1900;
	s11 =	simm.s32 $0x680;
	[dreg:$0x1a] =	wrdreg s9  }
0x1d: {  	s17 =	smul.u32 $0x50000, s8;
	s13 =	simm.s32 $0x1500;
	[dreg:$0x1b] =	wrdreg s11  }
0x1e: {  	s6 =	sshrl.u32 s6, $0x3;
	s16 =	simm.s32 $0x1580;
	[dreg:$0x1c] =	wrdreg s13  }
0x1f: {  	s20 =	sshrl.u32 s17, $0x2;
	s17 =	simm.s32 $0x780;
	[dreg:$0x1e] =	wrdreg s16  }
0x20: {  	s31 =	simm.s32 $0xB00;
	s6 =	sadd.s32 s6, s7;
	[dreg:$0x1f] =	wrdreg s17  }
0x21: {  	s26 =	smul.u32 $0x14000, s8;
	s18 =	simm.s32 $0x1600;
	[dreg:$0x4] =	wrdreg s6  }
0x22: {  	s15 =	simm.s32 $0x2000;
	s19 =	simm.s32 $0x800;
	[smem:$0x7F5] =	sst s18  }
0x23: {  	s0 =	simm.s32 $0xB80;
	s21 =	simm.s32 $0x880;
	[smem:$0x7F6] =	sst s19  }
0x24: {  	s16 =	simm.s32 $0x5;
	s22 =	simm.s32 $0x1700;
	[smem:$0x7F8] =	sst s21  }
0x25: {  	s6 =	sadd.s32 s26, s24;
	s24 =	simm.s32 $0x1400;
	[smem:$0x7F9] =	sst s22  }
0x26: {  	s17 =	simm.s32 $0x1000;
	s26 =	simm.s32 $0x600;
	[dreg:$0x18] =	wrdreg s24  }
0x27: {  	s1 =	simm.s32 $0x1980;
	[dreg:$0x19] =	wrdreg s26;
	s24 =	simm.s32 $0x1780  }
0x28: {  	s6 =	sshrl.u32 s6, $0x3;
	s26 =	simm.s32 $0x1800;
	[smem:$0x7FB] =	sst s24  }
0x29: {  	s5 =	sadd.s32 s6, s5;
	s6 =	sadd.s32 s20, s3;
	[smem:$0x7FD] =	sst s26  }
0x2a: {  	s7 =	simm.s32 $0xC00;
	s20 =	simm.s32 $0x1680;
	[smem:$0x7F1] =	sst s6  }
0x2b: {  	s9 =	simm.s32 $0x1B00;
	s23 =	sadd.s32 $0x2800, s6;
	[smem:$0x7F7] =	sst s20  }
0x2c: {  	s11 =	simm.s32 $0x1C00;
	s25 =	sadd.s32 $0x5000, s6;
	[smem:$0x7EB] =	sst s23  }
0x2d: {  	s18 =	simm.s32 $0x50;
	s8 =	sadd.s32 $0x7800, s6;
	[smem:$0x7EC] =	sst s25  }
0x2e: {  	s19 =	simm.s32 $0x4800;
	s10 =	sadd.s32 $0xA000, s6;
	[smem:$0x7ED] =	sst s8  }
0x2f: {  	s21 =	simm.s32 $0x9800;
	s12 =	sadd.s32 $0xC800, s6;
	[smem:$0x7EE] =	sst s10  }
0x30: {  	s22 =	simm.s32 $0x1;
	s14 =	sadd.s32 $0xF000, s6;
	[smem:$0x7EF] =	sst s12  }
0x31: {  	s24 =	simm.s32 $0x3;
	s6 =	sadd.s32 $0x11800, s6;
	[smem:$0x7F0] =	sst s14  }
0x32: {  	s26 =	simm.s32 $0xA00;
	s5 =	sadd.s32 $0x29E00, s5;
	[smem:$0x7F2] =	sst s6  }
0x33: {  	s20 =	simm.s32 $0x7000;
	[smem:$0x7F3] =	sst s5;
	s23 =	simm.s32 $0x900  }
0x34: {  	s25 =	simm.s32 $0x980;
	s6 =	simm.s32 $0x1A00;
	s8 =	simm.s32 $0x1A80  }
0x35: {  	s10 =	simm.s32 $0x1B80;
	s12 =	simm.s32 $0x0;
	[smem:$0x7FA] =	sst s23  }
0x36: {  	v0 =	vimm.f32 $0.0e+00;
	[smem:$0x7FC] =	sst s25;
	s23 =	simm.s32 $0x2;
	s25 =	simm.s32 $0x4  }
.LBB2_1:
0x37: {  	s13 =	simm.s32 $0x0;
	s14 =	simm.s32 $0x200  }
.LBB2_2:
0x38: {  	p0 =	sne.s32 s14, $0x9E00;
	[tilespmem:s13+$0x2070] =	vst v0  }
0x39: {  	[tilespmem:s13+$0x2000] =	vst v0  }
0x3a: {  	[tilespmem:s13+$0x2010] =	vst v0  }
.Ltmp0:
0x3b: {  	[tilespmem:s13+$0x2020] =	vst v0;
	(pc) =	sbr.rel @p0 .LBB2_2-.Ltmp0, $4  }
0x3c: {  	[tilespmem:s13+$0x2030] =	vst v0  }
0x3d: {  	[tilespmem:s13+$0x2040] =	vst v0  }
0x3e: {  	[tilespmem:s13+$0x2050] =	vst v0  }
0x3f: {  	[tilespmem:s13+$0x2060] =	vst v0;
	s13 =	sshra.s32 s14, $0x2;
	s14 =	sadd.s32 $0x200, s14  }
0x40: {  	[tilespmem:s13+$0x2070] =	vst v0  }
0x41: {  	[tilespmem:s13+$0x2000] =	vst v0  }
0x42: {  	[tilespmem:s13+$0x2010] =	vst v0  }
0x43: {  	[tilespmem:s13+$0x2020] =	vst v0  }
0x44: {  	[tilespmem:s13+$0x2030] =	vst v0  }
0x45: {  	[tilespmem:s13+$0x2040] =	vst v0;
	s5 =	sld [smem:$0x7F1]  }
0x46: {  	[tilespmem:s13+$0x2050] =	vst v0  }
0x47: {  	[smem:$0x7EA] =	sst s12;
	[tilespmem:s13+$0x2060] =	vst v0  }
0x48: {  	[spmem:s5] =	stream.linear.scatter [tilespmem:s15], [sflag:$0x5], $0x2800, $0x38;
	v63 =	vld [tilespmem:$0x0]  }
0x49: {  	_ =	swait.ge [sflag:s16], $0x2800  }
0x4a: {  	s13 =	sld [smem:$0x7EB]  }
0x4b: {  	[sflag:s16] =	ssyncset.done $0x0  }
0x4c: {  	[sflag:s16] =	ssyncadd.s32 $0xFFFFD800  }
0x4d: {  	[spmem:s13] =	stream.linear.scatter [tilespmem:s15], [sflag:$0x5], $0x2800, $0x38;
	v63 =	vld [tilespmem:$0x0]  }
0x4e: {  	_ =	swait.ge [sflag:s16], $0x2800  }
0x4f: {  	s14 =	sld [smem:$0x7EC]  }
0x50: {  	[sflag:s16] =	ssyncset.done $0x0  }
0x51: {  	[sflag:s16] =	ssyncadd.s32 $0xFFFFD800  }
0x52: {  	[spmem:s14] =	stream.linear.scatter [tilespmem:s15], [sflag:$0x5], $0x2800, $0x38;
	v63 =	vld [tilespmem:$0x0]  }
0x53: {  	_ =	swait.ge [sflag:s16], $0x2800  }
0x54: {  	s12 =	sld [smem:$0x7ED]  }
0x55: {  	[sflag:s16] =	ssyncset.done $0x0  }
0x56: {  	[sflag:s16] =	ssyncadd.s32 $0xFFFFD800  }
0x57: {  	[spmem:s12] =	stream.linear.scatter [tilespmem:s15], [sflag:$0x5], $0x2800, $0x38;
	v63 =	vld [tilespmem:$0x0]  }
0x58: {  	_ =	swait.ge [sflag:s16], $0x2800  }
0x59: {  	s13 =	sld [smem:$0x7EE]  }
0x5a: {  	[sflag:s16] =	ssyncset.done $0x0  }
0x5b: {  	[sflag:s16] =	ssyncadd.s32 $0xFFFFD800  }
0x5c: {  	[spmem:s13] =	stream.linear.scatter [tilespmem:s15], [sflag:$0x5], $0x2800, $0x38;
	v63 =	vld [tilespmem:$0x0]  }
0x5d: {  	_ =	swait.ge [sflag:s16], $0x2800  }
0x5e: {  	s14 =	sld [smem:$0x7EF]  }
0x5f: {  	[sflag:s16] =	ssyncset.done $0x0  }
0x60: {  	[sflag:s16] =	ssyncadd.s32 $0xFFFFD800  }
0x61: {  	[spmem:s14] =	stream.linear.scatter [tilespmem:s15], [sflag:$0x5], $0x2800, $0x38;
	v63 =	vld [tilespmem:$0x0]  }
0x62: {  	_ =	swait.ge [sflag:s16], $0x2800  }
0x63: {  	s12 =	sld [smem:$0x7F0]  }
0x64: {  	[sflag:s16] =	ssyncset.done $0x0  }
0x65: {  	[sflag:s16] =	ssyncadd.s32 $0xFFFFD800  }
0x66: {  	[spmem:s12] =	stream.linear.scatter [tilespmem:s15], [sflag:$0x5], $0x2800, $0x38;
	v63 =	vld [tilespmem:$0x0]  }
0x67: {  	_ =	swait.ge [sflag:s16], $0x2800  }
0x68: {  	s13 =	sld [smem:$0x7F2]  }
0x69: {  	[sflag:s16] =	ssyncset.done $0x0  }
0x6a: {  	[sflag:s16] =	ssyncadd.s32 $0xFFFFD800  }
0x6b: {  	[spmem:s13] =	stream.linear.scatter [tilespmem:s15], [sflag:$0x5], $0x2800, $0x38;
	v63 =	vld [tilespmem:$0x0]  }
0x6c: {  	_ =	swait.ge [sflag:s16], $0x2800  }
0x6d: {  	[sflag:s16] =	ssyncset.done $0x0  }
0x6e: {  	[sflag:s16] =	ssyncadd.s32 $0xFFFFD800  }
0x6f: {  	[bflag:$0x0] =	sbarrier.arrive $0xFFFF  }
0x70: {  	s14 =	rddreg [dreg:$0x5]  }
0x71: {  	s5 =	sadd.s32 $0x0, s14  }
0x72: {  	[tilespmem:s4], [sflag:$0x5] =	stream.linear.gather [hbm4b:s5+s4], $0xC80, $0x38;
	v63 =	vld [tilespmem:$0x0]  }
0x73: {  	_ =	swait.ge [sflag:s16], $0xC80  }
0x74: {  	s12 =	rddreg [dreg:$0x4];
	[sflag:s16] =	ssyncset.done $0x0  }
0x75: {  	[sflag:s16] =	ssyncadd.s32 $0xFFFFF380;
	s5 =	sadd.s32 $0x0, s12  }
0x76: {  	[tilespmem:s17], [sflag:$0x5] =	stream.linear.gather [hbm4b:s5+s4], $0xC80, $0x38;
	v63 =	vld [tilespmem:$0x0]  }
0x77: {  	_ =	swait.ge [sflag:s16], $0xC80  }
0x78: {  	[sflag:s16] =	ssyncset.done $0x0  }
0x79: {  	[sflag:s16] =	ssyncadd.s32 $0xFFFFF380  }
0x7a: {  	[tilespmem:s15], [sflag:$0x1] =	stream.indirect.gather [hbm4b:s2+s18], $0x80, s4, s18, $0xb8;
	v63 =	vld [tilespmem:$0x0]  }
0x7b: {  	s13 =	rddreg [dreg:$0x6]  }
0x7c: {  	[tilespmem:s19], [sflag:$0x2] =	stream.indirect.gather [hbm4b:s2+s18], $0x80, s13, s18, $0xb8;
	v63 =	vld [tilespmem:$0x0]  }
0x7d: {  	s14 =	rddreg [dreg:$0x7]  }
0x7e: {  	[tilespmem:s20], [sflag:$0x3] =	stream.indirect.gather [hbm4b:s2+s18], $0x80, s14, s18, $0xb8;
	v63 =	vld [tilespmem:$0x0]  }
0x7f: {  	s12 =	rddreg [dreg:$0x8]  }
0x80: {  	[tilespmem:s21], [sflag:$0x4] =	stream.indirect.gather [hbm4b:s2+s18], $0x80, s12, s18, $0xb8;
	v63 =	vld [tilespmem:$0x0]  }
0x81: {  	_ =	swait.ge [sflag:s22], $0x2800  }
0x82: {  	[sflag:s22] =	ssyncset.done $0x0  }
0x83: {  	[sflag:s22] =	ssyncadd.s32 $0xFFFFD800  }
0x84: {  	[spmem:s3] =	stream.indirect.scatter.add.f32 [tilespmem:s15], [sflag:$0x5], $0x80, s17, s18, $0xb8;
	v63 =	vld [tilespmem:$0x0]  }
0x85: {  	_ =	swait.ge [sflag:s16], $0x2800  }
0x86: {  	[sflag:s16] =	ssyncset.done $0x0  }
0x87: {  	s13 =	rddreg [dreg:$0x9];
	[sflag:s16] =	ssyncadd.s32 $0xFFFFD800  }
0x88: {  	[tilespmem:s15], [sflag:$0x1] =	stream.indirect.gather [hbm4b:s2+s18], $0x80, s13, s18, $0xb8;
	v63 =	vld [tilespmem:$0x0]  }
0x89: {  	_ =	swait.ge [sflag:s23], $0x2800  }
0x8a: {  	[sflag:s23] =	ssyncset.done $0x0  }
0x8b: {  	s14 =	rddreg [dreg:$0xa];
	[sflag:s23] =	ssyncadd.s32 $0xFFFFD800  }
0x8c: {  	[spmem:s3] =	stream.indirect.scatter.add.f32 [tilespmem:s19], [sflag:$0x5], $0x80, s14, s18, $0xb8;
	v63 =	vld [tilespmem:$0x0]  }
0x8d: {  	_ =	swait.ge [sflag:s16], $0x2800  }
0x8e: {  	[sflag:s16] =	ssyncset.done $0x0  }
0x8f: {  	s12 =	rddreg [dreg:$0xb];
	[sflag:s16] =	ssyncadd.s32 $0xFFFFD800  }
0x90: {  	[tilespmem:s19], [sflag:$0x2] =	stream.indirect.gather [hbm4b:s2+s18], $0x80, s12, s18, $0xb8;
	v63 =	vld [tilespmem:$0x0]  }
0x91: {  	_ =	swait.ge [sflag:s24], $0x2800  }
0x92: {  	[sflag:s24] =	ssyncset.done $0x0  }
0x93: {  	s13 =	rddreg [dreg:$0xc];
	[sflag:s24] =	ssyncadd.s32 $0xFFFFD800  }
0x94: {  	[spmem:s3] =	stream.indirect.scatter.add.f32 [tilespmem:s20], [sflag:$0x5], $0x80, s13, s18, $0xb8;
	v63 =	vld [tilespmem:$0x0]  }
0x95: {  	_ =	swait.ge [sflag:s16], $0x2800  }
0x96: {  	[sflag:s16] =	ssyncset.done $0x0  }
0x97: {  	s14 =	rddreg [dreg:$0xd];
	[sflag:s16] =	ssyncadd.s32 $0xFFFFD800  }
0x98: {  	[tilespmem:s20], [sflag:$0x3] =	stream.indirect.gather [hbm4b:s2+s18], $0x80, s14, s18, $0xb8;
	v63 =	vld [tilespmem:$0x0]  }
0x99: {  	_ =	swait.ge [sflag:s25], $0x2800  }
0x9a: {  	[sflag:s25] =	ssyncset.done $0x0  }
0x9b: {  	s12 =	rddreg [dreg:$0xe];
	[sflag:s25] =	ssyncadd.s32 $0xFFFFD800  }
0x9c: {  	[spmem:s3] =	stream.indirect.scatter.add.f32 [tilespmem:s21], [sflag:$0x5], $0x80, s12, s18, $0xb8;
	v63 =	vld [tilespmem:$0x0]  }
0x9d: {  	_ =	swait.ge [sflag:s16], $0x2800  }
0x9e: {  	[sflag:s16] =	ssyncset.done $0x0  }
0x9f: {  	s13 =	rddreg [dreg:$0xf];
	[sflag:s16] =	ssyncadd.s32 $0xFFFFD800  }
0xa0: {  	[tilespmem:s21], [sflag:$0x4] =	stream.indirect.gather [hbm4b:s2+s18], $0x80, s13, s18, $0xb8;
	v63 =	vld [tilespmem:$0x0]  }
0xa1: {  	_ =	swait.ge [sflag:s22], $0x2800  }
0xa2: {  	[sflag:s22] =	ssyncset.done $0x0  }
0xa3: {  	s14 =	rddreg [dreg:$0x10];
	[sflag:s22] =	ssyncadd.s32 $0xFFFFD800  }
0xa4: {  	[spmem:s3] =	stream.indirect.scatter.add.f32 [tilespmem:s15], [sflag:$0x5], $0x80, s14, s18, $0xb8;
	v63 =	vld [tilespmem:$0x0]  }
0xa5: {  	_ =	swait.ge [sflag:s16], $0x2800  }
0xa6: {  	[sflag:s16] =	ssyncset.done $0x0  }
0xa7: {  	s12 =	rddreg [dreg:$0x11];
	[sflag:s16] =	ssyncadd.s32 $0xFFFFD800  }
0xa8: {  	[tilespmem:s15], [sflag:$0x1] =	stream.indirect.gather [hbm4b:s2+s18], $0x80, s12, s18, $0xb8;
	v63 =	vld [tilespmem:$0x0]  }
0xa9: {  	_ =	swait.ge [sflag:s23], $0x2800  }
0xaa: {  	[sflag:s23] =	ssyncset.done $0x0  }
0xab: {  	s13 =	rddreg [dreg:$0x12];
	[sflag:s23] =	ssyncadd.s32 $0xFFFFD800  }
0xac: {  	[spmem:s3] =	stream.indirect.scatter.add.f32 [tilespmem:s19], [sflag:$0x5], $0x80, s13, s18, $0xb8;
	v63 =	vld [tilespmem:$0x0]  }
0xad: {  	_ =	swait.ge [sflag:s16], $0x2800  }
0xae: {  	[sflag:s16] =	ssyncset.done $0x0  }
0xaf: {  	s14 =	rddreg [dreg:$0x13];
	[sflag:s16] =	ssyncadd.s32 $0xFFFFD800  }
0xb0: {  	[tilespmem:s19], [sflag:$0x2] =	stream.indirect.gather [hbm4b:s2+s18], $0x80, s14, s18, $0xb8;
	v63 =	vld [tilespmem:$0x0]  }
0xb1: {  	_ =	swait.ge [sflag:s24], $0x2800  }
0xb2: {  	[sflag:s24] =	ssyncset.done $0x0  }
0xb3: {  	s12 =	rddreg [dreg:$0x14];
	[sflag:s24] =	ssyncadd.s32 $0xFFFFD800  }
0xb4: {  	[spmem:s3] =	stream.indirect.scatter.add.f32 [tilespmem:s20], [sflag:$0x5], $0x80, s12, s18, $0xb8;
	v63 =	vld [tilespmem:$0x0]  }
0xb5: {  	_ =	swait.ge [sflag:s16], $0x2800  }
0xb6: {  	[sflag:s16] =	ssyncset.done $0x0  }
0xb7: {  	s13 =	rddreg [dreg:$0x15];
	[sflag:s16] =	ssyncadd.s32 $0xFFFFD800  }
0xb8: {  	[tilespmem:s20], [sflag:$0x3] =	stream.indirect.gather [hbm4b:s2+s18], $0x80, s13, s18, $0xb8;
	v63 =	vld [tilespmem:$0x0]  }
0xb9: {  	_ =	swait.ge [sflag:s25], $0x2800  }
0xba: {  	[sflag:s25] =	ssyncset.done $0x0  }
0xbb: {  	s14 =	rddreg [dreg:$0x16];
	[sflag:s25] =	ssyncadd.s32 $0xFFFFD800  }
0xbc: {  	[spmem:s3] =	stream.indirect.scatter.add.f32 [tilespmem:s21], [sflag:$0x5], $0x80, s14, s18, $0xb8;
	v63 =	vld [tilespmem:$0x0]  }
0xbd: {  	_ =	swait.ge [sflag:s16], $0x2800  }
0xbe: {  	[sflag:s16] =	ssyncset.done $0x0  }
0xbf: {  	s12 =	rddreg [dreg:$0x17];
	[sflag:s16] =	ssyncadd.s32 $0xFFFFD800  }
0xc0: {  	[tilespmem:s21], [sflag:$0x4] =	stream.indirect.gather [hbm4b:s2+s18], $0x80, s12, s18, $0xb8;
	v63 =	vld [tilespmem:$0x0]  }
0xc1: {  	_ =	swait.ge [sflag:s22], $0x2800  }
0xc2: {  	[sflag:s22] =	ssyncset.done $0x0  }
0xc3: {  	s13 =	rddreg [dreg:$0x18];
	[sflag:s22] =	ssyncadd.s32 $0xFFFFD800  }
0xc4: {  	[spmem:s3] =	stream.indirect.scatter.add.f32 [tilespmem:s15], [sflag:$0x5], $0x80, s13, s18, $0xb8;
	v63 =	vld [tilespmem:$0x0]  }
0xc5: {  	_ =	swait.ge [sflag:s16], $0x2800  }
0xc6: {  	[sflag:s16] =	ssyncset.done $0x0  }
0xc7: {  	s14 =	rddreg [dreg:$0x19];
	[sflag:s16] =	ssyncadd.s32 $0xFFFFD800  }
0xc8: {  	[tilespmem:s15], [sflag:$0x1] =	stream.indirect.gather [hbm4b:s2+s18], $0x80, s14, s18, $0xb8;
	v63 =	vld [tilespmem:$0x0]  }
0xc9: {  	_ =	swait.ge [sflag:s23], $0x2800  }
0xca: {  	[sflag:s23] =	ssyncset.done $0x0  }
0xcb: {  	s12 =	rddreg [dreg:$0x1a];
	[sflag:s23] =	ssyncadd.s32 $0xFFFFD800  }
0xcc: {  	[spmem:s3] =	stream.indirect.scatter.add.f32 [tilespmem:s19], [sflag:$0x5], $0x80, s12, s18, $0xb8;
	v63 =	vld [tilespmem:$0x0]  }
0xcd: {  	_ =	swait.ge [sflag:s16], $0x2800  }
0xce: {  	[sflag:s16] =	ssyncset.done $0x0  }
0xcf: {  	s13 =	rddreg [dreg:$0x1b];
	[sflag:s16] =	ssyncadd.s32 $0xFFFFD800  }
0xd0: {  	[tilespmem:s19], [sflag:$0x2] =	stream.indirect.gather [hbm4b:s2+s18], $0x80, s13, s18, $0xb8;
	v63 =	vld [tilespmem:$0x0]  }
0xd1: {  	_ =	swait.ge [sflag:s24], $0x2800  }
0xd2: {  	[sflag:s24] =	ssyncset.done $0x0  }
0xd3: {  	s14 =	rddreg [dreg:$0x1c];
	[sflag:s24] =	ssyncadd.s32 $0xFFFFD800  }
0xd4: {  	[spmem:s3] =	stream.indirect.scatter.add.f32 [tilespmem:s20], [sflag:$0x5], $0x80, s14, s18, $0xb8;
	v63 =	vld [tilespmem:$0x0]  }
0xd5: {  	_ =	swait.ge [sflag:s16], $0x2800  }
0xd6: {  	[sflag:s16] =	ssyncset.done $0x0  }
0xd7: {  	s12 =	rddreg [dreg:$0x1d];
	[sflag:s16] =	ssyncadd.s32 $0xFFFFD800  }
0xd8: {  	[tilespmem:s20], [sflag:$0x3] =	stream.indirect.gather [hbm4b:s2+s18], $0x80, s12, s18, $0xb8;
	v63 =	vld [tilespmem:$0x0]  }
0xd9: {  	_ =	swait.ge [sflag:s25], $0x2800  }
0xda: {  	[sflag:s25] =	ssyncset.done $0x0  }
0xdb: {  	s13 =	rddreg [dreg:$0x1e];
	[sflag:s25] =	ssyncadd.s32 $0xFFFFD800  }
0xdc: {  	[spmem:s3] =	stream.indirect.scatter.add.f32 [tilespmem:s21], [sflag:$0x5], $0x80, s13, s18, $0xb8;
	v63 =	vld [tilespmem:$0x0]  }
0xdd: {  	_ =	swait.ge [sflag:s16], $0x2800  }
0xde: {  	[sflag:s16] =	ssyncset.done $0x0  }
0xdf: {  	s14 =	rddreg [dreg:$0x1f];
	[sflag:s16] =	ssyncadd.s32 $0xFFFFD800  }
0xe0: {  	[tilespmem:s21], [sflag:$0x4] =	stream.indirect.gather [hbm4b:s2+s18], $0x80, s14, s18, $0xb8;
	v63 =	vld [tilespmem:$0x0]  }
0xe1: {  	_ =	swait.ge [sflag:s22], $0x2800  }
0xe2: {  	s12 =	sld [smem:$0x7F5]  }
0xe3: {  	[sflag:s22] =	ssyncset.done $0x0  }
0xe4: {  	[sflag:s22] =	ssyncadd.s32 $0xFFFFD800  }
0xe5: {  	[spmem:s3] =	stream.indirect.scatter.add.f32 [tilespmem:s15], [sflag:$0x5], $0x80, s12, s18, $0xb8;
	v63 =	vld [tilespmem:$0x0]  }
0xe6: {  	_ =	swait.ge [sflag:s16], $0x2800  }
0xe7: {  	s13 =	sld [smem:$0x7F6]  }
0xe8: {  	[sflag:s16] =	ssyncset.done $0x0  }
0xe9: {  	[sflag:s16] =	ssyncadd.s32 $0xFFFFD800  }
0xea: {  	[tilespmem:s15], [sflag:$0x1] =	stream.indirect.gather [hbm4b:s2+s18], $0x80, s13, s18, $0xb8;
	v63 =	vld [tilespmem:$0x0]  }
0xeb: {  	_ =	swait.ge [sflag:s23], $0x2800  }
0xec: {  	s14 =	sld [smem:$0x7F7]  }
0xed: {  	[sflag:s23] =	ssyncset.done $0x0  }
0xee: {  	[sflag:s23] =	ssyncadd.s32 $0xFFFFD800  }
0xef: {  	[spmem:s3] =	stream.indirect.scatter.add.f32 [tilespmem:s19], [sflag:$0x5], $0x80, s14, s18, $0xb8;
	v63 =	vld [tilespmem:$0x0]  }
0xf0: {  	_ =	swait.ge [sflag:s16], $0x2800  }
0xf1: {  	s12 =	sld [smem:$0x7F8]  }
0xf2: {  	[sflag:s16] =	ssyncset.done $0x0  }
0xf3: {  	[sflag:s16] =	ssyncadd.s32 $0xFFFFD800  }
0xf4: {  	[tilespmem:s19], [sflag:$0x2] =	stream.indirect.gather [hbm4b:s2+s18], $0x80, s12, s18, $0xb8;
	v63 =	vld [tilespmem:$0x0]  }
0xf5: {  	_ =	swait.ge [sflag:s24], $0x2800  }
0xf6: {  	s13 =	sld [smem:$0x7F9]  }
0xf7: {  	[sflag:s24] =	ssyncset.done $0x0  }
0xf8: {  	[sflag:s24] =	ssyncadd.s32 $0xFFFFD800  }
0xf9: {  	[spmem:s3] =	stream.indirect.scatter.add.f32 [tilespmem:s20], [sflag:$0x5], $0x80, s13, s18, $0xb8;
	v63 =	vld [tilespmem:$0x0]  }
0xfa: {  	_ =	swait.ge [sflag:s16], $0x2800  }
0xfb: {  	s14 =	sld [smem:$0x7FA]  }
0xfc: {  	[sflag:s16] =	ssyncset.done $0x0  }
0xfd: {  	[sflag:s16] =	ssyncadd.s32 $0xFFFFD800  }
0xfe: {  	[tilespmem:s20], [sflag:$0x3] =	stream.indirect.gather [hbm4b:s2+s18], $0x80, s14, s18, $0xb8;
	v63 =	vld [tilespmem:$0x0]  }
0xff: {  	_ =	swait.ge [sflag:s25], $0x2800  }
0x100: {  	s12 =	sld [smem:$0x7FB]  }
0x101: {  	[sflag:s25] =	ssyncset.done $0x0  }
0x102: {  	[sflag:s25] =	ssyncadd.s32 $0xFFFFD800  }
0x103: {  	[spmem:s3] =	stream.indirect.scatter.add.f32 [tilespmem:s21], [sflag:$0x5], $0x80, s12, s18, $0xb8;
	v63 =	vld [tilespmem:$0x0]  }
0x104: {  	_ =	swait.ge [sflag:s16], $0x2800  }
0x105: {  	s13 =	sld [smem:$0x7FC]  }
0x106: {  	[sflag:s16] =	ssyncset.done $0x0  }
0x107: {  	[sflag:s16] =	ssyncadd.s32 $0xFFFFD800  }
0x108: {  	[tilespmem:s21], [sflag:$0x4] =	stream.indirect.gather [hbm4b:s2+s18], $0x80, s13, s18, $0xb8;
	v63 =	vld [tilespmem:$0x0]  }
0x109: {  	_ =	swait.ge [sflag:s22], $0x2800  }
0x10a: {  	s14 =	sld [smem:$0x7FD]  }
0x10b: {  	[sflag:s22] =	ssyncset.done $0x0  }
0x10c: {  	[sflag:s22] =	ssyncadd.s32 $0xFFFFD800  }
0x10d: {  	[spmem:s3] =	stream.indirect.scatter.add.f32 [tilespmem:s15], [sflag:$0x5], $0x80, s14, s18, $0xb8;
	v63 =	vld [tilespmem:$0x0]  }
0x10e: {  	_ =	swait.ge [sflag:s16], $0x2800  }
0x10f: {  	[sflag:s16] =	ssyncset.done $0x0  }
0x110: {  	[sflag:s16] =	ssyncadd.s32 $0xFFFFD800  }
0x111: {  	[tilespmem:s15], [sflag:$0x1] =	stream.indirect.gather [hbm4b:s2+s18], $0x80, s26, s18, $0xb8;
	v63 =	vld [tilespmem:$0x0]  }
0x112: {  	_ =	swait.ge [sflag:s23], $0x2800  }
0x113: {  	[sflag:s23] =	ssyncset.done $0x0  }
0x114: {  	[sflag:s23] =	ssyncadd.s32 $0xFFFFD800  }
0x115: {  	[spmem:s3] =	stream.indirect.scatter.add.f32 [tilespmem:s19], [sflag:$0x5], $0x80, s28, s18, $0xb8;
	v63 =	vld [tilespmem:$0x0]  }
0x116: {  	_ =	swait.ge [sflag:s16], $0x2800  }
0x117: {  	[sflag:s16] =	ssyncset.done $0x0  }
0x118: {  	[sflag:s16] =	ssyncadd.s32 $0xFFFFD800  }
0x119: {  	[tilespmem:s19], [sflag:$0x2] =	stream.indirect.gather [hbm4b:s2+s18], $0x80, s29, s18, $0xb8;
	v63 =	vld [tilespmem:$0x0]  }
0x11a: {  	_ =	swait.ge [sflag:s24], $0x2800  }
0x11b: {  	[sflag:s24] =	ssyncset.done $0x0  }
0x11c: {  	[sflag:s24] =	ssyncadd.s32 $0xFFFFD800  }
0x11d: {  	[spmem:s3] =	stream.indirect.scatter.add.f32 [tilespmem:s20], [sflag:$0x5], $0x80, s30, s18, $0xb8;
	v63 =	vld [tilespmem:$0x0]  }
0x11e: {  	_ =	swait.ge [sflag:s16], $0x2800  }
0x11f: {  	[sflag:s16] =	ssyncset.done $0x0  }
0x120: {  	[sflag:s16] =	ssyncadd.s32 $0xFFFFD800  }
0x121: {  	[tilespmem:s20], [sflag:$0x3] =	stream.indirect.gather [hbm4b:s2+s18], $0x80, s31, s18, $0xb8;
	v63 =	vld [tilespmem:$0x0]  }
0x122: {  	_ =	swait.ge [sflag:s25], $0x2800  }
0x123: {  	[sflag:s25] =	ssyncset.done $0x0  }
0x124: {  	[sflag:s25] =	ssyncadd.s32 $0xFFFFD800  }
0x125: {  	[spmem:s3] =	stream.indirect.scatter.add.f32 [tilespmem:s21], [sflag:$0x5], $0x80, s1, s18, $0xb8;
	v63 =	vld [tilespmem:$0x0]  }
0x126: {  	_ =	swait.ge [sflag:s16], $0x2800  }
0x127: {  	[sflag:s16] =	ssyncset.done $0x0  }
0x128: {  	[sflag:s16] =	ssyncadd.s32 $0xFFFFD800  }
0x129: {  	[tilespmem:s21], [sflag:$0x4] =	stream.indirect.gather [hbm4b:s2+s18], $0x80, s0, s18, $0xb8;
	v63 =	vld [tilespmem:$0x0]  }
0x12a: {  	_ =	swait.ge [sflag:s22], $0x2800  }
0x12b: {  	[sflag:s22] =	ssyncset.done $0x0  }
0x12c: {  	[sflag:s22] =	ssyncadd.s32 $0xFFFFD800  }
0x12d: {  	[spmem:s3] =	stream.indirect.scatter.add.f32 [tilespmem:s15], [sflag:$0x5], $0x80, s6, s18, $0xb8;
	v63 =	vld [tilespmem:$0x0]  }
0x12e: {  	_ =	swait.ge [sflag:s16], $0x2800  }
0x12f: {  	[sflag:s16] =	ssyncset.done $0x0  }
0x130: {  	[sflag:s16] =	ssyncadd.s32 $0xFFFFD800  }
0x131: {  	[tilespmem:s15], [sflag:$0x1] =	stream.indirect.gather [hbm4b:s2+s18], $0x80, s7, s18, $0xb8;
	v63 =	vld [tilespmem:$0x0]  }
0x132: {  	_ =	swait.ge [sflag:s23], $0x2800  }
0x133: {  	[sflag:s23] =	ssyncset.done $0x0  }
0x134: {  	[sflag:s23] =	ssyncadd.s32 $0xFFFFD800  }
0x135: {  	[spmem:s3] =	stream.indirect.scatter.add.f32 [tilespmem:s19], [sflag:$0x5], $0x80, s8, s18, $0xb8;
	v63 =	vld [tilespmem:$0x0]  }
0x136: {  	_ =	swait.ge [sflag:s16], $0x2800  }
0x137: {  	[sflag:s16] =	ssyncset.done $0x0  }
0x138: {  	[sflag:s16] =	ssyncadd.s32 $0xFFFFD800  }
0x139: {  	_ =	swait.ge [sflag:s24], $0x2800  }
0x13a: {  	[sflag:s24] =	ssyncset.done $0x0  }
0x13b: {  	[sflag:s24] =	ssyncadd.s32 $0xFFFFD800  }
0x13c: {  	[spmem:s3] =	stream.indirect.scatter.add.f32 [tilespmem:s20], [sflag:$0x5], $0x80, s9, s18, $0xb8;
	v63 =	vld [tilespmem:$0x0]  }
0x13d: {  	_ =	swait.ge [sflag:s16], $0x2800  }
0x13e: {  	[sflag:s16] =	ssyncset.done $0x0  }
0x13f: {  	[sflag:s16] =	ssyncadd.s32 $0xFFFFD800  }
0x140: {  	_ =	swait.ge [sflag:s25], $0x2800  }
0x141: {  	[sflag:s25] =	ssyncset.done $0x0  }
0x142: {  	[sflag:s25] =	ssyncadd.s32 $0xFFFFD800  }
0x143: {  	[spmem:s3] =	stream.indirect.scatter.add.f32 [tilespmem:s21], [sflag:$0x5], $0x80, s10, s18, $0xb8;
	v63 =	vld [tilespmem:$0x0]  }
0x144: {  	_ =	swait.ge [sflag:s16], $0x2800  }
0x145: {  	[sflag:s16] =	ssyncset.done $0x0  }
0x146: {  	[sflag:s16] =	ssyncadd.s32 $0xFFFFD800  }
0x147: {  	_ =	swait.ge [sflag:s22], $0x2800  }
0x148: {  	[sflag:s22] =	ssyncset.done $0x0  }
0x149: {  	[sflag:s22] =	ssyncadd.s32 $0xFFFFD800  }
0x14a: {  	[spmem:s3] =	stream.indirect.scatter.add.f32 [tilespmem:s15], [sflag:$0x5], $0x80, s11, s18, $0xb8;
	v63 =	vld [tilespmem:$0x0]  }
0x14b: {  	s13 =	simm.s32 $0x200;
	_ =	swait.ge [sflag:s16], $0x2800  }
0x14c: {  	s14 =	simm.s32 $0x400;
	s5 =	rddreg [dreg:$0x5];
	[sflag:s16] =	ssyncset.done $0x0  }
.LBB2_4:
0x14d: {  	[sflag:s16] =	ssyncadd.s32 $0xFFFFD800;
	s5 =	sadd.s32 s13, s5  }
0x14e: {  	[tilespmem:s4], [sflag:$0x5] =	stream.linear.gather [hbm4b:s5+s4], $0xC80, $0x38;
	v63 =	vld [tilespmem:$0x0]  }
0x14f: {  	_ =	swait.ge [sflag:s16], $0xC80  }
0x150: {  	s5 =	rddreg [dreg:$0x4];
	[sflag:s16] =	ssyncset.done $0x0  }
0x151: {  	[sflag:s16] =	ssyncadd.s32 $0xFFFFF380;
	s5 =	sadd.s32 s13, s5  }
0x152: {  	[tilespmem:s17], [sflag:$0x5] =	stream.linear.gather [hbm4b:s5+s4], $0xC80, $0x38;
	v63 =	vld [tilespmem:$0x0]  }
0x153: {  	_ =	swait.ge [sflag:s16], $0xC80  }
0x154: {  	[sflag:s16] =	ssyncset.done $0x0  }
0x155: {  	[sflag:s16] =	ssyncadd.s32 $0xFFFFF380  }
0x156: {  	[tilespmem:s15], [sflag:$0x1] =	stream.indirect.gather [hbm4b:s2+s18], $0x80, s4, s18, $0xb8;
	v63 =	vld [tilespmem:$0x0]  }
0x157: {  	s12 =	smov.u32 s14;
	s5 =	rddreg [dreg:$0x6]  }
0x158: {  	[tilespmem:s19], [sflag:$0x2] =	stream.indirect.gather [hbm4b:s2+s18], $0x80, s5, s18, $0xb8;
	v63 =	vld [tilespmem:$0x0]  }
0x159: {  	s13 =	smov.u32 s12;
	s12 =	rddreg [dreg:$0x7]  }
0x15a: {  	[tilespmem:s20], [sflag:$0x3] =	stream.indirect.gather [hbm4b:s2+s18], $0x80, s12, s18, $0xb8;
	v63 =	vld [tilespmem:$0x0]  }
0x15b: {  	s5 =	rddreg [dreg:$0x8]  }
0x15c: {  	[tilespmem:s21], [sflag:$0x4] =	stream.indirect.gather [hbm4b:s2+s18], $0x80, s5, s18, $0xb8;
	v63 =	vld [tilespmem:$0x0]  }
0x15d: {  	_ =	swait.ge [sflag:s22], $0x2800  }
0x15e: {  	[sflag:s22] =	ssyncset.done $0x0  }
0x15f: {  	[sflag:s22] =	ssyncadd.s32 $0xFFFFD800  }
0x160: {  	[spmem:s3] =	stream.indirect.scatter.add.f32 [tilespmem:s15], [sflag:$0x5], $0x80, s17, s18, $0xb8;
	v63 =	vld [tilespmem:$0x0]  }
0x161: {  	_ =	swait.ge [sflag:s16], $0x2800  }
0x162: {  	[sflag:s16] =	ssyncset.done $0x0  }
0x163: {  	s12 =	rddreg [dreg:$0x9];
	[sflag:s16] =	ssyncadd.s32 $0xFFFFD800  }
0x164: {  	[tilespmem:s15], [sflag:$0x1] =	stream.indirect.gather [hbm4b:s2+s18], $0x80, s12, s18, $0xb8;
	v63 =	vld [tilespmem:$0x0]  }
0x165: {  	_ =	swait.ge [sflag:s23], $0x2800  }
0x166: {  	[sflag:s23] =	ssyncset.done $0x0  }
0x167: {  	s12 =	rddreg [dreg:$0xa];
	[sflag:s23] =	ssyncadd.s32 $0xFFFFD800  }
0x168: {  	[spmem:s3] =	stream.indirect.scatter.add.f32 [tilespmem:s19], [sflag:$0x5], $0x80, s12, s18, $0xb8;
	v63 =	vld [tilespmem:$0x0]  }
0x169: {  	_ =	swait.ge [sflag:s16], $0x2800  }
0x16a: {  	[sflag:s16] =	ssyncset.done $0x0  }
0x16b: {  	s12 =	rddreg [dreg:$0xb];
	[sflag:s16] =	ssyncadd.s32 $0xFFFFD800  }
0x16c: {  	[tilespmem:s19], [sflag:$0x2] =	stream.indirect.gather [hbm4b:s2+s18], $0x80, s12, s18, $0xb8;
	v63 =	vld [tilespmem:$0x0]  }
0x16d: {  	_ =	swait.ge [sflag:s24], $0x2800  }
0x16e: {  	[sflag:s24] =	ssyncset.done $0x0  }
0x16f: {  	s12 =	rddreg [dreg:$0xc];
	[sflag:s24] =	ssyncadd.s32 $0xFFFFD800  }
0x170: {  	[spmem:s3] =	stream.indirect.scatter.add.f32 [tilespmem:s20], [sflag:$0x5], $0x80, s12, s18, $0xb8;
	v63 =	vld [tilespmem:$0x0]  }
0x171: {  	_ =	swait.ge [sflag:s16], $0x2800  }
0x172: {  	[sflag:s16] =	ssyncset.done $0x0  }
0x173: {  	s12 =	rddreg [dreg:$0xd];
	[sflag:s16] =	ssyncadd.s32 $0xFFFFD800  }
0x174: {  	[tilespmem:s20], [sflag:$0x3] =	stream.indirect.gather [hbm4b:s2+s18], $0x80, s12, s18, $0xb8;
	v63 =	vld [tilespmem:$0x0]  }
0x175: {  	_ =	swait.ge [sflag:s25], $0x2800  }
0x176: {  	[sflag:s25] =	ssyncset.done $0x0  }
0x177: {  	s12 =	rddreg [dreg:$0xe];
	[sflag:s25] =	ssyncadd.s32 $0xFFFFD800  }
0x178: {  	[spmem:s3] =	stream.indirect.scatter.add.f32 [tilespmem:s21], [sflag:$0x5], $0x80, s12, s18, $0xb8;
	v63 =	vld [tilespmem:$0x0]  }
0x179: {  	_ =	swait.ge [sflag:s16], $0x2800  }
0x17a: {  	[sflag:s16] =	ssyncset.done $0x0  }
0x17b: {  	s12 =	rddreg [dreg:$0xf];
	[sflag:s16] =	ssyncadd.s32 $0xFFFFD800  }
0x17c: {  	[tilespmem:s21], [sflag:$0x4] =	stream.indirect.gather [hbm4b:s2+s18], $0x80, s12, s18, $0xb8;
	v63 =	vld [tilespmem:$0x0]  }
0x17d: {  	_ =	swait.ge [sflag:s22], $0x2800  }
0x17e: {  	[sflag:s22] =	ssyncset.done $0x0  }
0x17f: {  	s12 =	rddreg [dreg:$0x10];
	[sflag:s22] =	ssyncadd.s32 $0xFFFFD800  }
0x180: {  	[spmem:s3] =	stream.indirect.scatter.add.f32 [tilespmem:s15], [sflag:$0x5], $0x80, s12, s18, $0xb8;
	v63 =	vld [tilespmem:$0x0]  }
0x181: {  	_ =	swait.ge [sflag:s16], $0x2800  }
0x182: {  	[sflag:s16] =	ssyncset.done $0x0  }
0x183: {  	s12 =	rddreg [dreg:$0x11];
	[sflag:s16] =	ssyncadd.s32 $0xFFFFD800  }
0x184: {  	[tilespmem:s15], [sflag:$0x1] =	stream.indirect.gather [hbm4b:s2+s18], $0x80, s12, s18, $0xb8;
	v63 =	vld [tilespmem:$0x0]  }
0x185: {  	_ =	swait.ge [sflag:s23], $0x2800  }
0x186: {  	[sflag:s23] =	ssyncset.done $0x0  }
0x187: {  	s12 =	rddreg [dreg:$0x12];
	[sflag:s23] =	ssyncadd.s32 $0xFFFFD800  }
0x188: {  	[spmem:s3] =	stream.indirect.scatter.add.f32 [tilespmem:s19], [sflag:$0x5], $0x80, s12, s18, $0xb8;
	v63 =	vld [tilespmem:$0x0]  }
0x189: {  	_ =	swait.ge [sflag:s16], $0x2800  }
0x18a: {  	[sflag:s16] =	ssyncset.done $0x0  }
0x18b: {  	s12 =	rddreg [dreg:$0x13];
	[sflag:s16] =	ssyncadd.s32 $0xFFFFD800  }
0x18c: {  	[tilespmem:s19], [sflag:$0x2] =	stream.indirect.gather [hbm4b:s2+s18], $0x80, s12, s18, $0xb8;
	v63 =	vld [tilespmem:$0x0]  }
0x18d: {  	_ =	swait.ge [sflag:s24], $0x2800  }
0x18e: {  	[sflag:s24] =	ssyncset.done $0x0  }
0x18f: {  	s12 =	rddreg [dreg:$0x14];
	[sflag:s24] =	ssyncadd.s32 $0xFFFFD800  }
0x190: {  	[spmem:s3] =	stream.indirect.scatter.add.f32 [tilespmem:s20], [sflag:$0x5], $0x80, s12, s18, $0xb8;
	v63 =	vld [tilespmem:$0x0]  }
0x191: {  	_ =	swait.ge [sflag:s16], $0x2800  }
0x192: {  	[sflag:s16] =	ssyncset.done $0x0  }
0x193: {  	s12 =	rddreg [dreg:$0x15];
	[sflag:s16] =	ssyncadd.s32 $0xFFFFD800  }
0x194: {  	[tilespmem:s20], [sflag:$0x3] =	stream.indirect.gather [hbm4b:s2+s18], $0x80, s12, s18, $0xb8;
	v63 =	vld [tilespmem:$0x0]  }
0x195: {  	_ =	swait.ge [sflag:s25], $0x2800  }
0x196: {  	[sflag:s25] =	ssyncset.done $0x0  }
0x197: {  	s12 =	rddreg [dreg:$0x16];
	[sflag:s25] =	ssyncadd.s32 $0xFFFFD800  }
0x198: {  	[spmem:s3] =	stream.indirect.scatter.add.f32 [tilespmem:s21], [sflag:$0x5], $0x80, s12, s18, $0xb8;
	v63 =	vld [tilespmem:$0x0]  }
0x199: {  	_ =	swait.ge [sflag:s16], $0x2800  }
0x19a: {  	[sflag:s16] =	ssyncset.done $0x0  }
0x19b: {  	s12 =	rddreg [dreg:$0x17];
	[sflag:s16] =	ssyncadd.s32 $0xFFFFD800  }
0x19c: {  	[tilespmem:s21], [sflag:$0x4] =	stream.indirect.gather [hbm4b:s2+s18], $0x80, s12, s18, $0xb8;
	v63 =	vld [tilespmem:$0x0]  }
0x19d: {  	_ =	swait.ge [sflag:s22], $0x2800  }
0x19e: {  	[sflag:s22] =	ssyncset.done $0x0  }
0x19f: {  	s12 =	rddreg [dreg:$0x18];
	[sflag:s22] =	ssyncadd.s32 $0xFFFFD800  }
0x1a0: {  	[spmem:s3] =	stream.indirect.scatter.add.f32 [tilespmem:s15], [sflag:$0x5], $0x80, s12, s18, $0xb8;
	v63 =	vld [tilespmem:$0x0]  }
0x1a1: {  	_ =	swait.ge [sflag:s16], $0x2800  }
0x1a2: {  	[sflag:s16] =	ssyncset.done $0x0  }
0x1a3: {  	s12 =	rddreg [dreg:$0x19];
	[sflag:s16] =	ssyncadd.s32 $0xFFFFD800  }
0x1a4: {  	[tilespmem:s15], [sflag:$0x1] =	stream.indirect.gather [hbm4b:s2+s18], $0x80, s12, s18, $0xb8;
	v63 =	vld [tilespmem:$0x0]  }
0x1a5: {  	_ =	swait.ge [sflag:s23], $0x2800  }
0x1a6: {  	[sflag:s23] =	ssyncset.done $0x0  }
0x1a7: {  	s12 =	rddreg [dreg:$0x1a];
	[sflag:s23] =	ssyncadd.s32 $0xFFFFD800  }
0x1a8: {  	[spmem:s3] =	stream.indirect.scatter.add.f32 [tilespmem:s19], [sflag:$0x5], $0x80, s12, s18, $0xb8;
	v63 =	vld [tilespmem:$0x0]  }
0x1a9: {  	_ =	swait.ge [sflag:s16], $0x2800  }
0x1aa: {  	[sflag:s16] =	ssyncset.done $0x0  }
0x1ab: {  	s12 =	rddreg [dreg:$0x1b];
	[sflag:s16] =	ssyncadd.s32 $0xFFFFD800  }
0x1ac: {  	[tilespmem:s19], [sflag:$0x2] =	stream.indirect.gather [hbm4b:s2+s18], $0x80, s12, s18, $0xb8;
	v63 =	vld [tilespmem:$0x0]  }
0x1ad: {  	_ =	swait.ge [sflag:s24], $0x2800  }
0x1ae: {  	[sflag:s24] =	ssyncset.done $0x0  }
0x1af: {  	s12 =	rddreg [dreg:$0x1c];
	[sflag:s24] =	ssyncadd.s32 $0xFFFFD800  }
0x1b0: {  	[spmem:s3] =	stream.indirect.scatter.add.f32 [tilespmem:s20], [sflag:$0x5], $0x80, s12, s18, $0xb8;
	v63 =	vld [tilespmem:$0x0]  }
0x1b1: {  	_ =	swait.ge [sflag:s16], $0x2800  }
0x1b2: {  	[sflag:s16] =	ssyncset.done $0x0  }
0x1b3: {  	s12 =	rddreg [dreg:$0x1d];
	[sflag:s16] =	ssyncadd.s32 $0xFFFFD800  }
0x1b4: {  	[tilespmem:s20], [sflag:$0x3] =	stream.indirect.gather [hbm4b:s2+s18], $0x80, s12, s18, $0xb8;
	v63 =	vld [tilespmem:$0x0]  }
0x1b5: {  	_ =	swait.ge [sflag:s25], $0x2800  }
0x1b6: {  	[sflag:s25] =	ssyncset.done $0x0  }
0x1b7: {  	s12 =	rddreg [dreg:$0x1e];
	[sflag:s25] =	ssyncadd.s32 $0xFFFFD800  }
0x1b8: {  	[spmem:s3] =	stream.indirect.scatter.add.f32 [tilespmem:s21], [sflag:$0x5], $0x80, s12, s18, $0xb8;
	v63 =	vld [tilespmem:$0x0]  }
0x1b9: {  	_ =	swait.ge [sflag:s16], $0x2800  }
0x1ba: {  	[sflag:s16] =	ssyncset.done $0x0  }
0x1bb: {  	s12 =	rddreg [dreg:$0x1f];
	[sflag:s16] =	ssyncadd.s32 $0xFFFFD800  }
0x1bc: {  	[tilespmem:s21], [sflag:$0x4] =	stream.indirect.gather [hbm4b:s2+s18], $0x80, s12, s18, $0xb8;
	v63 =	vld [tilespmem:$0x0]  }
0x1bd: {  	_ =	swait.ge [sflag:s22], $0x2800  }
0x1be: {  	s12 =	sld [smem:$0x7F5]  }
0x1bf: {  	[sflag:s22] =	ssyncset.done $0x0  }
0x1c0: {  	[sflag:s22] =	ssyncadd.s32 $0xFFFFD800  }
0x1c1: {  	[spmem:s3] =	stream.indirect.scatter.add.f32 [tilespmem:s15], [sflag:$0x5], $0x80, s12, s18, $0xb8;
	v63 =	vld [tilespmem:$0x0]  }
0x1c2: {  	_ =	swait.ge [sflag:s16], $0x2800  }
0x1c3: {  	s12 =	sld [smem:$0x7F6]  }
0x1c4: {  	[sflag:s16] =	ssyncset.done $0x0  }
0x1c5: {  	[sflag:s16] =	ssyncadd.s32 $0xFFFFD800  }
0x1c6: {  	[tilespmem:s15], [sflag:$0x1] =	stream.indirect.gather [hbm4b:s2+s18], $0x80, s12, s18, $0xb8;
	v63 =	vld [tilespmem:$0x0]  }
0x1c7: {  	_ =	swait.ge [sflag:s23], $0x2800  }
0x1c8: {  	s12 =	sld [smem:$0x7F7]  }
0x1c9: {  	[sflag:s23] =	ssyncset.done $0x0  }
0x1ca: {  	[sflag:s23] =	ssyncadd.s32 $0xFFFFD800  }
0x1cb: {  	[spmem:s3] =	stream.indirect.scatter.add.f32 [tilespmem:s19], [sflag:$0x5], $0x80, s12, s18, $0xb8;
	v63 =	vld [tilespmem:$0x0]  }
0x1cc: {  	_ =	swait.ge [sflag:s16], $0x2800  }
0x1cd: {  	s12 =	sld [smem:$0x7F8]  }
0x1ce: {  	[sflag:s16] =	ssyncset.done $0x0  }
0x1cf: {  	[sflag:s16] =	ssyncadd.s32 $0xFFFFD800  }
0x1d0: {  	[tilespmem:s19], [sflag:$0x2] =	stream.indirect.gather [hbm4b:s2+s18], $0x80, s12, s18, $0xb8;
	v63 =	vld [tilespmem:$0x0]  }
0x1d1: {  	_ =	swait.ge [sflag:s24], $0x2800  }
0x1d2: {  	s12 =	sld [smem:$0x7F9]  }
0x1d3: {  	[sflag:s24] =	ssyncset.done $0x0  }
0x1d4: {  	[sflag:s24] =	ssyncadd.s32 $0xFFFFD800  }
0x1d5: {  	[spmem:s3] =	stream.indirect.scatter.add.f32 [tilespmem:s20], [sflag:$0x5], $0x80, s12, s18, $0xb8;
	v63 =	vld [tilespmem:$0x0]  }
0x1d6: {  	_ =	swait.ge [sflag:s16], $0x2800  }
0x1d7: {  	s12 =	sld [smem:$0x7FA]  }
0x1d8: {  	[sflag:s16] =	ssyncset.done $0x0  }
0x1d9: {  	[sflag:s16] =	ssyncadd.s32 $0xFFFFD800  }
0x1da: {  	[tilespmem:s20], [sflag:$0x3] =	stream.indirect.gather [hbm4b:s2+s18], $0x80, s12, s18, $0xb8;
	v63 =	vld [tilespmem:$0x0]  }
0x1db: {  	_ =	swait.ge [sflag:s25], $0x2800  }
0x1dc: {  	s12 =	sld [smem:$0x7FB]  }
0x1dd: {  	[sflag:s25] =	ssyncset.done $0x0  }
0x1de: {  	[sflag:s25] =	ssyncadd.s32 $0xFFFFD800  }
0x1df: {  	[spmem:s3] =	stream.indirect.scatter.add.f32 [tilespmem:s21], [sflag:$0x5], $0x80, s12, s18, $0xb8;
	v63 =	vld [tilespmem:$0x0]  }
0x1e0: {  	_ =	swait.ge [sflag:s16], $0x2800  }
0x1e1: {  	s12 =	sld [smem:$0x7FC]  }
0x1e2: {  	[sflag:s16] =	ssyncset.done $0x0  }
0x1e3: {  	[sflag:s16] =	ssyncadd.s32 $0xFFFFD800  }
0x1e4: {  	[tilespmem:s21], [sflag:$0x4] =	stream.indirect.gather [hbm4b:s2+s18], $0x80, s12, s18, $0xb8;
	v63 =	vld [tilespmem:$0x0]  }
0x1e5: {  	_ =	swait.ge [sflag:s22], $0x2800  }
0x1e6: {  	s12 =	sld [smem:$0x7FD]  }
0x1e7: {  	[sflag:s22] =	ssyncset.done $0x0  }
0x1e8: {  	[sflag:s22] =	ssyncadd.s32 $0xFFFFD800  }
0x1e9: {  	[spmem:s3] =	stream.indirect.scatter.add.f32 [tilespmem:s15], [sflag:$0x5], $0x80, s12, s18, $0xb8;
	v63 =	vld [tilespmem:$0x0]  }
0x1ea: {  	_ =	swait.ge [sflag:s16], $0x2800  }
0x1eb: {  	[sflag:s16] =	ssyncset.done $0x0  }
0x1ec: {  	[sflag:s16] =	ssyncadd.s32 $0xFFFFD800  }
0x1ed: {  	[tilespmem:s15], [sflag:$0x1] =	stream.indirect.gather [hbm4b:s2+s18], $0x80, s26, s18, $0xb8;
	v63 =	vld [tilespmem:$0x0]  }
0x1ee: {  	_ =	swait.ge [sflag:s23], $0x2800  }
0x1ef: {  	[sflag:s23] =	ssyncset.done $0x0  }
0x1f0: {  	[sflag:s23] =	ssyncadd.s32 $0xFFFFD800  }
0x1f1: {  	[spmem:s3] =	stream.indirect.scatter.add.f32 [tilespmem:s19], [sflag:$0x5], $0x80, s28, s18, $0xb8;
	v63 =	vld [tilespmem:$0x0]  }
0x1f2: {  	_ =	swait.ge [sflag:s16], $0x2800  }
0x1f3: {  	[sflag:s16] =	ssyncset.done $0x0  }
0x1f4: {  	[sflag:s16] =	ssyncadd.s32 $0xFFFFD800  }
0x1f5: {  	[tilespmem:s19], [sflag:$0x2] =	stream.indirect.gather [hbm4b:s2+s18], $0x80, s29, s18, $0xb8;
	v63 =	vld [tilespmem:$0x0]  }
0x1f6: {  	_ =	swait.ge [sflag:s24], $0x2800  }
0x1f7: {  	[sflag:s24] =	ssyncset.done $0x0  }
0x1f8: {  	[sflag:s24] =	ssyncadd.s32 $0xFFFFD800  }
0x1f9: {  	[spmem:s3] =	stream.indirect.scatter.add.f32 [tilespmem:s20], [sflag:$0x5], $0x80, s30, s18, $0xb8;
	v63 =	vld [tilespmem:$0x0]  }
0x1fa: {  	_ =	swait.ge [sflag:s16], $0x2800  }
0x1fb: {  	[sflag:s16] =	ssyncset.done $0x0  }
0x1fc: {  	[sflag:s16] =	ssyncadd.s32 $0xFFFFD800  }
0x1fd: {  	[tilespmem:s20], [sflag:$0x3] =	stream.indirect.gather [hbm4b:s2+s18], $0x80, s31, s18, $0xb8;
	v63 =	vld [tilespmem:$0x0]  }
0x1fe: {  	_ =	swait.ge [sflag:s25], $0x2800  }
0x1ff: {  	[sflag:s25] =	ssyncset.done $0x0  }
0x200: {  	[sflag:s25] =	ssyncadd.s32 $0xFFFFD800  }
0x201: {  	[spmem:s3] =	stream.indirect.scatter.add.f32 [tilespmem:s21], [sflag:$0x5], $0x80, s1, s18, $0xb8;
	v63 =	vld [tilespmem:$0x0]  }
0x202: {  	_ =	swait.ge [sflag:s16], $0x2800  }
0x203: {  	[sflag:s16] =	ssyncset.done $0x0  }
0x204: {  	[sflag:s16] =	ssyncadd.s32 $0xFFFFD800  }
0x205: {  	[tilespmem:s21], [sflag:$0x4] =	stream.indirect.gather [hbm4b:s2+s18], $0x80, s0, s18, $0xb8;
	v63 =	vld [tilespmem:$0x0]  }
0x206: {  	_ =	swait.ge [sflag:s22], $0x2800  }
0x207: {  	[sflag:s22] =	ssyncset.done $0x0  }
0x208: {  	[sflag:s22] =	ssyncadd.s32 $0xFFFFD800  }
0x209: {  	[spmem:s3] =	stream.indirect.scatter.add.f32 [tilespmem:s15], [sflag:$0x5], $0x80, s6, s18, $0xb8;
	v63 =	vld [tilespmem:$0x0]  }
0x20a: {  	_ =	swait.ge [sflag:s16], $0x2800  }
0x20b: {  	[sflag:s16] =	ssyncset.done $0x0  }
0x20c: {  	[sflag:s16] =	ssyncadd.s32 $0xFFFFD800  }
0x20d: {  	[tilespmem:s15], [sflag:$0x1] =	stream.indirect.gather [hbm4b:s2+s18], $0x80, s7, s18, $0xb8;
	v63 =	vld [tilespmem:$0x0]  }
0x20e: {  	_ =	swait.ge [sflag:s23], $0x2800  }
0x20f: {  	[sflag:s23] =	ssyncset.done $0x0  }
0x210: {  	[sflag:s23] =	ssyncadd.s32 $0xFFFFD800  }
0x211: {  	[spmem:s3] =	stream.indirect.scatter.add.f32 [tilespmem:s19], [sflag:$0x5], $0x80, s8, s18, $0xb8;
	v63 =	vld [tilespmem:$0x0]  }
0x212: {  	_ =	swait.ge [sflag:s16], $0x2800  }
0x213: {  	[sflag:s16] =	ssyncset.done $0x0  }
0x214: {  	[sflag:s16] =	ssyncadd.s32 $0xFFFFD800  }
0x215: {  	_ =	swait.ge [sflag:s24], $0x2800  }
0x216: {  	[sflag:s24] =	ssyncset.done $0x0  }
0x217: {  	[sflag:s24] =	ssyncadd.s32 $0xFFFFD800  }
0x218: {  	[spmem:s3] =	stream.indirect.scatter.add.f32 [tilespmem:s20], [sflag:$0x5], $0x80, s9, s18, $0xb8;
	v63 =	vld [tilespmem:$0x0]  }
0x219: {  	_ =	swait.ge [sflag:s16], $0x2800  }
0x21a: {  	[sflag:s16] =	ssyncset.done $0x0  }
0x21b: {  	[sflag:s16] =	ssyncadd.s32 $0xFFFFD800  }
0x21c: {  	_ =	swait.ge [sflag:s25], $0x2800  }
0x21d: {  	[sflag:s25] =	ssyncset.done $0x0  }
0x21e: {  	[sflag:s25] =	ssyncadd.s32 $0xFFFFD800  }
0x21f: {  	[spmem:s3] =	stream.indirect.scatter.add.f32 [tilespmem:s21], [sflag:$0x5], $0x80, s10, s18, $0xb8;
	v63 =	vld [tilespmem:$0x0]  }
0x220: {  	_ =	swait.ge [sflag:s16], $0x2800  }
0x221: {  	[sflag:s16] =	ssyncset.done $0x0  }
0x222: {  	[sflag:s16] =	ssyncadd.s32 $0xFFFFD800  }
0x223: {  	p0 =	sne.s32 s14, $0x800;
	_ =	swait.ge [sflag:s22], $0x2800  }
.Ltmp1:
0x224: {  	[sflag:s22] =	ssyncset.done $0x0;
	(pc) =	sbr.rel @p0 .LBB2_4-.Ltmp1, $4  }
0x225: {  	[sflag:s22] =	ssyncadd.s32 $0xFFFFD800  }
0x226: {  	[spmem:s3] =	stream.indirect.scatter.add.f32 [tilespmem:s15], [sflag:$0x5], $0x80, s11, s18, $0xb8;
	v63 =	vld [tilespmem:$0x0]  }
0x227: {  	_ =	swait.ge [sflag:s16], $0x2800  }
0x228: {  	s14 =	sadd.s32 $0x200, s14;
	s5 =	rddreg [dreg:$0x5];
	[sflag:s16] =	ssyncset.done $0x0  }
0x229: {  	[sflag:s16] =	ssyncadd.s32 $0xFFFFD800;
	s5 =	sadd.s32 s13, s5  }
0x22a: {  	[tilespmem:s4], [sflag:$0x5] =	stream.linear.gather [hbm4b:s5+s4], $0xC80, $0x38;
	v63 =	vld [tilespmem:$0x0]  }
0x22b: {  	_ =	swait.ge [sflag:s16], $0xC80  }
0x22c: {  	s12 =	rddreg [dreg:$0x4];
	[sflag:s16] =	ssyncset.done $0x0  }
0x22d: {  	[sflag:s16] =	ssyncadd.s32 $0xFFFFF380;
	s5 =	sadd.s32 s13, s12  }
0x22e: {  	[tilespmem:s17], [sflag:$0x5] =	stream.linear.gather [hbm4b:s5+s4], $0xC80, $0x38;
	v63 =	vld [tilespmem:$0x0]  }
0x22f: {  	_ =	swait.ge [sflag:s16], $0xC80  }
0x230: {  	[sflag:s16] =	ssyncset.done $0x0  }
0x231: {  	[sflag:s16] =	ssyncadd.s32 $0xFFFFF380  }
0x232: {  	[tilespmem:s15], [sflag:$0x1] =	stream.indirect.gather [hbm4b:s2+s18], $0x80, s4, s18, $0xb8;
	v63 =	vld [tilespmem:$0x0]  }
0x233: {  	s13 =	rddreg [dreg:$0x6]  }
0x234: {  	[tilespmem:s19], [sflag:$0x2] =	stream.indirect.gather [hbm4b:s2+s18], $0x80, s13, s18, $0xb8;
	v63 =	vld [tilespmem:$0x0]  }
0x235: {  	s12 =	rddreg [dreg:$0x7]  }
0x236: {  	[tilespmem:s20], [sflag:$0x3] =	stream.indirect.gather [hbm4b:s2+s18], $0x80, s12, s18, $0xb8;
	v63 =	vld [tilespmem:$0x0]  }
0x237: {  	s14 =	rddreg [dreg:$0x8]  }
0x238: {  	[tilespmem:s21], [sflag:$0x4] =	stream.indirect.gather [hbm4b:s2+s18], $0x80, s14, s18, $0xb8;
	v63 =	vld [tilespmem:$0x0]  }
0x239: {  	_ =	swait.ge [sflag:s22], $0x2800  }
0x23a: {  	[sflag:s22] =	ssyncset.done $0x0  }
0x23b: {  	[sflag:s22] =	ssyncadd.s32 $0xFFFFD800  }
0x23c: {  	[spmem:s3] =	stream.indirect.scatter.add.f32 [tilespmem:s15], [sflag:$0x5], $0x80, s17, s18, $0xb8;
	v63 =	vld [tilespmem:$0x0]  }
0x23d: {  	_ =	swait.ge [sflag:s16], $0x2800  }
0x23e: {  	[sflag:s16] =	ssyncset.done $0x0  }
0x23f: {  	s13 =	rddreg [dreg:$0x9];
	[sflag:s16] =	ssyncadd.s32 $0xFFFFD800  }
0x240: {  	[tilespmem:s15], [sflag:$0x1] =	stream.indirect.gather [hbm4b:s2+s18], $0x80, s13, s18, $0xb8;
	v63 =	vld [tilespmem:$0x0]  }
0x241: {  	_ =	swait.ge [sflag:s23], $0x2800  }
0x242: {  	[sflag:s23] =	ssyncset.done $0x0  }
0x243: {  	s14 =	rddreg [dreg:$0xa];
	[sflag:s23] =	ssyncadd.s32 $0xFFFFD800  }
0x244: {  	[spmem:s3] =	stream.indirect.scatter.add.f32 [tilespmem:s19], [sflag:$0x5], $0x80, s14, s18, $0xb8;
	v63 =	vld [tilespmem:$0x0]  }
0x245: {  	_ =	swait.ge [sflag:s16], $0x2800  }
0x246: {  	[sflag:s16] =	ssyncset.done $0x0  }
0x247: {  	s12 =	rddreg [dreg:$0xb];
	[sflag:s16] =	ssyncadd.s32 $0xFFFFD800  }
0x248: {  	[tilespmem:s19], [sflag:$0x2] =	stream.indirect.gather [hbm4b:s2+s18], $0x80, s12, s18, $0xb8;
	v63 =	vld [tilespmem:$0x0]  }
0x249: {  	_ =	swait.ge [sflag:s24], $0x2800  }
0x24a: {  	[sflag:s24] =	ssyncset.done $0x0  }
0x24b: {  	s13 =	rddreg [dreg:$0xc];
	[sflag:s24] =	ssyncadd.s32 $0xFFFFD800  }
0x24c: {  	[spmem:s3] =	stream.indirect.scatter.add.f32 [tilespmem:s20], [sflag:$0x5], $0x80, s13, s18, $0xb8;
	v63 =	vld [tilespmem:$0x0]  }
0x24d: {  	_ =	swait.ge [sflag:s16], $0x2800  }
0x24e: {  	[sflag:s16] =	ssyncset.done $0x0  }
0x24f: {  	s14 =	rddreg [dreg:$0xd];
	[sflag:s16] =	ssyncadd.s32 $0xFFFFD800  }
0x250: {  	[tilespmem:s20], [sflag:$0x3] =	stream.indirect.gather [hbm4b:s2+s18], $0x80, s14, s18, $0xb8;
	v63 =	vld [tilespmem:$0x0]  }
0x251: {  	_ =	swait.ge [sflag:s25], $0x2800  }
0x252: {  	[sflag:s25] =	ssyncset.done $0x0  }
0x253: {  	s12 =	rddreg [dreg:$0xe];
	[sflag:s25] =	ssyncadd.s32 $0xFFFFD800  }
0x254: {  	[spmem:s3] =	stream.indirect.scatter.add.f32 [tilespmem:s21], [sflag:$0x5], $0x80, s12, s18, $0xb8;
	v63 =	vld [tilespmem:$0x0]  }
0x255: {  	_ =	swait.ge [sflag:s16], $0x2800  }
0x256: {  	[sflag:s16] =	ssyncset.done $0x0  }
0x257: {  	s13 =	rddreg [dreg:$0xf];
	[sflag:s16] =	ssyncadd.s32 $0xFFFFD800  }
0x258: {  	[tilespmem:s21], [sflag:$0x4] =	stream.indirect.gather [hbm4b:s2+s18], $0x80, s13, s18, $0xb8;
	v63 =	vld [tilespmem:$0x0]  }
0x259: {  	_ =	swait.ge [sflag:s22], $0x2800  }
0x25a: {  	[sflag:s22] =	ssyncset.done $0x0  }
0x25b: {  	s14 =	rddreg [dreg:$0x10];
	[sflag:s22] =	ssyncadd.s32 $0xFFFFD800  }
0x25c: {  	[spmem:s3] =	stream.indirect.scatter.add.f32 [tilespmem:s15], [sflag:$0x5], $0x80, s14, s18, $0xb8;
	v63 =	vld [tilespmem:$0x0]  }
0x25d: {  	_ =	swait.ge [sflag:s16], $0x2800  }
0x25e: {  	[sflag:s16] =	ssyncset.done $0x0  }
0x25f: {  	s12 =	rddreg [dreg:$0x11];
	[sflag:s16] =	ssyncadd.s32 $0xFFFFD800  }
0x260: {  	[tilespmem:s15], [sflag:$0x1] =	stream.indirect.gather [hbm4b:s2+s18], $0x80, s12, s18, $0xb8;
	v63 =	vld [tilespmem:$0x0]  }
0x261: {  	_ =	swait.ge [sflag:s23], $0x2800  }
0x262: {  	[sflag:s23] =	ssyncset.done $0x0  }
0x263: {  	s13 =	rddreg [dreg:$0x12];
	[sflag:s23] =	ssyncadd.s32 $0xFFFFD800  }
0x264: {  	[spmem:s3] =	stream.indirect.scatter.add.f32 [tilespmem:s19], [sflag:$0x5], $0x80, s13, s18, $0xb8;
	v63 =	vld [tilespmem:$0x0]  }
0x265: {  	_ =	swait.ge [sflag:s16], $0x2800  }
0x266: {  	[sflag:s16] =	ssyncset.done $0x0  }
0x267: {  	s14 =	rddreg [dreg:$0x13];
	[sflag:s16] =	ssyncadd.s32 $0xFFFFD800  }
0x268: {  	[tilespmem:s19], [sflag:$0x2] =	stream.indirect.gather [hbm4b:s2+s18], $0x80, s14, s18, $0xb8;
	v63 =	vld [tilespmem:$0x0]  }
0x269: {  	_ =	swait.ge [sflag:s24], $0x2800  }
0x26a: {  	[sflag:s24] =	ssyncset.done $0x0  }
0x26b: {  	s12 =	rddreg [dreg:$0x14];
	[sflag:s24] =	ssyncadd.s32 $0xFFFFD800  }
0x26c: {  	[spmem:s3] =	stream.indirect.scatter.add.f32 [tilespmem:s20], [sflag:$0x5], $0x80, s12, s18, $0xb8;
	v63 =	vld [tilespmem:$0x0]  }
0x26d: {  	_ =	swait.ge [sflag:s16], $0x2800  }
0x26e: {  	[sflag:s16] =	ssyncset.done $0x0  }
0x26f: {  	s13 =	rddreg [dreg:$0x15];
	[sflag:s16] =	ssyncadd.s32 $0xFFFFD800  }
0x270: {  	[tilespmem:s20], [sflag:$0x3] =	stream.indirect.gather [hbm4b:s2+s18], $0x80, s13, s18, $0xb8;
	v63 =	vld [tilespmem:$0x0]  }
0x271: {  	_ =	swait.ge [sflag:s25], $0x2800  }
0x272: {  	[sflag:s25] =	ssyncset.done $0x0  }
0x273: {  	s14 =	rddreg [dreg:$0x16];
	[sflag:s25] =	ssyncadd.s32 $0xFFFFD800  }
0x274: {  	[spmem:s3] =	stream.indirect.scatter.add.f32 [tilespmem:s21], [sflag:$0x5], $0x80, s14, s18, $0xb8;
	v63 =	vld [tilespmem:$0x0]  }
0x275: {  	_ =	swait.ge [sflag:s16], $0x2800  }
0x276: {  	[sflag:s16] =	ssyncset.done $0x0  }
0x277: {  	s12 =	rddreg [dreg:$0x17];
	[sflag:s16] =	ssyncadd.s32 $0xFFFFD800  }
0x278: {  	[tilespmem:s21], [sflag:$0x4] =	stream.indirect.gather [hbm4b:s2+s18], $0x80, s12, s18, $0xb8;
	v63 =	vld [tilespmem:$0x0]  }
0x279: {  	_ =	swait.ge [sflag:s22], $0x2800  }
0x27a: {  	[sflag:s22] =	ssyncset.done $0x0  }
0x27b: {  	s13 =	rddreg [dreg:$0x18];
	[sflag:s22] =	ssyncadd.s32 $0xFFFFD800  }
0x27c: {  	[spmem:s3] =	stream.indirect.scatter.add.f32 [tilespmem:s15], [sflag:$0x5], $0x80, s13, s18, $0xb8;
	v63 =	vld [tilespmem:$0x0]  }
0x27d: {  	_ =	swait.ge [sflag:s16], $0x2800  }
0x27e: {  	[sflag:s16] =	ssyncset.done $0x0  }
0x27f: {  	s14 =	rddreg [dreg:$0x19];
	[sflag:s16] =	ssyncadd.s32 $0xFFFFD800  }
0x280: {  	[tilespmem:s15], [sflag:$0x1] =	stream.indirect.gather [hbm4b:s2+s18], $0x80, s14, s18, $0xb8;
	v63 =	vld [tilespmem:$0x0]  }
0x281: {  	_ =	swait.ge [sflag:s23], $0x2800  }
0x282: {  	[sflag:s23] =	ssyncset.done $0x0  }
0x283: {  	s12 =	rddreg [dreg:$0x1a];
	[sflag:s23] =	ssyncadd.s32 $0xFFFFD800  }
0x284: {  	[spmem:s3] =	stream.indirect.scatter.add.f32 [tilespmem:s19], [sflag:$0x5], $0x80, s12, s18, $0xb8;
	v63 =	vld [tilespmem:$0x0]  }
0x285: {  	_ =	swait.ge [sflag:s16], $0x2800  }
0x286: {  	[sflag:s16] =	ssyncset.done $0x0  }
0x287: {  	s13 =	rddreg [dreg:$0x1b];
	[sflag:s16] =	ssyncadd.s32 $0xFFFFD800  }
0x288: {  	[tilespmem:s19], [sflag:$0x2] =	stream.indirect.gather [hbm4b:s2+s18], $0x80, s13, s18, $0xb8;
	v63 =	vld [tilespmem:$0x0]  }
0x289: {  	_ =	swait.ge [sflag:s24], $0x2800  }
0x28a: {  	[sflag:s24] =	ssyncset.done $0x0  }
0x28b: {  	s14 =	rddreg [dreg:$0x1c];
	[sflag:s24] =	ssyncadd.s32 $0xFFFFD800  }
0x28c: {  	[spmem:s3] =	stream.indirect.scatter.add.f32 [tilespmem:s20], [sflag:$0x5], $0x80, s14, s18, $0xb8;
	v63 =	vld [tilespmem:$0x0]  }
0x28d: {  	_ =	swait.ge [sflag:s16], $0x2800  }
0x28e: {  	[sflag:s16] =	ssyncset.done $0x0  }
0x28f: {  	s12 =	rddreg [dreg:$0x1d];
	[sflag:s16] =	ssyncadd.s32 $0xFFFFD800  }
0x290: {  	[tilespmem:s20], [sflag:$0x3] =	stream.indirect.gather [hbm4b:s2+s18], $0x80, s12, s18, $0xb8;
	v63 =	vld [tilespmem:$0x0]  }
0x291: {  	_ =	swait.ge [sflag:s25], $0x2800  }
0x292: {  	[sflag:s25] =	ssyncset.done $0x0  }
0x293: {  	s13 =	rddreg [dreg:$0x1e];
	[sflag:s25] =	ssyncadd.s32 $0xFFFFD800  }
0x294: {  	[spmem:s3] =	stream.indirect.scatter.add.f32 [tilespmem:s21], [sflag:$0x5], $0x80, s13, s18, $0xb8;
	v63 =	vld [tilespmem:$0x0]  }
0x295: {  	_ =	swait.ge [sflag:s16], $0x2800  }
0x296: {  	[sflag:s16] =	ssyncset.done $0x0  }
0x297: {  	s14 =	rddreg [dreg:$0x1f];
	[sflag:s16] =	ssyncadd.s32 $0xFFFFD800  }
0x298: {  	[tilespmem:s21], [sflag:$0x4] =	stream.indirect.gather [hbm4b:s2+s18], $0x80, s14, s18, $0xb8;
	v63 =	vld [tilespmem:$0x0]  }
0x299: {  	_ =	swait.ge [sflag:s22], $0x2800  }
0x29a: {  	s12 =	sld [smem:$0x7F5]  }
0x29b: {  	[sflag:s22] =	ssyncset.done $0x0  }
0x29c: {  	[sflag:s22] =	ssyncadd.s32 $0xFFFFD800  }
0x29d: {  	[spmem:s3] =	stream.indirect.scatter.add.f32 [tilespmem:s15], [sflag:$0x5], $0x80, s12, s18, $0xb8;
	v63 =	vld [tilespmem:$0x0]  }
0x29e: {  	_ =	swait.ge [sflag:s16], $0x2800  }
0x29f: {  	s13 =	sld [smem:$0x7F6]  }
0x2a0: {  	[sflag:s16] =	ssyncset.done $0x0  }
0x2a1: {  	[sflag:s16] =	ssyncadd.s32 $0xFFFFD800  }
0x2a2: {  	[tilespmem:s15], [sflag:$0x1] =	stream.indirect.gather [hbm4b:s2+s18], $0x80, s13, s18, $0xb8;
	v63 =	vld [tilespmem:$0x0]  }
0x2a3: {  	_ =	swait.ge [sflag:s23], $0x2800  }
0x2a4: {  	s14 =	sld [smem:$0x7F7]  }
0x2a5: {  	[sflag:s23] =	ssyncset.done $0x0  }
0x2a6: {  	[sflag:s23] =	ssyncadd.s32 $0xFFFFD800  }
0x2a7: {  	[spmem:s3] =	stream.indirect.scatter.add.f32 [tilespmem:s19], [sflag:$0x5], $0x80, s14, s18, $0xb8;
	v63 =	vld [tilespmem:$0x0]  }
0x2a8: {  	_ =	swait.ge [sflag:s16], $0x2800  }
0x2a9: {  	s12 =	sld [smem:$0x7F8]  }
0x2aa: {  	[sflag:s16] =	ssyncset.done $0x0  }
0x2ab: {  	[sflag:s16] =	ssyncadd.s32 $0xFFFFD800  }
0x2ac: {  	[tilespmem:s19], [sflag:$0x2] =	stream.indirect.gather [hbm4b:s2+s18], $0x80, s12, s18, $0xb8;
	v63 =	vld [tilespmem:$0x0]  }
0x2ad: {  	_ =	swait.ge [sflag:s24], $0x2800  }
0x2ae: {  	s13 =	sld [smem:$0x7F9]  }
0x2af: {  	[sflag:s24] =	ssyncset.done $0x0  }
0x2b0: {  	[sflag:s24] =	ssyncadd.s32 $0xFFFFD800  }
0x2b1: {  	[spmem:s3] =	stream.indirect.scatter.add.f32 [tilespmem:s20], [sflag:$0x5], $0x80, s13, s18, $0xb8;
	v63 =	vld [tilespmem:$0x0]  }
0x2b2: {  	_ =	swait.ge [sflag:s16], $0x2800  }
0x2b3: {  	s14 =	sld [smem:$0x7FA]  }
0x2b4: {  	[sflag:s16] =	ssyncset.done $0x0  }
0x2b5: {  	[sflag:s16] =	ssyncadd.s32 $0xFFFFD800  }
0x2b6: {  	[tilespmem:s20], [sflag:$0x3] =	stream.indirect.gather [hbm4b:s2+s18], $0x80, s14, s18, $0xb8;
	v63 =	vld [tilespmem:$0x0]  }
0x2b7: {  	_ =	swait.ge [sflag:s25], $0x2800  }
0x2b8: {  	s12 =	sld [smem:$0x7FB]  }
0x2b9: {  	[sflag:s25] =	ssyncset.done $0x0  }
0x2ba: {  	[sflag:s25] =	ssyncadd.s32 $0xFFFFD800  }
0x2bb: {  	[spmem:s3] =	stream.indirect.scatter.add.f32 [tilespmem:s21], [sflag:$0x5], $0x80, s12, s18, $0xb8;
	v63 =	vld [tilespmem:$0x0]  }
0x2bc: {  	_ =	swait.ge [sflag:s16], $0x2800  }
0x2bd: {  	s13 =	sld [smem:$0x7FC]  }
0x2be: {  	[sflag:s16] =	ssyncset.done $0x0  }
0x2bf: {  	[sflag:s16] =	ssyncadd.s32 $0xFFFFD800  }
0x2c0: {  	[tilespmem:s21], [sflag:$0x4] =	stream.indirect.gather [hbm4b:s2+s18], $0x80, s13, s18, $0xb8;
	v63 =	vld [tilespmem:$0x0]  }
0x2c1: {  	_ =	swait.ge [sflag:s22], $0x2800  }
0x2c2: {  	s14 =	sld [smem:$0x7FD]  }
0x2c3: {  	[sflag:s22] =	ssyncset.done $0x0  }
0x2c4: {  	[sflag:s22] =	ssyncadd.s32 $0xFFFFD800  }
0x2c5: {  	[spmem:s3] =	stream.indirect.scatter.add.f32 [tilespmem:s15], [sflag:$0x5], $0x80, s14, s18, $0xb8;
	v63 =	vld [tilespmem:$0x0]  }
0x2c6: {  	_ =	swait.ge [sflag:s16], $0x2800  }
0x2c7: {  	[sflag:s16] =	ssyncset.done $0x0  }
0x2c8: {  	[sflag:s16] =	ssyncadd.s32 $0xFFFFD800  }
0x2c9: {  	[tilespmem:s15], [sflag:$0x1] =	stream.indirect.gather [hbm4b:s2+s18], $0x80, s26, s18, $0xb8;
	v63 =	vld [tilespmem:$0x0]  }
0x2ca: {  	_ =	swait.ge [sflag:s23], $0x2800  }
0x2cb: {  	[sflag:s23] =	ssyncset.done $0x0  }
0x2cc: {  	[sflag:s23] =	ssyncadd.s32 $0xFFFFD800  }
0x2cd: {  	[spmem:s3] =	stream.indirect.scatter.add.f32 [tilespmem:s19], [sflag:$0x5], $0x80, s28, s18, $0xb8;
	v63 =	vld [tilespmem:$0x0]  }
0x2ce: {  	_ =	swait.ge [sflag:s16], $0x2800  }
0x2cf: {  	[sflag:s16] =	ssyncset.done $0x0  }
0x2d0: {  	[sflag:s16] =	ssyncadd.s32 $0xFFFFD800  }
0x2d1: {  	[tilespmem:s19], [sflag:$0x2] =	stream.indirect.gather [hbm4b:s2+s18], $0x80, s29, s18, $0xb8;
	v63 =	vld [tilespmem:$0x0]  }
0x2d2: {  	_ =	swait.ge [sflag:s24], $0x2800  }
0x2d3: {  	[sflag:s24] =	ssyncset.done $0x0  }
0x2d4: {  	[sflag:s24] =	ssyncadd.s32 $0xFFFFD800  }
0x2d5: {  	[spmem:s3] =	stream.indirect.scatter.add.f32 [tilespmem:s20], [sflag:$0x5], $0x80, s30, s18, $0xb8;
	v63 =	vld [tilespmem:$0x0]  }
0x2d6: {  	_ =	swait.ge [sflag:s16], $0x2800  }
0x2d7: {  	[sflag:s16] =	ssyncset.done $0x0  }
0x2d8: {  	[sflag:s16] =	ssyncadd.s32 $0xFFFFD800  }
0x2d9: {  	[tilespmem:s20], [sflag:$0x3] =	stream.indirect.gather [hbm4b:s2+s18], $0x80, s31, s18, $0xb8;
	v63 =	vld [tilespmem:$0x0]  }
0x2da: {  	_ =	swait.ge [sflag:s25], $0x2800  }
0x2db: {  	[sflag:s25] =	ssyncset.done $0x0  }
0x2dc: {  	[sflag:s25] =	ssyncadd.s32 $0xFFFFD800  }
0x2dd: {  	[spmem:s3] =	stream.indirect.scatter.add.f32 [tilespmem:s21], [sflag:$0x5], $0x80, s1, s18, $0xb8;
	v63 =	vld [tilespmem:$0x0]  }
0x2de: {  	_ =	swait.ge [sflag:s16], $0x2800  }
0x2df: {  	[sflag:s16] =	ssyncset.done $0x0  }
0x2e0: {  	[sflag:s16] =	ssyncadd.s32 $0xFFFFD800  }
0x2e1: {  	[tilespmem:s21], [sflag:$0x4] =	stream.indirect.gather [hbm4b:s2+s18], $0x80, s0, s18, $0xb8;
	v63 =	vld [tilespmem:$0x0]  }
0x2e2: {  	_ =	swait.ge [sflag:s22], $0x2800  }
0x2e3: {  	[sflag:s22] =	ssyncset.done $0x0  }
0x2e4: {  	[sflag:s22] =	ssyncadd.s32 $0xFFFFD800  }
0x2e5: {  	[spmem:s3] =	stream.indirect.scatter.add.f32 [tilespmem:s15], [sflag:$0x5], $0x80, s6, s18, $0xb8;
	v63 =	vld [tilespmem:$0x0]  }
0x2e6: {  	_ =	swait.ge [sflag:s16], $0x2800  }
0x2e7: {  	[sflag:s16] =	ssyncset.done $0x0  }
0x2e8: {  	[sflag:s16] =	ssyncadd.s32 $0xFFFFD800  }
0x2e9: {  	[tilespmem:s15], [sflag:$0x1] =	stream.indirect.gather [hbm4b:s2+s18], $0x80, s7, s18, $0xb8;
	v63 =	vld [tilespmem:$0x0]  }
0x2ea: {  	_ =	swait.ge [sflag:s23], $0x2800  }
0x2eb: {  	[sflag:s23] =	ssyncset.done $0x0  }
0x2ec: {  	[sflag:s23] =	ssyncadd.s32 $0xFFFFD800  }
0x2ed: {  	[spmem:s3] =	stream.indirect.scatter.add.f32 [tilespmem:s19], [sflag:$0x5], $0x80, s8, s18, $0xb8;
	v63 =	vld [tilespmem:$0x0]  }
0x2ee: {  	_ =	swait.ge [sflag:s16], $0x2800  }
0x2ef: {  	[sflag:s16] =	ssyncset.done $0x0  }
0x2f0: {  	[sflag:s16] =	ssyncadd.s32 $0xFFFFD800  }
0x2f1: {  	_ =	swait.ge [sflag:s24], $0x2800  }
0x2f2: {  	[sflag:s24] =	ssyncset.done $0x0  }
0x2f3: {  	[sflag:s24] =	ssyncadd.s32 $0xFFFFD800  }
0x2f4: {  	[spmem:s3] =	stream.indirect.scatter.add.f32 [tilespmem:s20], [sflag:$0x5], $0x80, s9, s18, $0xb8;
	v63 =	vld [tilespmem:$0x0]  }
0x2f5: {  	_ =	swait.ge [sflag:s16], $0x2800  }
0x2f6: {  	[sflag:s16] =	ssyncset.done $0x0  }
0x2f7: {  	[sflag:s16] =	ssyncadd.s32 $0xFFFFD800  }
0x2f8: {  	_ =	swait.ge [sflag:s25], $0x2800  }
0x2f9: {  	[sflag:s25] =	ssyncset.done $0x0  }
0x2fa: {  	[sflag:s25] =	ssyncadd.s32 $0xFFFFD800  }
0x2fb: {  	[spmem:s3] =	stream.indirect.scatter.add.f32 [tilespmem:s21], [sflag:$0x5], $0x80, s10, s18, $0xb8;
	v63 =	vld [tilespmem:$0x0]  }
0x2fc: {  	_ =	swait.ge [sflag:s16], $0x2800  }
0x2fd: {  	[sflag:s16] =	ssyncset.done $0x0  }
0x2fe: {  	[sflag:s16] =	ssyncadd.s32 $0xFFFFD800  }
0x2ff: {  	_ =	swait.ge [sflag:s22], $0x2800  }
0x300: {  	[sflag:s22] =	ssyncset.done $0x0  }
0x301: {  	[sflag:s22] =	ssyncadd.s32 $0xFFFFD800  }
0x302: {  	[spmem:s3] =	stream.indirect.scatter.add.f32 [tilespmem:s15], [sflag:$0x5], $0x80, s11, s18, $0xb8;
	v63 =	vld [tilespmem:$0x0]  }
0x303: {  	_ =	swait.ge [sflag:s16], $0x2800  }
0x304: {  	[sflag:s16] =	ssyncset.done $0x0  }
0x305: {  	[sflag:s16] =	ssyncadd.s32 $0xFFFFD800  }
0x306: {  	[bflag:$0x0] =	sbarrier.arrive $0xFFFF  }
0x307: {  	s13 =	sld [smem:$0x7F1]  }
0x308: {  	s12 =	stileid.u32;
	s14 =	sld [smem:$0x7F3]  }
0x309: {  	s5 =	sshll.u32 s12, $0x6  }
0x30a: {  	s5 =	sor.u32 $0x1C05, s5;
	s12 =	sshrl.u32 s13, $0x3  }
0x30b: {  	[hbm:s14], [sflag:s5] =	dma.local [spmem:s12], $0x2800  }
0x30c: {  	_ =	swait.ge [sflag:s16], $0x2800  }
0x30d: {  	s13 =	sld [smem:$0x7EA]  }
0x30e: {  	s14 =	sld [smem:$0x7F4];
	_ =	sdelay $0x1  }
0x30f: {  	s12 =	sadd.s32 $0x1, s13  }
0x310: {  	p0 =	sne.s32 s12, s14  }
.Ltmp2:
0x311: {  	_ = 	snop;
	(pc) =	sbr.rel @p0 .LBB2_1-.Ltmp2, $3  }
0x312: {  	_ =	sdelay $0x1  }
0x313: {  	[sflag:s16] =	ssyncset.done $0x0  }
0x314: {  	[sflag:s16] =	ssyncadd.s32 $0xFFFFD800  }
0x315: {  	_ =	sfence.sel $0x180000  }
0x316: {  	[bflag:$0x0] =	sbarrier.arrive $0xFFFF  }
0x317: {  	_ =	strace $0x90000047  }
0x318: {  	s0 =	stileid.u32;
	[bflag:$0x2] =	sbarrier.arrive $0xFFFF  }
0x319: {  	p0 =	sne.s32 s0, $0x0;
	s0 =	rddreg [dreg:$0x3]  }
0x31a: {  	s0 =	sadd.s32 @!p0 $0x100000, s0  }
0x31b: {  	[sflag:s0] =	ssyncadd.tile.s32 @!p0 $0x1;
	_ =	shalt  }
.Lfunc_end2:
_tile_overlayer_lowered:
.L_overlay_start_2:
0x31c: {  	(tag) =	ssettag $0x2  }
0x31d: {  	s0 =	rddreg [dreg:$0x0];
	s2 =	stileid.u32  }
0x31e: {  	s1 =	rddreg [dreg:$0x1];
	p0 =	sne.s32 s2, $0x0  }
0x31f: {  	s3 =	rddreg [dreg:$0x2];
	[bflag:$0x3] =	sbarrier.arrive $0xFFFF;
	s2 =	simm.s32 @!p0 $0x1C05  }
0x320: {  	[timem:s3], [sflag:s2] =	dma.local @!p0 [hbm:s0], s1  }
0x321: {  	s0 =	simm.s32 @!p0 $0x5  }
0x322: {  	_ =	swait.ge @!p0 [sflag:s0], s1  }
0x323: {  	s1 =	ssub.s32 @!p0 $0x0, s1;
	[sflag:s0] =	ssyncset.done @!p0 $0x0  }
0x324: {  	[sflag:s0] =	ssyncadd.s32 @!p0 s1  }
0x325: {  	[bflag:$0x3] =	sbarrier.arrive $0xFFFF  }
0x326: {  	_ =	shalt  }

// kernel: kernel.8.cloned.1.call-start
scs
__scs_entry_jumppad:
0x0: {  	(pc) =	sbr.rel $0x88, $3  }
0x1: {  	(tag) =	ssettag $0x0;
	lr =	simm.s32 $0x1  }
0x2: {  	[smem:$0x3F98] =	sst lr;
	_ =	strace $0xD0000000  }
0x3: {  	_ = 	snop  }
0x4: {  	_ = 	snop  }
0x5: {  	_ = 	snop  }
0x6: {  	_ = 	snop  }
0x7: {  	_ = 	snop  }
__scs_overlays_trampoline_lowered:
0x8: {  	[smem:$0x3FA7] =	sst s0  }
0x9: {  	[smem:$0x3FA8] =	sst s1  }
0xa: {  	[smem:$0x3FA9] =	sst s2  }
0xb: {  	[smem:$0x3FAA] =	sst s3  }
0xc: {  	[smem:$0x3FAB] =	sst s4  }
0xd: {  	[smem:$0x3FAC] =	sst s5  }
0xe: {  	[smem:$0x3FAD] =	sst s6  }
0xf: {  	[smem:$0x3FAE] =	sst s7  }
0x10: {  	[smem:$0x3FAF] =	sst s8  }
0x11: {  	[smem:$0x3FB0] =	sst s9;
	s0 =	simm.s32 @!p0 $0x0  }
0x12: {  	s1 =	sld [smem:$0x3F96];
	s0 =	simm.s32 @p0 $0x1  }
0x13: {  	[smem:$0x3FB1] =	sst s0;
	s0 =	simm.s32 @!p1 $0x0  }
0x14: {  	s2 =	sld [smem:$0x3F95];
	s0 =	simm.s32 @p1 $0x1  }
0x15: {  	[smem:$0x3FB2] =	sst s0;
	s0 =	simm.s32 @!p2 $0x0  }
0x16: {  	s3 =	sld [smem:$0x3FDB];
	s0 =	simm.s32 @p2 $0x1  }
0x17: {  	s4 =	simm.s32 $0x1BF5;
	[smem:$0x3FB4] =	sst s0  }
0x18: {  	s0 =	sld [smem:$0x3F97];
	_ =	swait.ge [sflag:s4], $0x0  }
0x19: {  	s7 =	sld [smem:$0x3F98]  }
0x1a: {  	s8 =	sadd.s32 $0xFFFFE003, lr  }
0x1b: {  	s9 =	sadd.s32 $0xFFFFFEF7, lr;
	s5 =	simm.s32 $0xFFFFFFFF;
	p2 =	slt.u32 s8, $0xFFFFF086  }
0x1c: {  	p1 =	slt.u32 s9, $0xF7A;
	s5 =	simm.s32 @!p2 $0x0  }
0x1d: {  	s5 =	simm.s32 @p1 $0x1;
	p0 =	seq.s32 s7, s2  }
0x1e: {  	s7 =	smul.u32 @!p0 $0xF7A, s2;
	p2 =	seq.s32 @!p0 s5, $0x0  }
0x1f: {  	s9 =	smul.u32 $0xF7A, s1;
	s8 =	simm.s32 @!p0 $0x1BF5;
	p2 =	por !p2, p0  }
0x20: {  	[sflag:s8] =	ssyncset.s32 @!p0 $0xFFFFF086;
	s6 =	sadd.s32 @!p0 s3, s7;
	s7 =	simm.s32 @!p0 $0x108  }
0x21: {  	s3 =	sadd.s32 s3, s9;
	s6 =	sadd.s32 @!p0 $0x88, s6;
	s7 =	simm.s32 @p2 $0x1082  }
0x22: {  	[simem:s7], [sflag:s8] =	dma.local @!p0 [hbm:s6], $0xF7A  }
0x23: {  	s9 =	sor.u32 $0xD0000000, s2;
	s6 =	simm.s32 $0x108;
	_ =	swait.ge @!p0 [sflag:s8], $0x0  }
0x24: {  	s3 =	sadd.s32 $0x88, s3;
	s6 =	simm.s32 @!p1 $0x1082;
	[sflag:s4] =	ssyncset.s32 $0xFFFFF086  }
0x25: {  	[simem:s6], [sflag:s4] =	dma.local [hbm:s3], $0xF7A  }
0x26: {  	[smem:$0x3F98] =	sst s1;
	(tag) =	ssettag s2;
	_ =	strace s9  }
0x27: {  	s1 =	sld [smem:$0x3FA8]  }
0x28: {  	s2 =	sld [smem:$0x3FA9]  }
0x29: {  	s4 =	sld [smem:$0x3FAB]  }
0x2a: {  	p0 =	seq.s32 s5, $0x0;
	s5 =	sld [smem:$0x3FAC]  }
0x2b: {  	s6 =	sld [smem:$0x3FAD]  }
0x2c: {  	s7 =	sld [smem:$0x3FAE]  }
0x2d: {  	s3 =	simm.s32 $0x108;
	s8 =	sld [smem:$0x3FAF]  }
0x2e: {  	s3 =	simm.s32 @!p0 $0x1082;
	s9 =	sld [smem:$0x3FB0]  }
0x2f: {  	lr =	sadd.s32 s0, s3;
	s0 =	sld [smem:$0x3FA7]  }
0x30: {  	s3 =	sld [smem:$0x3FAA]  }
0x31: {  	[smem:$0x3FB3] =	sst s10  }
0x32: {  	s10 =	sld [smem:$0x3FB1];
	_ =	sdelay $0x3  }
0x33: {  	p0 =	seq.s32 s10, $0x1;
	s10 =	sld [smem:$0x3FB3];
	_ =	sdelay $0x3  }
0x34: {  	[smem:$0x3FB3] =	sst s10  }
0x35: {  	s10 =	sld [smem:$0x3FB2];
	_ =	sdelay $0x3  }
0x36: {  	p1 =	seq.s32 s10, $0x1;
	s10 =	sld [smem:$0x3FB3];
	_ =	sdelay $0x3  }
0x37: {  	[smem:$0x3FB3] =	sst s10  }
0x38: {  	s10 =	sld [smem:$0x3FB4]  }
0x39: {  	_ = 	snop;
	(pc) =	sbr.ind lr, $3  }
0x3a: {  	_ = 	snop  }
0x3b: {  	_ = 	snop  }
0x3c: {  	p2 =	seq.s32 s10, $0x1;
	s10 =	sld [smem:$0x3FB3]  }
0x3d: {  	_ =	shalt  }
0x3e: {  	_ =	shalt  }
0x3f: {  	_ =	shalt  }
0x40: {  	_ =	shalt  }
0x41: {  	_ =	shalt  }
0x42: {  	_ =	shalt  }
0x43: {  	_ =	shalt  }
0x44: {  	_ =	shalt  }
0x45: {  	_ =	shalt  }
0x46: {  	_ =	shalt  }
0x47: {  	_ =	shalt  }
0x48: {  	_ =	shalt  }
0x49: {  	_ =	shalt  }
0x4a: {  	_ =	shalt  }
0x4b: {  	_ =	shalt  }
0x4c: {  	_ =	shalt  }
0x4d: {  	_ =	shalt  }
0x4e: {  	_ =	shalt  }
0x4f: {  	_ =	shalt  }
0x50: {  	_ =	shalt  }
0x51: {  	_ =	shalt  }
0x52: {  	_ =	shalt  }
0x53: {  	_ =	shalt  }
0x54: {  	_ =	shalt  }
0x55: {  	_ =	shalt  }
0x56: {  	_ =	shalt  }
0x57: {  	_ =	shalt  }
0x58: {  	_ =	shalt  }
0x59: {  	_ =	shalt  }
0x5a: {  	_ =	shalt  }
0x5b: {  	_ =	shalt  }
0x5c: {  	_ =	shalt  }
0x5d: {  	_ =	shalt  }
0x5e: {  	_ =	shalt  }
0x5f: {  	_ =	shalt  }
0x60: {  	_ =	shalt  }
0x61: {  	_ =	shalt  }
0x62: {  	_ =	shalt  }
0x63: {  	_ =	shalt  }
0x64: {  	_ =	shalt  }
0x65: {  	_ =	shalt  }
0x66: {  	_ =	shalt  }
0x67: {  	_ =	shalt  }
0x68: {  	_ =	shalt  }
0x69: {  	_ =	shalt  }
0x6a: {  	_ =	shalt  }
0x6b: {  	_ =	shalt  }
0x6c: {  	_ =	shalt  }
0x6d: {  	_ =	shalt  }
0x6e: {  	_ =	shalt  }
0x6f: {  	_ =	shalt  }
0x70: {  	_ =	shalt  }
0x71: {  	_ =	shalt  }
0x72: {  	_ =	shalt  }
0x73: {  	_ =	shalt  }
0x74: {  	_ =	shalt  }
0x75: {  	_ =	shalt  }
0x76: {  	_ =	shalt  }
0x77: {  	_ =	shalt  }
0x78: {  	_ =	shalt  }
0x79: {  	_ =	shalt  }
0x7a: {  	_ =	shalt  }
0x7b: {  	_ =	shalt  }
0x7c: {  	_ =	shalt  }
0x7d: {  	_ =	shalt  }
0x7e: {  	_ =	shalt  }
0x7f: {  	_ =	shalt  }
0x80: {  	_ =	shalt  }
0x81: {  	_ =	shalt  }
0x82: {  	_ =	shalt  }
0x83: {  	_ =	shalt  }
0x84: {  	_ =	shalt  }
0x85: {  	_ =	shalt  }
0x86: {  	_ =	shalt  }
0x87: {  	_ =	shalt  }
.Lfunc_end0:
.L_simem_size_0:
called_computation.1_lowered:
.L_overlay_start_0:
0x88: {  	s2 =	sld [smem:$0x3FD9]  }
0x89: {  	s3 =	sld [smem:$0x3FFE];
	_ =	sdelay $0x1  }
0x8a: {  	s1 =	srdreg.scid  }
0x8b: {  	s0 =	sand.u32 $0x1, s1  }
0x8c: {  	s17 =	sshll.u32 s0, $0xA;
	s2 =	sadd.s32 s3, s2  }
0x8d: {  	s2 =	sadd.s32 s2, s17  }
0x8e: {  	[smem:$0x3FBF] =	sst s2  }
0x8f: {  	_ = 	snop  }
0x90: {  	s2 =	sld [smem:$0x3FD0];
	(tm) =	ssettm $0x1  }
0x91: {  	s18 =	sld [smem:$0x3FFB];
	_ =	sdelay $0x3  }
0x92: {  	_ =	strace s18  }
0x93: {  	s3 =	sld [smem:$0x3FFC];
	_ =	sdelay $0x3  }
0x94: {  	_ =	strace s3  }
0x95: {  	s3 =	sld [smem:$0x3FFD];
	_ =	sdelay $0x3  }
0x96: {  	_ =	strace s3  }
0x97: {  	_ =	strace $0x8FFFFFFF  }
0x98: {  	s19 =	sld [smem:$0x3FDB];
	_ =	sdelay $0x1  }
0x99: {  	s4 =	simm.s32 $_scs_section_size  }
0x9a: {  	s5 =	simm.s32 $_size__tile_overlayer_lowered;
	s6 =	simm.s32 $_tile_overlayer_lowered  }
0x9b: {  	s22 =	simm.s32 $0x1BFF;
	s21 =	sshll.u32 s6, $0x1;
	s3 =	sadd.s32 s4, s19  }
0x9c: {  	s7 =	simm.s32 $0x0;
	s20 =	sshll.u32 s5, $0x1;
	s5 =	sadd.s32 s21, s3  }
0x9d: {  	[timem:s7], [sflag:s22] =	dma.local [hbm:s5], s20  }
0x9e: {  	_ =	swait.ge [sflag:s22], s20  }
0x9f: {  	s4 =	ssub.s32 $0x0, s20;
	[sflag:s22] =	ssyncset.done $0x0  }
0xa0: {  	[sflag:s22] =	ssyncadd.s32 s4;
	_ =	sdelay $0x1  }
0xa1: {  	s23 =	simm.s32 $0x1B8B  }
0xa2: {  	_ =	swait.ge [sflag:s23], $0x1  }
0xa3: {  	[sflag:s23] =	ssyncset.done $0x0  }
0xa4: {  	s25 =	simm.s32 $0x1B8E;
	s24 =	sld [smem:$0x3FFE];
	[sflag:s23] =	ssyncadd.s32 $0xFFFFFFFF  }
0xa5: {  	s26 =	simm.s32 $execute0_lowered;
	[smem:$0x3FD2] =	sst s25  }
0xa6: {  	s5 =	sshll.u32 s26, $0x1;
	_ =	strace $0x80000049;
	[dreg:$0x1] =	wrdreg $0xFFFFFFFF  }
0xa7: {  	s28 =	simm.s32 $_size_execute0_lowered;
	s3 =	sadd.s32 s3, s5;
	[dreg:$0x0] =	wrdreg $0x0  }
0xa8: {  	s5 =	sshll.u32 s28, $0x1;
	[dreg:$0x2] =	wrdreg s3  }
0xa9: {  	[dreg:$0x3] =	wrdreg s5  }
0xaa: {  	[dreg:$0x4] =	wrdreg $0xC0  }
0xab: {  	_ =	task [dreg:s7], $0x5FFFF  }
0xac: {  	[dreg:$0x1] =	wrdreg $0xFFFFFFFF  }
0xad: {  	[dreg:$0x0] =	wrdreg $0x60  }
0xae: {  	[dreg:$0x2] =	wrdreg s24  }
0xaf: {  	[dreg:$0x3] =	wrdreg s2  }
0xb0: {  	[dreg:$0x4] =	wrdreg $0x47800  }
0xb1: {  	[dreg:$0x5] =	wrdreg $0x49F80  }
0xb2: {  	[dreg:$0x6] =	wrdreg $0x9  }
0xb3: {  	_ =	task.clear_ibuf [dreg:s7], $0x7FFFF;
	_ =	strace $0x90000049  }
0xb4: {  	s29 =	simm.s32 $0x9;
	_ =	strace $0x8000004B  }
0xb5: {  	_ =	swait.ge [sflag:s29], $0x1  }
0xb6: {  	[sflag:s29] =	ssyncadd.s32 $0xFFFFFFFF  }
0xb7: {  	_ =	strace $0x9000004B  }
0xb8: {  	_ =	sfence  }
0xb9: {  	s30 =	sld [smem:$0x0];
	_ =	sdelay $0x2  }
0xba: {  	s31 =	sshll.u32 s1, $0xD;
	s1 =	sshrl.u32 s1, $0x2  }
0xbb: {  	s3 =	sand.u32 $0x4000, s31;
	s1 =	sadd.s32 s1, s30  }
0xbc: {  	s0 =	sor.u32 s3, s0;
	s1 =	sshll.u32 s1, $0x11  }
0xbd: {  	s0 =	sor.u32 s1, s0  }
0xbe: {  	s0 =	sadd.s32 $0x8F2B, s0  }
0xbf: {  	[sflag:s0] =	ssyncadd.remote.s32 $0x1  }
0xc0: {  	_ =	sfence.sel $0xFFFF  }
0xc1: {  	[dreg:$0x0] =	wrdreg $0xFFFFFFFF;
	(pc) =	sbr.abs _section_cstart, $3  }
0xc2: {  	[dreg:$0x1] =	wrdreg $0xFFFFFFFF  }
0xc3: {  	_ =	task.clear_ibuf [dreg:s7], $0x2FFFF;
	_ =	strace $0x9FFFFFFF  }
0xc4: {  	(tm) =	ssettm $0x7FFFFFFF  }
0xc5: {  	_ =	shalt  }
tec
execute0_lowered:
.L_overlay_start_1:
0x0: {  	(tag) =	ssettag $0x1  }
0x1: {  	s5 =	rddreg [dreg:$0x0]  }
0x2: {  	s6 =	rddreg [dreg:$0x1]  }
0x3: {  	s1 =	rddreg [dreg:$0x2]  }
0x4: {  	s2 =	rddreg [dreg:$0x3];
	s3 =	simm.s32 $0x0  }
0x5: {  	s4 =	simm.s32 $0x80;
	[smem:$0x7FF] =	sst s3  }
0x6: {  	s10 =	simm.s32 $0x100;
	_ =	strace $0x8000004A;
	[dreg:$0x5] =	wrdreg s4  }
0x7: {  	s11 =	simm.s32 $0x180;
	[dreg:$0x6] =	wrdreg s10  }
0x8: {  	s12 =	simm.s32 $0x1080;
	[dreg:$0x7] =	wrdreg s11  }
0x9: {  	s13 =	simm.s32 $0x200;
	[dreg:$0x8] =	wrdreg s12  }
0xa: {  	s14 =	simm.s32 $0x1100;
	[dreg:$0x9] =	wrdreg s13  }
0xb: {  	s15 =	simm.s32 $0x280;
	[dreg:$0xa] =	wrdreg s14  }
0xc: {  	s16 =	simm.s32 $0x1180;
	[dreg:$0xb] =	wrdreg s15  }
0xd: {  	s17 =	simm.s32 $0x300;
	[dreg:$0xc] =	wrdreg s16  }
0xe: {  	s18 =	simm.s32 $0x1200;
	[dreg:$0xd] =	wrdreg s17  }
0xf: {  	s19 =	simm.s32 $0x380;
	[dreg:$0xe] =	wrdreg s18  }
0x10: {  	s20 =	simm.s32 $0x1280;
	[dreg:$0xf] =	wrdreg s19  }
0x11: {  	s21 =	simm.s32 $0x400;
	[dreg:$0x10] =	wrdreg s20  }
0x12: {  	s7 =	simm.s32 $0x1300;
	[dreg:$0x11] =	wrdreg s21  }
0x13: {  	s22 =	simm.s32 $0x480;
	[dreg:$0x12] =	wrdreg s7  }
0x14: {  	s23 =	simm.s32 $0x1380;
	[dreg:$0x13] =	wrdreg s22  }
0x15: {  	s24 =	simm.s32 $0x500;
	[dreg:$0x14] =	wrdreg s23  }
0x16: {  	s25 =	simm.s32 $0x1400;
	[dreg:$0x15] =	wrdreg s24  }
0x17: {  	s26 =	simm.s32 $0x580;
	[dreg:$0x16] =	wrdreg s25  }
0x18: {  	s28 =	simm.s32 $0x1480;
	[dreg:$0x17] =	wrdreg s26  }
0x19: {  	s29 =	simm.s32 $0x600;
	[dreg:$0x18] =	wrdreg s28  }
0x1a: {  	s30 =	simm.s32 $0x1500;
	[dreg:$0x19] =	wrdreg s29  }
0x1b: {  	s0 =	simm.s32 $0x680;
	[dreg:$0x1a] =	wrdreg s30  }
0x1c: {  	[dreg:$0x1b] =	wrdreg s0;
	s13 =	simm.s32 $0x1580  }
0x1d: {  	s14 =	simm.s32 $0x700;
	[dreg:$0x1c] =	wrdreg s13  }
0x1e: {  	s15 =	simm.s32 $0x1600;
	[dreg:$0x1d] =	wrdreg s14  }
0x1f: {  	s8 =	srdreg.scid;
	s16 =	simm.s32 $0x780;
	[dreg:$0x1e] =	wrdreg s15  }
0x20: {  	s9 =	sadd.s32 $0x1E00, s5;
	s18 =	simm.s32 $0x1680;
	[dreg:$0x1f] =	wrdreg s16  }
0x21: {  	s8 =	sand.u32 $0x1, s8;
	s19 =	simm.s32 $0x1700;
	[smem:$0x7E9] =	sst s18  }
0x22: {  	s4 =	sadd.s32 $0x29E00, s5;
	s20 =	simm.s32 $0x880;
	[smem:$0x7EB] =	sst s19  }
0x23: {  	s10 =	stileid.u32;
	s22 =	simm.s32 $0x1780;
	[smem:$0x7EC] =	sst s20  }
0x24: {  	s11 =	ssub.s32 $0x2, s8;
	s23 =	simm.s32 $0x900;
	[smem:$0x7ED] =	sst s22  }
0x25: {  	s5 =	sadd.s32 $0x29E10, s5;
	s24 =	simm.s32 $0x1800;
	[smem:$0x7EE] =	sst s23  }
0x26: {  	s25 =	simm.s32 $0x980;
	s26 =	simm.s32 $0x1880;
	[smem:$0x7EF] =	sst s24  }
0x27: {  	s28 =	simm.s32 $0xA00;
	s29 =	simm.s32 $0x1900;
	[smem:$0x7F0] =	sst s25  }
0x28: {  	s30 =	simm.s32 $0xA80;
	s12 =	sshrl.u32 s11, $0x1;
	[smem:$0x7F1] =	sst s26  }
0x29: {  	s31 =	sshll.u32 s10, $0x1;
	s17 =	smul.u32 $0xA000, s10;
	[smem:$0x7F2] =	sst s28  }
0x2a: {  	s13 =	simm.s32 $0x800;
	p0 =	sne.s32 s10, $0x0;
	[smem:$0x7F3] =	sst s29  }
0x2b: {  	[smem:$0x7F4] =	sst s30;
	s14 =	simm.s32 $0x1980;
	s15 =	simm.s32 $0xB00  }
0x2c: {  	s16 =	simm.s32 $0x1A00;
	s18 =	simm.s32 $0x1A80;
	s19 =	simm.s32 $0x1B00  }
0x2d: {  	s20 =	simm.s32 $0x1B80;
	s22 =	simm.s32 $0x0;
	[smem:$0x7EA] =	sst s13  }
0x2e: {  	s11 =	ssub.s32 s11, s12;
	s12 =	sor.u32 s8, s31;
	[smem:$0x7F5] =	sst s14  }
0x2f: {  	s8 =	smul.u32 $0x5000, s8;
	s10 =	sshrl.u32 @!p0 s1, $0x3;
	[smem:$0x7F6] =	sst s15  }
0x30: {  	s13 =	simm.s32 $0x1000;
	s14 =	simm.s32 $0x50;
	[smem:$0x7F7] =	sst s16  }
0x31: {  	s15 =	simm.s32 $0x1;
	s16 =	simm.s32 $0x2;
	[smem:$0x7F9] =	sst s18  }
0x32: {  	s18 =	simm.s32 $0x4;
	[smem:$0x7FA] =	sst s19;
	s19 =	simm.s32 $0x5  }
0x33: {  	[smem:$0x7FB] =	sst s20;
	s31 =	simm.s32 $0x1C00;
	s12 =	smul.u32 $0x4E2, s12  }
0x34: {  	s20 =	simm.s32 $0x6;
	s7 =	smax.u32 s11, $0x1;
	[smem:$0x7FD] =	sst s31  }
0x35: {  	s6 =	sadd.s32 s6, s12;
	s12 =	sadd.s32 s8, s17;
	s17 =	simm.s32 $0xB80  }
0x36: {  	s21 =	sadd.s32 $0xA0000, s12;
	s12 =	sshrl.u32 s12, $0x3;
	[smem:$0x7F8] =	sst s17  }
0x37: {  	s17 =	simm.s32 $0x3;
	s11 =	sshrl.u32 s21, $0x3;
	s21 =	simm.s32 $0xC00  }
0x38: {  	s8 =	sadd.s32 s11, s9;
	s9 =	sadd.s32 s12, s9;
	s11 =	sshrl.u32 @!p0 s2, $0x3  }
0x39: {  	s12 =	simm.s32 $0x7;
	[smem:$0x7FC] =	sst s21;
	s21 =	simm.s32 $0x2000  }
.LBB2_1:
0x3a: {  	s23 =	simm.s32 @!p0 $0x1;
	s24 =	simm.s32 @!p0 $0x10  }
0x3b: {  	s25 =	simm.s32 @!p0 $0x80;
	s26 =	simm.s32 @!p0 $0x1C07;
	s28 =	simm.s32 @!p0 $0x7  }
0x3c: {  	[spmem:s10@s24], [sflag:s26] =	dma.strided @!p0 [hbm:s4@s25], $0x4F0, s23, $0x10   }
0x3d: {  	_ =	swait.ge @!p0 [sflag:s28], $0x4F0  }
0x3e: {  	[sflag:s28] =	ssyncset.done @!p0 $0x0  }
0x3f: {  	[sflag:s28] =	ssyncadd.s32 @!p0 $0xFFFFFB10  }
0x40: {  	[spmem:s11@s24], [sflag:s26] =	dma.strided @!p0 [hbm:s5@s25], $0x4F0, s23, $0x10   }
0x41: {  	_ =	swait.ge @!p0 [sflag:s28], $0x4F0  }
0x42: {  	[sflag:s28] =	ssyncset.done @!p0 $0x0  }
0x43: {  	[sflag:s28] =	ssyncadd.s32 @!p0 $0xFFFFFB10  }
0x44: {  	[bflag:$0x0] =	sbarrier.arrive $0xFFFF  }
0x45: {  	[tilespmem:s3], [sflag:$0x7] =	stream.linear.gather [hbm4b:s9+s3], $0xC80, $0x38;
	[tilespmem:$0x4C70] =	vst v63  }
0x46: {  	_ =	swait.ge [sflag:s12], $0xC80  }
0x47: {  	[sflag:s12] =	ssyncset.done $0x0  }
0x48: {  	[sflag:s12] =	ssyncadd.s32 $0xFFFFF380  }
0x49: {  	[tilespmem:s13], [sflag:$0x7] =	stream.linear.gather [hbm4b:s8+s3], $0xC80, $0x38;
	[tilespmem:$0x4C70] =	vst v63  }
0x4a: {  	_ =	swait.ge [sflag:s12], $0xC80  }
0x4b: {  	[sflag:s12] =	ssyncset.done $0x0  }
0x4c: {  	s0 =	simm.s32 $0x2000;
	[sflag:s12] =	ssyncadd.s32 $0xFFFFF380  }
0x4d: {  	[tilespmem:s0], [sflag:$0x1] =	stream.indirect.gather [spmem:s1], $0x1, s3, s14, $0xb8;
	[tilespmem:$0x4C70] =	vst v63  }
0x4e: {  	s25 =	simm.s32 $0x2050;
	s28 =	rddreg [dreg:$0x5]  }
0x4f: {  	[tilespmem:s25], [sflag:$0x2] =	stream.indirect.gather [spmem:s1], $0x1, s28, s14, $0xb8;
	[tilespmem:$0x4C70] =	vst v63  }
0x50: {  	s24 =	simm.s32 $0x20A0;
	s29 =	rddreg [dreg:$0x6]  }
0x51: {  	[tilespmem:s24], [sflag:$0x3] =	stream.indirect.gather [spmem:s1], $0x1, s29, s14, $0xb8;
	[tilespmem:$0x4C70] =	vst v63  }
0x52: {  	_ =	swait.ge [sflag:s15], $0x50  }
0x53: {  	[sflag:s15] =	ssyncset.done $0x0  }
0x54: {  	[sflag:s15] =	ssyncadd.s32 $0xFFFFFFB0  }
0x55: {  	[tilespmem:s0], [sflag:$0x4] =	stream.indirect.gather.add.f32 [spmem:s2], $0x1, s13, s14, $0xb8;
	[tilespmem:$0x4C70] =	vst v63  }
0x56: {  	s23 =	simm.s32 $0x20F0;
	s30 =	rddreg [dreg:$0x7]  }
0x57: {  	[tilespmem:s23], [sflag:$0x1] =	stream.indirect.gather [spmem:s1], $0x1, s30, s14, $0xb8;
	[tilespmem:$0x4C70] =	vst v63  }
0x58: {  	_ =	swait.ge [sflag:s16], $0x50  }
0x59: {  	[sflag:s16] =	ssyncset.done $0x0  }
0x5a: {  	s31 =	rddreg [dreg:$0x8];
	[sflag:s16] =	ssyncadd.s32 $0xFFFFFFB0  }
0x5b: {  	[tilespmem:s25], [sflag:$0x5] =	stream.indirect.gather.add.f32 [spmem:s2], $0x1, s31, s14, $0xb8;
	[tilespmem:$0x4C70] =	vst v63  }
0x5c: {  	s0 =	rddreg [dreg:$0x9];
	s25 =	simm.s32 $0x2140  }
0x5d: {  	[tilespmem:s25], [sflag:$0x2] =	stream.indirect.gather [spmem:s1], $0x1, s0, s14, $0xb8;
	[tilespmem:$0x4C70] =	vst v63  }
0x5e: {  	_ =	swait.ge [sflag:s17], $0x50  }
0x5f: {  	[sflag:s17] =	ssyncset.done $0x0  }
0x60: {  	s29 =	rddreg [dreg:$0xa];
	[sflag:s17] =	ssyncadd.s32 $0xFFFFFFB0  }
0x61: {  	[tilespmem:s24], [sflag:$0x6] =	stream.indirect.gather.add.f32 [spmem:s2], $0x1, s29, s14, $0xb8;
	[tilespmem:$0x4C70] =	vst v63  }
0x62: {  	s30 =	rddreg [dreg:$0xb];
	s24 =	simm.s32 $0x2190  }
0x63: {  	[tilespmem:s24], [sflag:$0x3] =	stream.indirect.gather [spmem:s1], $0x1, s30, s14, $0xb8;
	[tilespmem:$0x4C70] =	vst v63  }
0x64: {  	_ =	swait.ge [sflag:s15], $0x50  }
0x65: {  	[sflag:s15] =	ssyncset.done $0x0  }
0x66: {  	[sflag:s15] =	ssyncadd.s32 $0xFFFFFFB0  }
0x67: {  	_ =	swait.ge [sflag:s18], $0x50  }
0x68: {  	[sflag:s18] =	ssyncset.done $0x0  }
0x69: {  	s31 =	rddreg [dreg:$0xc];
	[sflag:s18] =	ssyncadd.s32 $0xFFFFFFB0  }
0x6a: {  	[tilespmem:s23], [sflag:$0x4] =	stream.indirect.gather.add.f32 [spmem:s2], $0x1, s31, s14, $0xb8;
	[tilespmem:$0x4C70] =	vst v63  }
0x6b: {  	s0 =	rddreg [dreg:$0xd];
	s23 =	simm.s32 $0x21E0  }
0x6c: {  	[tilespmem:s23], [sflag:$0x1] =	stream.indirect.gather [spmem:s1], $0x1, s0, s14, $0xb8;
	[tilespmem:$0x4C70] =	vst v63  }
0x6d: {  	_ =	swait.ge [sflag:s16], $0x50  }
0x6e: {  	[sflag:s16] =	ssyncset.done $0x0  }
0x6f: {  	[sflag:s16] =	ssyncadd.s32 $0xFFFFFFB0  }
0x70: {  	_ =	swait.ge [sflag:s19], $0x50  }
0x71: {  	[sflag:s19] =	ssyncset.done $0x0  }
0x72: {  	s29 =	rddreg [dreg:$0xe];
	[sflag:s19] =	ssyncadd.s32 $0xFFFFFFB0  }
0x73: {  	[tilespmem:s25], [sflag:$0x5] =	stream.indirect.gather.add.f32 [spmem:s2], $0x1, s29, s14, $0xb8;
	[tilespmem:$0x4C70] =	vst v63  }
0x74: {  	s30 =	rddreg [dreg:$0xf];
	s25 =	simm.s32 $0x2230  }
0x75: {  	[tilespmem:s25], [sflag:$0x2] =	stream.indirect.gather [spmem:s1], $0x1, s30, s14, $0xb8;
	[tilespmem:$0x4C70] =	vst v63  }
0x76: {  	_ =	swait.ge [sflag:s17], $0x50  }
0x77: {  	[sflag:s17] =	ssyncset.done $0x0  }
0x78: {  	[sflag:s17] =	ssyncadd.s32 $0xFFFFFFB0  }
0x79: {  	_ =	swait.ge [sflag:s20], $0x50  }
0x7a: {  	[sflag:s20] =	ssyncset.done $0x0  }
0x7b: {  	s31 =	rddreg [dreg:$0x10];
	[sflag:s20] =	ssyncadd.s32 $0xFFFFFFB0  }
0x7c: {  	[tilespmem:s24], [sflag:$0x6] =	stream.indirect.gather.add.f32 [spmem:s2], $0x1, s31, s14, $0xb8;
	[tilespmem:$0x4C70] =	vst v63  }
0x7d: {  	s0 =	rddreg [dreg:$0x11];
	s24 =	simm.s32 $0x2280  }
0x7e: {  	[tilespmem:s24], [sflag:$0x3] =	stream.indirect.gather [spmem:s1], $0x1, s0, s14, $0xb8;
	[tilespmem:$0x4C70] =	vst v63  }
0x7f: {  	_ =	swait.ge [sflag:s15], $0x50  }
0x80: {  	[sflag:s15] =	ssyncset.done $0x0  }
0x81: {  	[sflag:s15] =	ssyncadd.s32 $0xFFFFFFB0  }
0x82: {  	_ =	swait.ge [sflag:s18], $0x50  }
0x83: {  	[sflag:s18] =	ssyncset.done $0x0  }
0x84: {  	s29 =	rddreg [dreg:$0x12];
	[sflag:s18] =	ssyncadd.s32 $0xFFFFFFB0  }
0x85: {  	[tilespmem:s23], [sflag:$0x4] =	stream.indirect.gather.add.f32 [spmem:s2], $0x1, s29, s14, $0xb8;
	[tilespmem:$0x4C70] =	vst v63  }
0x86: {  	s30 =	rddreg [dreg:$0x13];
	s23 =	simm.s32 $0x22D0  }
0x87: {  	[tilespmem:s23], [sflag:$0x1] =	stream.indirect.gather [spmem:s1], $0x1, s30, s14, $0xb8;
	[tilespmem:$0x4C70] =	vst v63  }
0x88: {  	_ =	swait.ge [sflag:s16], $0x50  }
0x89: {  	[sflag:s16] =	ssyncset.done $0x0  }
0x8a: {  	[sflag:s16] =	ssyncadd.s32 $0xFFFFFFB0  }
0x8b: {  	_ =	swait.ge [sflag:s19], $0x50  }
0x8c: {  	[sflag:s19] =	ssyncset.done $0x0  }
0x8d: {  	s31 =	rddreg [dreg:$0x14];
	[sflag:s19] =	ssyncadd.s32 $0xFFFFFFB0  }
0x8e: {  	[tilespmem:s25], [sflag:$0x5] =	stream.indirect.gather.add.f32 [spmem:s2], $0x1, s31, s14, $0xb8;
	[tilespmem:$0x4C70] =	vst v63  }
0x8f: {  	s0 =	rddreg [dreg:$0x15];
	s25 =	simm.s32 $0x2320  }
0x90: {  	[tilespmem:s25], [sflag:$0x2] =	stream.indirect.gather [spmem:s1], $0x1, s0, s14, $0xb8;
	[tilespmem:$0x4C70] =	vst v63  }
0x91: {  	_ =	swait.ge [sflag:s17], $0x50  }
0x92: {  	[sflag:s17] =	ssyncset.done $0x0  }
0x93: {  	[sflag:s17] =	ssyncadd.s32 $0xFFFFFFB0  }
0x94: {  	_ =	swait.ge [sflag:s20], $0x50  }
0x95: {  	[sflag:s20] =	ssyncset.done $0x0  }
0x96: {  	s29 =	rddreg [dreg:$0x16];
	[sflag:s20] =	ssyncadd.s32 $0xFFFFFFB0  }
0x97: {  	[tilespmem:s24], [sflag:$0x6] =	stream.indirect.gather.add.f32 [spmem:s2], $0x1, s29, s14, $0xb8;
	[tilespmem:$0x4C70] =	vst v63  }
0x98: {  	s30 =	rddreg [dreg:$0x17];
	s24 =	simm.s32 $0x2370  }
0x99: {  	[tilespmem:s24], [sflag:$0x3] =	stream.indirect.gather [spmem:s1], $0x1, s30, s14, $0xb8;
	[tilespmem:$0x4C70] =	vst v63  }
0x9a: {  	_ =	swait.ge [sflag:s15], $0x50  }
0x9b: {  	[sflag:s15] =	ssyncset.done $0x0  }
0x9c: {  	[sflag:s15] =	ssyncadd.s32 $0xFFFFFFB0  }
0x9d: {  	_ =	swait.ge [sflag:s18], $0x50  }
0x9e: {  	[sflag:s18] =	ssyncset.done $0x0  }
0x9f: {  	s31 =	rddreg [dreg:$0x18];
	[sflag:s18] =	ssyncadd.s32 $0xFFFFFFB0  }
0xa0: {  	[tilespmem:s23], [sflag:$0x4] =	stream.indirect.gather.add.f32 [spmem:s2], $0x1, s31, s14, $0xb8;
	[tilespmem:$0x4C70] =	vst v63  }
0xa1: {  	s0 =	rddreg [dreg:$0x19];
	s23 =	simm.s32 $0x23C0  }
0xa2: {  	[tilespmem:s23], [sflag:$0x1] =	stream.indirect.gather [spmem:s1], $0x1, s0, s14, $0xb8;
	[tilespmem:$0x4C70] =	vst v63  }
0xa3: {  	_ =	swait.ge [sflag:s16], $0x50  }
0xa4: {  	[sflag:s16] =	ssyncset.done $0x0  }
0xa5: {  	[sflag:s16] =	ssyncadd.s32 $0xFFFFFFB0  }
0xa6: {  	_ =	swait.ge [sflag:s19], $0x50  }
0xa7: {  	[sflag:s19] =	ssyncset.done $0x0  }
0xa8: {  	s29 =	rddreg [dreg:$0x1a];
	[sflag:s19] =	ssyncadd.s32 $0xFFFFFFB0  }
0xa9: {  	[tilespmem:s25], [sflag:$0x5] =	stream.indirect.gather.add.f32 [spmem:s2], $0x1, s29, s14, $0xb8;
	[tilespmem:$0x4C70] =	vst v63  }
0xaa: {  	s30 =	rddreg [dreg:$0x1b];
	s25 =	simm.s32 $0x2410  }
0xab: {  	[tilespmem:s25], [sflag:$0x2] =	stream.indirect.gather [spmem:s1], $0x1, s30, s14, $0xb8;
	[tilespmem:$0x4C70] =	vst v63  }
0xac: {  	_ =	swait.ge [sflag:s17], $0x50  }
0xad: {  	[sflag:s17] =	ssyncset.done $0x0  }
0xae: {  	[sflag:s17] =	ssyncadd.s32 $0xFFFFFFB0  }
0xaf: {  	_ =	swait.ge [sflag:s20], $0x50  }
0xb0: {  	[sflag:s20] =	ssyncset.done $0x0  }
0xb1: {  	s31 =	rddreg [dreg:$0x1c];
	[sflag:s20] =	ssyncadd.s32 $0xFFFFFFB0  }
0xb2: {  	[tilespmem:s24], [sflag:$0x6] =	stream.indirect.gather.add.f32 [spmem:s2], $0x1, s31, s14, $0xb8;
	[tilespmem:$0x4C70] =	vst v63  }
0xb3: {  	s0 =	rddreg [dreg:$0x1d];
	s24 =	simm.s32 $0x2460  }
0xb4: {  	[tilespmem:s24], [sflag:$0x3] =	stream.indirect.gather [spmem:s1], $0x1, s0, s14, $0xb8;
	[tilespmem:$0x4C70] =	vst v63  }
0xb5: {  	_ =	swait.ge [sflag:s15], $0x50  }
0xb6: {  	[sflag:s15] =	ssyncset.done $0x0  }
0xb7: {  	[sflag:s15] =	ssyncadd.s32 $0xFFFFFFB0  }
0xb8: {  	_ =	swait.ge [sflag:s18], $0x50  }
0xb9: {  	[sflag:s18] =	ssyncset.done $0x0  }
0xba: {  	s29 =	rddreg [dreg:$0x1e];
	[sflag:s18] =	ssyncadd.s32 $0xFFFFFFB0  }
0xbb: {  	[tilespmem:s23], [sflag:$0x4] =	stream.indirect.gather.add.f32 [spmem:s2], $0x1, s29, s14, $0xb8;
	[tilespmem:$0x4C70] =	vst v63  }
0xbc: {  	s30 =	rddreg [dreg:$0x1f];
	s23 =	simm.s32 $0x24B0  }
0xbd: {  	[tilespmem:s23], [sflag:$0x1] =	stream.indirect.gather [spmem:s1], $0x1, s30, s14, $0xb8;
	[tilespmem:$0x4C70] =	vst v63  }
0xbe: {  	_ =	swait.ge [sflag:s16], $0x50  }
0xbf: {  	[sflag:s16] =	ssyncset.done $0x0  }
0xc0: {  	[sflag:s16] =	ssyncadd.s32 $0xFFFFFFB0  }
0xc1: {  	_ =	swait.ge [sflag:s19], $0x50  }
0xc2: {  	s31 =	sld [smem:$0x7E9]  }
0xc3: {  	[sflag:s19] =	ssyncset.done $0x0  }
0xc4: {  	s0 =	sld [smem:$0x7EA];
	[sflag:s19] =	ssyncadd.s32 $0xFFFFFFB0  }
0xc5: {  	[tilespmem:s25], [sflag:$0x5] =	stream.indirect.gather.add.f32 [spmem:s2], $0x1, s31, s14, $0xb8;
	[tilespmem:$0x4C70] =	vst v63  }
0xc6: {  	s25 =	simm.s32 $0x2500  }
0xc7: {  	[tilespmem:s25], [sflag:$0x2] =	stream.indirect.gather [spmem:s1], $0x1, s0, s14, $0xb8;
	[tilespmem:$0x4C70] =	vst v63  }
0xc8: {  	_ =	swait.ge [sflag:s17], $0x50  }
0xc9: {  	[sflag:s17] =	ssyncset.done $0x0  }
0xca: {  	[sflag:s17] =	ssyncadd.s32 $0xFFFFFFB0  }
0xcb: {  	_ =	swait.ge [sflag:s20], $0x50  }
0xcc: {  	s29 =	sld [smem:$0x7EB]  }
0xcd: {  	[sflag:s20] =	ssyncset.done $0x0  }
0xce: {  	s30 =	sld [smem:$0x7EC];
	[sflag:s20] =	ssyncadd.s32 $0xFFFFFFB0  }
0xcf: {  	[tilespmem:s24], [sflag:$0x6] =	stream.indirect.gather.add.f32 [spmem:s2], $0x1, s29, s14, $0xb8;
	[tilespmem:$0x4C70] =	vst v63  }
0xd0: {  	s24 =	simm.s32 $0x2550  }
0xd1: {  	[tilespmem:s24], [sflag:$0x3] =	stream.indirect.gather [spmem:s1], $0x1, s30, s14, $0xb8;
	[tilespmem:$0x4C70] =	vst v63  }
0xd2: {  	_ =	swait.ge [sflag:s15], $0x50  }
0xd3: {  	[sflag:s15] =	ssyncset.done $0x0  }
0xd4: {  	[sflag:s15] =	ssyncadd.s32 $0xFFFFFFB0  }
0xd5: {  	_ =	swait.ge [sflag:s18], $0x50  }
0xd6: {  	s31 =	sld [smem:$0x7ED]  }
0xd7: {  	[sflag:s18] =	ssyncset.done $0x0  }
0xd8: {  	s0 =	sld [smem:$0x7EE];
	[sflag:s18] =	ssyncadd.s32 $0xFFFFFFB0  }
0xd9: {  	[tilespmem:s23], [sflag:$0x4] =	stream.indirect.gather.add.f32 [spmem:s2], $0x1, s31, s14, $0xb8;
	[tilespmem:$0x4C70] =	vst v63  }
0xda: {  	s23 =	simm.s32 $0x25A0  }
0xdb: {  	[tilespmem:s23], [sflag:$0x1] =	stream.indirect.gather [spmem:s1], $0x1, s0, s14, $0xb8;
	[tilespmem:$0x4C70] =	vst v63  }
0xdc: {  	_ =	swait.ge [sflag:s16], $0x50  }
0xdd: {  	[sflag:s16] =	ssyncset.done $0x0  }
0xde: {  	[sflag:s16] =	ssyncadd.s32 $0xFFFFFFB0  }
0xdf: {  	_ =	swait.ge [sflag:s19], $0x50  }
0xe0: {  	s29 =	sld [smem:$0x7EF]  }
0xe1: {  	[sflag:s19] =	ssyncset.done $0x0  }
0xe2: {  	s30 =	sld [smem:$0x7F0];
	[sflag:s19] =	ssyncadd.s32 $0xFFFFFFB0  }
0xe3: {  	[tilespmem:s25], [sflag:$0x5] =	stream.indirect.gather.add.f32 [spmem:s2], $0x1, s29, s14, $0xb8;
	[tilespmem:$0x4C70] =	vst v63  }
0xe4: {  	s25 =	simm.s32 $0x25F0  }
0xe5: {  	[tilespmem:s25], [sflag:$0x2] =	stream.indirect.gather [spmem:s1], $0x1, s30, s14, $0xb8;
	[tilespmem:$0x4C70] =	vst v63  }
0xe6: {  	_ =	swait.ge [sflag:s17], $0x50  }
0xe7: {  	[sflag:s17] =	ssyncset.done $0x0  }
0xe8: {  	[sflag:s17] =	ssyncadd.s32 $0xFFFFFFB0  }
0xe9: {  	_ =	swait.ge [sflag:s20], $0x50  }
0xea: {  	s31 =	sld [smem:$0x7F1]  }
0xeb: {  	[sflag:s20] =	ssyncset.done $0x0  }
0xec: {  	s0 =	sld [smem:$0x7F2];
	[sflag:s20] =	ssyncadd.s32 $0xFFFFFFB0  }
0xed: {  	[tilespmem:s24], [sflag:$0x6] =	stream.indirect.gather.add.f32 [spmem:s2], $0x1, s31, s14, $0xb8;
	[tilespmem:$0x4C70] =	vst v63  }
0xee: {  	s24 =	simm.s32 $0x2640  }
0xef: {  	[tilespmem:s24], [sflag:$0x3] =	stream.indirect.gather [spmem:s1], $0x1, s0, s14, $0xb8;
	[tilespmem:$0x4C70] =	vst v63  }
0xf0: {  	_ =	swait.ge [sflag:s15], $0x50  }
0xf1: {  	[sflag:s15] =	ssyncset.done $0x0  }
0xf2: {  	[sflag:s15] =	ssyncadd.s32 $0xFFFFFFB0  }
0xf3: {  	_ =	swait.ge [sflag:s18], $0x50  }
0xf4: {  	s29 =	sld [smem:$0x7F3]  }
0xf5: {  	[sflag:s18] =	ssyncset.done $0x0  }
0xf6: {  	s30 =	sld [smem:$0x7F4];
	[sflag:s18] =	ssyncadd.s32 $0xFFFFFFB0  }
0xf7: {  	[tilespmem:s23], [sflag:$0x4] =	stream.indirect.gather.add.f32 [spmem:s2], $0x1, s29, s14, $0xb8;
	[tilespmem:$0x4C70] =	vst v63  }
0xf8: {  	s23 =	simm.s32 $0x2690  }
0xf9: {  	[tilespmem:s23], [sflag:$0x1] =	stream.indirect.gather [spmem:s1], $0x1, s30, s14, $0xb8;
	[tilespmem:$0x4C70] =	vst v63  }
0xfa: {  	_ =	swait.ge [sflag:s16], $0x50  }
0xfb: {  	[sflag:s16] =	ssyncset.done $0x0  }
0xfc: {  	[sflag:s16] =	ssyncadd.s32 $0xFFFFFFB0  }
0xfd: {  	_ =	swait.ge [sflag:s19], $0x50  }
0xfe: {  	s31 =	sld [smem:$0x7F5]  }
0xff: {  	[sflag:s19] =	ssyncset.done $0x0  }
0x100: {  	s0 =	sld [smem:$0x7F6];
	[sflag:s19] =	ssyncadd.s32 $0xFFFFFFB0  }
0x101: {  	[tilespmem:s25], [sflag:$0x5] =	stream.indirect.gather.add.f32 [spmem:s2], $0x1, s31, s14, $0xb8;
	[tilespmem:$0x4C70] =	vst v63  }
0x102: {  	s25 =	simm.s32 $0x26E0  }
0x103: {  	[tilespmem:s25], [sflag:$0x2] =	stream.indirect.gather [spmem:s1], $0x1, s0, s14, $0xb8;
	[tilespmem:$0x4C70] =	vst v63  }
0x104: {  	_ =	swait.ge [sflag:s17], $0x50  }
0x105: {  	[sflag:s17] =	ssyncset.done $0x0  }
0x106: {  	[sflag:s17] =	ssyncadd.s32 $0xFFFFFFB0  }
0x107: {  	_ =	swait.ge [sflag:s20], $0x50  }
0x108: {  	s29 =	sld [smem:$0x7F7]  }
0x109: {  	[sflag:s20] =	ssyncset.done $0x0  }
0x10a: {  	s30 =	sld [smem:$0x7F8];
	[sflag:s20] =	ssyncadd.s32 $0xFFFFFFB0  }
0x10b: {  	[tilespmem:s24], [sflag:$0x6] =	stream.indirect.gather.add.f32 [spmem:s2], $0x1, s29, s14, $0xb8;
	[tilespmem:$0x4C70] =	vst v63  }
0x10c: {  	s31 =	simm.s32 $0x2730  }
0x10d: {  	[tilespmem:s31], [sflag:$0x3] =	stream.indirect.gather [spmem:s1], $0x1, s30, s14, $0xb8;
	[tilespmem:$0x4C70] =	vst v63  }
0x10e: {  	_ =	swait.ge [sflag:s15], $0x50  }
0x10f: {  	[sflag:s15] =	ssyncset.done $0x0  }
0x110: {  	[sflag:s15] =	ssyncadd.s32 $0xFFFFFFB0  }
0x111: {  	_ =	swait.ge [sflag:s18], $0x50  }
0x112: {  	s0 =	sld [smem:$0x7F9]  }
0x113: {  	[sflag:s18] =	ssyncset.done $0x0  }
0x114: {  	[sflag:s18] =	ssyncadd.s32 $0xFFFFFFB0  }
0x115: {  	[tilespmem:s23], [sflag:$0x4] =	stream.indirect.gather.add.f32 [spmem:s2], $0x1, s0, s14, $0xb8;
	[tilespmem:$0x4C70] =	vst v63  }
0x116: {  	_ =	swait.ge [sflag:s16], $0x50  }
0x117: {  	[sflag:s16] =	ssyncset.done $0x0  }
0x118: {  	[sflag:s16] =	ssyncadd.s32 $0xFFFFFFB0  }
0x119: {  	_ =	swait.ge [sflag:s19], $0x50  }
0x11a: {  	s26 =	sld [smem:$0x7FA]  }
0x11b: {  	[sflag:s19] =	ssyncset.done $0x0  }
0x11c: {  	[sflag:s19] =	ssyncadd.s32 $0xFFFFFFB0  }
0x11d: {  	[tilespmem:s25], [sflag:$0x5] =	stream.indirect.gather.add.f32 [spmem:s2], $0x1, s26, s14, $0xb8;
	[tilespmem:$0x4C70] =	vst v63  }
0x11e: {  	_ =	swait.ge [sflag:s17], $0x50  }
0x11f: {  	[sflag:s17] =	ssyncset.done $0x0  }
0x120: {  	[sflag:s17] =	ssyncadd.s32 $0xFFFFFFB0  }
0x121: {  	_ =	swait.ge [sflag:s20], $0x50  }
0x122: {  	s28 =	sld [smem:$0x7FB]  }
0x123: {  	[sflag:s20] =	ssyncset.done $0x0  }
0x124: {  	s29 =	sld [smem:$0x7FC];
	[sflag:s20] =	ssyncadd.s32 $0xFFFFFFB0  }
0x125: {  	[tilespmem:s31], [sflag:$0x6] =	stream.indirect.gather.add.f32 [spmem:s2], $0x1, s28, s14, $0xb8;
	[tilespmem:$0x4C70] =	vst v63  }
0x126: {  	s30 =	simm.s32 $0x2780  }
0x127: {  	[tilespmem:s30], [sflag:$0x1] =	stream.indirect.gather [spmem:s1], $0x1, s29, s14, $0xb8;
	[tilespmem:$0x4C70] =	vst v63  }
0x128: {  	_ =	swait.ge [sflag:s15], $0x50  }
0x129: {  	[sflag:s15] =	ssyncset.done $0x0  }
0x12a: {  	[sflag:s15] =	ssyncadd.s32 $0xFFFFFFB0  }
0x12b: {  	_ =	swait.ge [sflag:s18], $0x50  }
0x12c: {  	s31 =	sld [smem:$0x7FD]  }
0x12d: {  	[sflag:s18] =	ssyncset.done $0x0  }
0x12e: {  	[sflag:s18] =	ssyncadd.s32 $0xFFFFFFB0  }
0x12f: {  	[tilespmem:s30], [sflag:$0x4] =	stream.indirect.gather.add.f32 [spmem:s2], $0x1, s31, s14, $0xb8;
	[tilespmem:$0x4C70] =	vst v63  }
0x130: {  	_ =	swait.ge [sflag:s19], $0x50  }
0x131: {  	[sflag:s19] =	ssyncset.done $0x0  }
0x132: {  	[sflag:s19] =	ssyncadd.s32 $0xFFFFFFB0  }
0x133: {  	_ =	swait.ge [sflag:s20], $0x50  }
0x134: {  	[sflag:s20] =	ssyncset.done $0x0  }
0x135: {  	[sflag:s20] =	ssyncadd.s32 $0xFFFFFFB0  }
0x136: {  	s24 =	smov.u32 s8;
	_ =	swait.ge [sflag:s18], $0x50  }
0x137: {  	s23 =	simm.s32 $0x1F40;
	s25 =	smov.u32 s9;
	[sflag:s18] =	ssyncset.done $0x0  }
.LBB2_2:
0x138: {  	[sflag:s18] =	ssyncadd.s32 $0xFFFFFFB0;
	s25 =	sadd.s32 $0x200, s25  }
0x139: {  	[tilespmem:s3], [sflag:$0x7] =	stream.linear.gather [hbm4b:s25+s3], $0xC80, $0x38;
	[tilespmem:$0x4C70] =	vst v63  }
0x13a: {  	_ =	swait.ge [sflag:s12], $0xC80  }
0x13b: {  	[sflag:s12] =	ssyncset.done $0x0  }
0x13c: {  	s24 =	sadd.s32 $0x200, s24;
	[sflag:s12] =	ssyncadd.s32 $0xFFFFF380  }
0x13d: {  	[tilespmem:s13], [sflag:$0x7] =	stream.linear.gather [hbm4b:s24+s3], $0xC80, $0x38;
	[tilespmem:$0x4C70] =	vst v63  }
0x13e: {  	s26 =	smov.u32 s23;
	_ =	swait.ge [sflag:s12], $0xC80  }
0x13f: {  	s26 =	sshra.s32 s26, $0x2;
	[sflag:s12] =	ssyncset.done $0x0  }
0x140: {  	s28 =	sadd.s32 $0x2000, s26;
	[sflag:s12] =	ssyncadd.s32 $0xFFFFF380  }
0x141: {  	[tilespmem:s28], [sflag:$0x1] =	stream.indirect.gather [spmem:s1], $0x1, s3, s14, $0xb8;
	[tilespmem:$0x4C70] =	vst v63  }
0x142: {  	s30 =	sadd.s32 $0x2050, s26;
	s29 =	rddreg [dreg:$0x5]  }
0x143: {  	[tilespmem:s30], [sflag:$0x2] =	stream.indirect.gather [spmem:s1], $0x1, s29, s14, $0xb8;
	[tilespmem:$0x4C70] =	vst v63  }
0x144: {  	s31 =	rddreg [dreg:$0x6];
	s29 =	sadd.s32 $0x20A0, s26  }
0x145: {  	[tilespmem:s29], [sflag:$0x3] =	stream.indirect.gather [spmem:s1], $0x1, s31, s14, $0xb8;
	[tilespmem:$0x4C70] =	vst v63  }
0x146: {  	_ =	swait.ge [sflag:s15], $0x50  }
0x147: {  	[sflag:s15] =	ssyncset.done $0x0  }
0x148: {  	[sflag:s15] =	ssyncadd.s32 $0xFFFFFFB0  }
0x149: {  	[tilespmem:s28], [sflag:$0x4] =	stream.indirect.gather.add.f32 [spmem:s2], $0x1, s13, s14, $0xb8;
	[tilespmem:$0x4C70] =	vst v63  }
0x14a: {  	s0 =	rddreg [dreg:$0x7];
	s28 =	sadd.s32 $0x20F0, s26  }
0x14b: {  	[tilespmem:s28], [sflag:$0x1] =	stream.indirect.gather [spmem:s1], $0x1, s0, s14, $0xb8;
	[tilespmem:$0x4C70] =	vst v63  }
0x14c: {  	_ =	swait.ge [sflag:s16], $0x50  }
0x14d: {  	[sflag:s16] =	ssyncset.done $0x0  }
0x14e: {  	s31 =	rddreg [dreg:$0x8];
	[sflag:s16] =	ssyncadd.s32 $0xFFFFFFB0  }
0x14f: {  	[tilespmem:s30], [sflag:$0x5] =	stream.indirect.gather.add.f32 [spmem:s2], $0x1, s31, s14, $0xb8;
	[tilespmem:$0x4C70] =	vst v63  }
0x150: {  	s0 =	rddreg [dreg:$0x9];
	s30 =	sadd.s32 $0x2140, s26  }
0x151: {  	[tilespmem:s30], [sflag:$0x2] =	stream.indirect.gather [spmem:s1], $0x1, s0, s14, $0xb8;
	[tilespmem:$0x4C70] =	vst v63  }
0x152: {  	_ =	swait.ge [sflag:s17], $0x50  }
0x153: {  	[sflag:s17] =	ssyncset.done $0x0  }
0x154: {  	s0 =	rddreg [dreg:$0xa];
	[sflag:s17] =	ssyncadd.s32 $0xFFFFFFB0  }
0x155: {  	[tilespmem:s29], [sflag:$0x6] =	stream.indirect.gather.add.f32 [spmem:s2], $0x1, s0, s14, $0xb8;
	[tilespmem:$0x4C70] =	vst v63  }
0x156: {  	s31 =	rddreg [dreg:$0xb];
	s0 =	sadd.s32 $0x2190, s26  }
0x157: {  	[tilespmem:s0], [sflag:$0x3] =	stream.indirect.gather [spmem:s1], $0x1, s31, s14, $0xb8;
	[tilespmem:$0x4C70] =	vst v63  }
0x158: {  	_ =	swait.ge [sflag:s15], $0x50  }
0x159: {  	[sflag:s15] =	ssyncset.done $0x0  }
0x15a: {  	[sflag:s15] =	ssyncadd.s32 $0xFFFFFFB0  }
0x15b: {  	_ =	swait.ge [sflag:s18], $0x50  }
0x15c: {  	[sflag:s18] =	ssyncset.done $0x0  }
0x15d: {  	s29 =	rddreg [dreg:$0xc];
	[sflag:s18] =	ssyncadd.s32 $0xFFFFFFB0  }
0x15e: {  	[tilespmem:s28], [sflag:$0x4] =	stream.indirect.gather.add.f32 [spmem:s2], $0x1, s29, s14, $0xb8;
	[tilespmem:$0x4C70] =	vst v63  }
0x15f: {  	s31 =	rddreg [dreg:$0xd];
	s28 =	sadd.s32 $0x21E0, s26  }
0x160: {  	[tilespmem:s28], [sflag:$0x1] =	stream.indirect.gather [spmem:s1], $0x1, s31, s14, $0xb8;
	[tilespmem:$0x4C70] =	vst v63  }
0x161: {  	_ =	swait.ge [sflag:s16], $0x50  }
0x162: {  	[sflag:s16] =	ssyncset.done $0x0  }
0x163: {  	[sflag:s16] =	ssyncadd.s32 $0xFFFFFFB0  }
0x164: {  	_ =	swait.ge [sflag:s19], $0x50  }
0x165: {  	[sflag:s19] =	ssyncset.done $0x0  }
0x166: {  	s29 =	rddreg [dreg:$0xe];
	[sflag:s19] =	ssyncadd.s32 $0xFFFFFFB0  }
0x167: {  	[tilespmem:s30], [sflag:$0x5] =	stream.indirect.gather.add.f32 [spmem:s2], $0x1, s29, s14, $0xb8;
	[tilespmem:$0x4C70] =	vst v63  }
0x168: {  	s31 =	rddreg [dreg:$0xf];
	s29 =	sadd.s32 $0x2230, s26  }
0x169: {  	[tilespmem:s29], [sflag:$0x2] =	stream.indirect.gather [spmem:s1], $0x1, s31, s14, $0xb8;
	[tilespmem:$0x4C70] =	vst v63  }
0x16a: {  	_ =	swait.ge [sflag:s17], $0x50  }
0x16b: {  	[sflag:s17] =	ssyncset.done $0x0  }
0x16c: {  	[sflag:s17] =	ssyncadd.s32 $0xFFFFFFB0  }
0x16d: {  	_ =	swait.ge [sflag:s20], $0x50  }
0x16e: {  	[sflag:s20] =	ssyncset.done $0x0  }
0x16f: {  	s30 =	rddreg [dreg:$0x10];
	[sflag:s20] =	ssyncadd.s32 $0xFFFFFFB0  }
0x170: {  	[tilespmem:s0], [sflag:$0x6] =	stream.indirect.gather.add.f32 [spmem:s2], $0x1, s30, s14, $0xb8;
	[tilespmem:$0x4C70] =	vst v63  }
0x171: {  	s31 =	rddreg [dreg:$0x11];
	s0 =	sadd.s32 $0x2280, s26  }
0x172: {  	[tilespmem:s0], [sflag:$0x3] =	stream.indirect.gather [spmem:s1], $0x1, s31, s14, $0xb8;
	[tilespmem:$0x4C70] =	vst v63  }
0x173: {  	_ =	swait.ge [sflag:s15], $0x50  }
0x174: {  	[sflag:s15] =	ssyncset.done $0x0  }
0x175: {  	[sflag:s15] =	ssyncadd.s32 $0xFFFFFFB0  }
0x176: {  	_ =	swait.ge [sflag:s18], $0x50  }
0x177: {  	[sflag:s18] =	ssyncset.done $0x0  }
0x178: {  	s30 =	rddreg [dreg:$0x12];
	[sflag:s18] =	ssyncadd.s32 $0xFFFFFFB0  }
0x179: {  	[tilespmem:s28], [sflag:$0x4] =	stream.indirect.gather.add.f32 [spmem:s2], $0x1, s30, s14, $0xb8;
	[tilespmem:$0x4C70] =	vst v63  }
0x17a: {  	s31 =	rddreg [dreg:$0x13];
	s28 =	sadd.s32 $0x22D0, s26  }
0x17b: {  	[tilespmem:s28], [sflag:$0x1] =	stream.indirect.gather [spmem:s1], $0x1, s31, s14, $0xb8;
	[tilespmem:$0x4C70] =	vst v63  }
0x17c: {  	_ =	swait.ge [sflag:s16], $0x50  }
0x17d: {  	[sflag:s16] =	ssyncset.done $0x0  }
0x17e: {  	[sflag:s16] =	ssyncadd.s32 $0xFFFFFFB0  }
0x17f: {  	_ =	swait.ge [sflag:s19], $0x50  }
0x180: {  	[sflag:s19] =	ssyncset.done $0x0  }
0x181: {  	s30 =	rddreg [dreg:$0x14];
	[sflag:s19] =	ssyncadd.s32 $0xFFFFFFB0  }
0x182: {  	[tilespmem:s29], [sflag:$0x5] =	stream.indirect.gather.add.f32 [spmem:s2], $0x1, s30, s14, $0xb8;
	[tilespmem:$0x4C70] =	vst v63  }
0x183: {  	s31 =	rddreg [dreg:$0x15];
	s29 =	sadd.s32 $0x2320, s26  }
0x184: {  	[tilespmem:s29], [sflag:$0x2] =	stream.indirect.gather [spmem:s1], $0x1, s31, s14, $0xb8;
	[tilespmem:$0x4C70] =	vst v63  }
0x185: {  	_ =	swait.ge [sflag:s17], $0x50  }
0x186: {  	[sflag:s17] =	ssyncset.done $0x0  }
0x187: {  	[sflag:s17] =	ssyncadd.s32 $0xFFFFFFB0  }
0x188: {  	_ =	swait.ge [sflag:s20], $0x50  }
0x189: {  	[sflag:s20] =	ssyncset.done $0x0  }
0x18a: {  	s30 =	rddreg [dreg:$0x16];
	[sflag:s20] =	ssyncadd.s32 $0xFFFFFFB0  }
0x18b: {  	[tilespmem:s0], [sflag:$0x6] =	stream.indirect.gather.add.f32 [spmem:s2], $0x1, s30, s14, $0xb8;
	[tilespmem:$0x4C70] =	vst v63  }
0x18c: {  	s31 =	rddreg [dreg:$0x17];
	s0 =	sadd.s32 $0x2370, s26  }
0x18d: {  	[tilespmem:s0], [sflag:$0x3] =	stream.indirect.gather [spmem:s1], $0x1, s31, s14, $0xb8;
	[tilespmem:$0x4C70] =	vst v63  }
0x18e: {  	_ =	swait.ge [sflag:s15], $0x50  }
0x18f: {  	[sflag:s15] =	ssyncset.done $0x0  }
0x190: {  	[sflag:s15] =	ssyncadd.s32 $0xFFFFFFB0  }
0x191: {  	_ =	swait.ge [sflag:s18], $0x50  }
0x192: {  	[sflag:s18] =	ssyncset.done $0x0  }
0x193: {  	s30 =	rddreg [dreg:$0x18];
	[sflag:s18] =	ssyncadd.s32 $0xFFFFFFB0  }
0x194: {  	[tilespmem:s28], [sflag:$0x4] =	stream.indirect.gather.add.f32 [spmem:s2], $0x1, s30, s14, $0xb8;
	[tilespmem:$0x4C70] =	vst v63  }
0x195: {  	s31 =	rddreg [dreg:$0x19];
	s28 =	sadd.s32 $0x23C0, s26  }
0x196: {  	[tilespmem:s28], [sflag:$0x1] =	stream.indirect.gather [spmem:s1], $0x1, s31, s14, $0xb8;
	[tilespmem:$0x4C70] =	vst v63  }
0x197: {  	_ =	swait.ge [sflag:s16], $0x50  }
0x198: {  	[sflag:s16] =	ssyncset.done $0x0  }
0x199: {  	[sflag:s16] =	ssyncadd.s32 $0xFFFFFFB0  }
0x19a: {  	_ =	swait.ge [sflag:s19], $0x50  }
0x19b: {  	[sflag:s19] =	ssyncset.done $0x0  }
0x19c: {  	s30 =	rddreg [dreg:$0x1a];
	[sflag:s19] =	ssyncadd.s32 $0xFFFFFFB0  }
0x19d: {  	[tilespmem:s29], [sflag:$0x5] =	stream.indirect.gather.add.f32 [spmem:s2], $0x1, s30, s14, $0xb8;
	[tilespmem:$0x4C70] =	vst v63  }
0x19e: {  	s31 =	rddreg [dreg:$0x1b];
	s29 =	sadd.s32 $0x2410, s26  }
0x19f: {  	[tilespmem:s29], [sflag:$0x2] =	stream.indirect.gather [spmem:s1], $0x1, s31, s14, $0xb8;
	[tilespmem:$0x4C70] =	vst v63  }
0x1a0: {  	_ =	swait.ge [sflag:s17], $0x50  }
0x1a1: {  	[sflag:s17] =	ssyncset.done $0x0  }
0x1a2: {  	[sflag:s17] =	ssyncadd.s32 $0xFFFFFFB0  }
0x1a3: {  	_ =	swait.ge [sflag:s20], $0x50  }
0x1a4: {  	[sflag:s20] =	ssyncset.done $0x0  }
0x1a5: {  	s30 =	rddreg [dreg:$0x1c];
	[sflag:s20] =	ssyncadd.s32 $0xFFFFFFB0  }
0x1a6: {  	[tilespmem:s0], [sflag:$0x6] =	stream.indirect.gather.add.f32 [spmem:s2], $0x1, s30, s14, $0xb8;
	[tilespmem:$0x4C70] =	vst v63  }
0x1a7: {  	s31 =	rddreg [dreg:$0x1d];
	s0 =	sadd.s32 $0x2460, s26  }
0x1a8: {  	[tilespmem:s0], [sflag:$0x3] =	stream.indirect.gather [spmem:s1], $0x1, s31, s14, $0xb8;
	[tilespmem:$0x4C70] =	vst v63  }
0x1a9: {  	_ =	swait.ge [sflag:s15], $0x50  }
0x1aa: {  	[sflag:s15] =	ssyncset.done $0x0  }
0x1ab: {  	[sflag:s15] =	ssyncadd.s32 $0xFFFFFFB0  }
0x1ac: {  	_ =	swait.ge [sflag:s18], $0x50  }
0x1ad: {  	[sflag:s18] =	ssyncset.done $0x0  }
0x1ae: {  	s30 =	rddreg [dreg:$0x1e];
	[sflag:s18] =	ssyncadd.s32 $0xFFFFFFB0  }
0x1af: {  	[tilespmem:s28], [sflag:$0x4] =	stream.indirect.gather.add.f32 [spmem:s2], $0x1, s30, s14, $0xb8;
	[tilespmem:$0x4C70] =	vst v63  }
0x1b0: {  	s31 =	rddreg [dreg:$0x1f];
	s28 =	sadd.s32 $0x24B0, s26  }
0x1b1: {  	[tilespmem:s28], [sflag:$0x1] =	stream.indirect.gather [spmem:s1], $0x1, s31, s14, $0xb8;
	[tilespmem:$0x4C70] =	vst v63  }
0x1b2: {  	_ =	swait.ge [sflag:s16], $0x50  }
0x1b3: {  	[sflag:s16] =	ssyncset.done $0x0  }
0x1b4: {  	[sflag:s16] =	ssyncadd.s32 $0xFFFFFFB0  }
0x1b5: {  	_ =	swait.ge [sflag:s19], $0x50  }
0x1b6: {  	s30 =	sld [smem:$0x7E9]  }
0x1b7: {  	[sflag:s19] =	ssyncset.done $0x0  }
0x1b8: {  	s31 =	sld [smem:$0x7EA];
	[sflag:s19] =	ssyncadd.s32 $0xFFFFFFB0  }
0x1b9: {  	[tilespmem:s29], [sflag:$0x5] =	stream.indirect.gather.add.f32 [spmem:s2], $0x1, s30, s14, $0xb8;
	[tilespmem:$0x4C70] =	vst v63  }
0x1ba: {  	s29 =	sadd.s32 $0x2500, s26  }
0x1bb: {  	[tilespmem:s29], [sflag:$0x2] =	stream.indirect.gather [spmem:s1], $0x1, s31, s14, $0xb8;
	[tilespmem:$0x4C70] =	vst v63  }
0x1bc: {  	_ =	swait.ge [sflag:s17], $0x50  }
0x1bd: {  	[sflag:s17] =	ssyncset.done $0x0  }
0x1be: {  	[sflag:s17] =	ssyncadd.s32 $0xFFFFFFB0  }
0x1bf: {  	_ =	swait.ge [sflag:s20], $0x50  }
0x1c0: {  	s30 =	sld [smem:$0x7EB]  }
0x1c1: {  	[sflag:s20] =	ssyncset.done $0x0  }
0x1c2: {  	s31 =	sld [smem:$0x7EC];
	[sflag:s20] =	ssyncadd.s32 $0xFFFFFFB0  }
0x1c3: {  	[tilespmem:s0], [sflag:$0x6] =	stream.indirect.gather.add.f32 [spmem:s2], $0x1, s30, s14, $0xb8;
	[tilespmem:$0x4C70] =	vst v63  }
0x1c4: {  	s0 =	sadd.s32 $0x2550, s26  }
0x1c5: {  	[tilespmem:s0], [sflag:$0x3] =	stream.indirect.gather [spmem:s1], $0x1, s31, s14, $0xb8;
	[tilespmem:$0x4C70] =	vst v63  }
0x1c6: {  	_ =	swait.ge [sflag:s15], $0x50  }
0x1c7: {  	[sflag:s15] =	ssyncset.done $0x0  }
0x1c8: {  	[sflag:s15] =	ssyncadd.s32 $0xFFFFFFB0  }
0x1c9: {  	_ =	swait.ge [sflag:s18], $0x50  }
0x1ca: {  	s30 =	sld [smem:$0x7ED]  }
0x1cb: {  	[sflag:s18] =	ssyncset.done $0x0  }
0x1cc: {  	s31 =	sld [smem:$0x7EE];
	[sflag:s18] =	ssyncadd.s32 $0xFFFFFFB0  }
0x1cd: {  	[tilespmem:s28], [sflag:$0x4] =	stream.indirect.gather.add.f32 [spmem:s2], $0x1, s30, s14, $0xb8;
	[tilespmem:$0x4C70] =	vst v63  }
0x1ce: {  	s28 =	sadd.s32 $0x25A0, s26  }
0x1cf: {  	[tilespmem:s28], [sflag:$0x1] =	stream.indirect.gather [spmem:s1], $0x1, s31, s14, $0xb8;
	[tilespmem:$0x4C70] =	vst v63  }
0x1d0: {  	_ =	swait.ge [sflag:s16], $0x50  }
0x1d1: {  	[sflag:s16] =	ssyncset.done $0x0  }
0x1d2: {  	[sflag:s16] =	ssyncadd.s32 $0xFFFFFFB0  }
0x1d3: {  	_ =	swait.ge [sflag:s19], $0x50  }
0x1d4: {  	s30 =	sld [smem:$0x7EF]  }
0x1d5: {  	[sflag:s19] =	ssyncset.done $0x0  }
0x1d6: {  	s31 =	sld [smem:$0x7F0];
	[sflag:s19] =	ssyncadd.s32 $0xFFFFFFB0  }
0x1d7: {  	[tilespmem:s29], [sflag:$0x5] =	stream.indirect.gather.add.f32 [spmem:s2], $0x1, s30, s14, $0xb8;
	[tilespmem:$0x4C70] =	vst v63  }
0x1d8: {  	s29 =	sadd.s32 $0x25F0, s26  }
0x1d9: {  	[tilespmem:s29], [sflag:$0x2] =	stream.indirect.gather [spmem:s1], $0x1, s31, s14, $0xb8;
	[tilespmem:$0x4C70] =	vst v63  }
0x1da: {  	_ =	swait.ge [sflag:s17], $0x50  }
0x1db: {  	[sflag:s17] =	ssyncset.done $0x0  }
0x1dc: {  	[sflag:s17] =	ssyncadd.s32 $0xFFFFFFB0  }
0x1dd: {  	_ =	swait.ge [sflag:s20], $0x50  }
0x1de: {  	s30 =	sld [smem:$0x7F1]  }
0x1df: {  	[sflag:s20] =	ssyncset.done $0x0  }
0x1e0: {  	s31 =	sld [smem:$0x7F2];
	[sflag:s20] =	ssyncadd.s32 $0xFFFFFFB0  }
0x1e1: {  	[tilespmem:s0], [sflag:$0x6] =	stream.indirect.gather.add.f32 [spmem:s2], $0x1, s30, s14, $0xb8;
	[tilespmem:$0x4C70] =	vst v63  }
0x1e2: {  	s0 =	sadd.s32 $0x2640, s26  }
0x1e3: {  	[tilespmem:s0], [sflag:$0x3] =	stream.indirect.gather [spmem:s1], $0x1, s31, s14, $0xb8;
	[tilespmem:$0x4C70] =	vst v63  }
0x1e4: {  	_ =	swait.ge [sflag:s15], $0x50  }
0x1e5: {  	[sflag:s15] =	ssyncset.done $0x0  }
0x1e6: {  	[sflag:s15] =	ssyncadd.s32 $0xFFFFFFB0  }
0x1e7: {  	_ =	swait.ge [sflag:s18], $0x50  }
0x1e8: {  	s30 =	sld [smem:$0x7F3]  }
0x1e9: {  	[sflag:s18] =	ssyncset.done $0x0  }
0x1ea: {  	s31 =	sld [smem:$0x7F4];
	[sflag:s18] =	ssyncadd.s32 $0xFFFFFFB0  }
0x1eb: {  	[tilespmem:s28], [sflag:$0x4] =	stream.indirect.gather.add.f32 [spmem:s2], $0x1, s30, s14, $0xb8;
	[tilespmem:$0x4C70] =	vst v63  }
0x1ec: {  	s28 =	sadd.s32 $0x2690, s26  }
0x1ed: {  	[tilespmem:s28], [sflag:$0x1] =	stream.indirect.gather [spmem:s1], $0x1, s31, s14, $0xb8;
	[tilespmem:$0x4C70] =	vst v63  }
0x1ee: {  	_ =	swait.ge [sflag:s16], $0x50  }
0x1ef: {  	[sflag:s16] =	ssyncset.done $0x0  }
0x1f0: {  	[sflag:s16] =	ssyncadd.s32 $0xFFFFFFB0  }
0x1f1: {  	_ =	swait.ge [sflag:s19], $0x50  }
0x1f2: {  	s30 =	sld [smem:$0x7F5]  }
0x1f3: {  	[sflag:s19] =	ssyncset.done $0x0  }
0x1f4: {  	s31 =	sld [smem:$0x7F6];
	[sflag:s19] =	ssyncadd.s32 $0xFFFFFFB0  }
0x1f5: {  	[tilespmem:s29], [sflag:$0x5] =	stream.indirect.gather.add.f32 [spmem:s2], $0x1, s30, s14, $0xb8;
	[tilespmem:$0x4C70] =	vst v63  }
0x1f6: {  	s29 =	sadd.s32 $0x26E0, s26  }
0x1f7: {  	[tilespmem:s29], [sflag:$0x2] =	stream.indirect.gather [spmem:s1], $0x1, s31, s14, $0xb8;
	[tilespmem:$0x4C70] =	vst v63  }
0x1f8: {  	_ =	swait.ge [sflag:s17], $0x50  }
0x1f9: {  	[sflag:s17] =	ssyncset.done $0x0  }
0x1fa: {  	[sflag:s17] =	ssyncadd.s32 $0xFFFFFFB0  }
0x1fb: {  	_ =	swait.ge [sflag:s20], $0x50  }
0x1fc: {  	s30 =	sld [smem:$0x7F7]  }
0x1fd: {  	[sflag:s20] =	ssyncset.done $0x0  }
0x1fe: {  	s31 =	sld [smem:$0x7F8];
	[sflag:s20] =	ssyncadd.s32 $0xFFFFFFB0  }
0x1ff: {  	[tilespmem:s0], [sflag:$0x6] =	stream.indirect.gather.add.f32 [spmem:s2], $0x1, s30, s14, $0xb8;
	[tilespmem:$0x4C70] =	vst v63  }
0x200: {  	s0 =	sadd.s32 $0x2730, s26  }
0x201: {  	[tilespmem:s0], [sflag:$0x3] =	stream.indirect.gather [spmem:s1], $0x1, s31, s14, $0xb8;
	[tilespmem:$0x4C70] =	vst v63  }
0x202: {  	_ =	swait.ge [sflag:s15], $0x50  }
0x203: {  	[sflag:s15] =	ssyncset.done $0x0  }
0x204: {  	[sflag:s15] =	ssyncadd.s32 $0xFFFFFFB0  }
0x205: {  	_ =	swait.ge [sflag:s18], $0x50  }
0x206: {  	s31 =	sld [smem:$0x7F9]  }
0x207: {  	[sflag:s18] =	ssyncset.done $0x0  }
0x208: {  	[sflag:s18] =	ssyncadd.s32 $0xFFFFFFB0  }
0x209: {  	[tilespmem:s28], [sflag:$0x4] =	stream.indirect.gather.add.f32 [spmem:s2], $0x1, s31, s14, $0xb8;
	[tilespmem:$0x4C70] =	vst v63  }
0x20a: {  	_ =	swait.ge [sflag:s16], $0x50  }
0x20b: {  	[sflag:s16] =	ssyncset.done $0x0  }
0x20c: {  	[sflag:s16] =	ssyncadd.s32 $0xFFFFFFB0  }
0x20d: {  	_ =	swait.ge [sflag:s19], $0x50  }
0x20e: {  	s31 =	sld [smem:$0x7FA]  }
0x20f: {  	[sflag:s19] =	ssyncset.done $0x0  }
0x210: {  	[sflag:s19] =	ssyncadd.s32 $0xFFFFFFB0  }
0x211: {  	[tilespmem:s29], [sflag:$0x5] =	stream.indirect.gather.add.f32 [spmem:s2], $0x1, s31, s14, $0xb8;
	[tilespmem:$0x4C70] =	vst v63  }
0x212: {  	_ =	swait.ge [sflag:s17], $0x50  }
0x213: {  	[sflag:s17] =	ssyncset.done $0x0  }
0x214: {  	[sflag:s17] =	ssyncadd.s32 $0xFFFFFFB0  }
0x215: {  	_ =	swait.ge [sflag:s20], $0x50  }
0x216: {  	s30 =	sld [smem:$0x7FB]  }
0x217: {  	[sflag:s20] =	ssyncset.done $0x0  }
0x218: {  	s31 =	sld [smem:$0x7FC];
	[sflag:s20] =	ssyncadd.s32 $0xFFFFFFB0  }
0x219: {  	[tilespmem:s0], [sflag:$0x6] =	stream.indirect.gather.add.f32 [spmem:s2], $0x1, s30, s14, $0xb8;
	[tilespmem:$0x4C70] =	vst v63  }
0x21a: {  	s30 =	sadd.s32 $0x2780, s26  }
0x21b: {  	[tilespmem:s30], [sflag:$0x1] =	stream.indirect.gather [spmem:s1], $0x1, s31, s14, $0xb8;
	[tilespmem:$0x4C70] =	vst v63  }
0x21c: {  	_ =	swait.ge [sflag:s15], $0x50  }
0x21d: {  	[sflag:s15] =	ssyncset.done $0x0  }
0x21e: {  	[sflag:s15] =	ssyncadd.s32 $0xFFFFFFB0  }
0x21f: {  	_ =	swait.ge [sflag:s18], $0x50  }
0x220: {  	s31 =	sld [smem:$0x7FD]  }
0x221: {  	[sflag:s18] =	ssyncset.done $0x0  }
0x222: {  	[sflag:s18] =	ssyncadd.s32 $0xFFFFFFB0  }
0x223: {  	[tilespmem:s30], [sflag:$0x4] =	stream.indirect.gather.add.f32 [spmem:s2], $0x1, s31, s14, $0xb8;
	[tilespmem:$0x4C70] =	vst v63  }
0x224: {  	_ =	swait.ge [sflag:s19], $0x50  }
0x225: {  	[sflag:s19] =	ssyncset.done $0x0  }
0x226: {  	p1 =	sne.s32 s23, $0x7D00;
	[sflag:s19] =	ssyncadd.s32 $0xFFFFFFB0  }
.Ltmp0:
0x227: {  	_ =	swait.ge [sflag:s20], $0x50;
	(pc) =	sbr.rel @p1 .LBB2_2-.Ltmp0, $4  }
0x228: {  	[sflag:s20] =	ssyncset.done $0x0  }
0x229: {  	[sflag:s20] =	ssyncadd.s32 $0xFFFFFFB0  }
0x22a: {  	_ =	swait.ge [sflag:s18], $0x50  }
0x22b: {  	s23 =	sadd.s32 $0x1F40, s23;
	[sflag:s18] =	ssyncset.done $0x0  }
0x22c: {  	s22 =	sadd.s32 $0x1, s22  }
0x22d: {  	p1 =	sne.s32 s22, s7  }
.Ltmp1:
0x22e: {  	[sflag:s18] =	ssyncadd.s32 $0xFFFFFFB0;
	(pc) =	sbr.rel @p1 .LBB2_1-.Ltmp1, $4  }
0x22f: {  	[hbm4b:s6+s3] =	stream.linear.scatter [tilespmem:s21], [sflag:$0x7], $0x2710, $0x38;
	[tilespmem:$0x4C70] =	vst v63  }
0x230: {  	_ =	swait.ge [sflag:s12], $0x2710  }
0x231: {  	[sflag:s12] =	ssyncset.done $0x0  }
0x232: {  	[sflag:s12] =	ssyncadd.s32 $0xFFFFD8F0  }
0x233: {  	_ =	sfence.sel $0x180000  }
0x234: {  	[bflag:$0x0] =	sbarrier.arrive $0xFFFF  }
0x235: {  	_ =	strace $0x9000004A  }
0x236: {  	[bflag:$0x2] =	sbarrier.arrive $0xFFFF  }
0x237: {  	s0 =	rddreg [dreg:$0x4]  }
0x238: {  	s0 =	sadd.s32 @!p0 $0x100000, s0  }
0x239: {  	[sflag:s0] =	ssyncadd.tile.s32 @!p0 $0x1;
	_ =	shalt  }
.Lfunc_end2:
_tile_overlayer_lowered:
.L_overlay_start_2:
0x23a: {  	(tag) =	ssettag $0x2  }
0x23b: {  	s0 =	rddreg [dreg:$0x0];
	s2 =	stileid.u32  }
0x23c: {  	s1 =	rddreg [dreg:$0x1];
	p0 =	sne.s32 s2, $0x0  }
0x23d: {  	s3 =	rddreg [dreg:$0x2];
	[bflag:$0x3] =	sbarrier.arrive $0xFFFF;
	s2 =	simm.s32 @!p0 $0x1C07  }
0x23e: {  	[timem:s3], [sflag:s2] =	dma.local @!p0 [hbm:s0], s1  }
0x23f: {  	s0 =	simm.s32 @!p0 $0x7  }
0x240: {  	_ =	swait.ge @!p0 [sflag:s0], s1  }
0x241: {  	s1 =	ssub.s32 @!p0 $0x0, s1;
	[sflag:s0] =	ssyncset.done @!p0 $0x0  }
0x242: {  	[sflag:s0] =	ssyncadd.s32 @!p0 s1  }
0x243: {  	[bflag:$0x3] =	sbarrier.arrive $0xFFFF  }
0x244: {  	_ =	shalt  }

</sc_bundles>
